<compile_context>
chip_gen: v7x
topology: tpu7x:2x2x1
jax: 0.10.2.dev20260603
libtpu: 0.0.44.dev20260713+nightly
codegen_flags: <defaults>
</compile_context>

<pallas_src>
import functools

import jax
import jax.numpy as jnp
import numpy as np
from jax import lax
from jax.experimental import pallas as pl
from jax.experimental.pallas import tpu as pltpu
from jax.experimental.pallas import tpu_sc as plsc

N = 23
F = N * N
K = 276
L = 16
NC, NS = 2, 16
NW = NC * NS
PIECE = 32
BETA_REP = 4
BLK = 1024

_II, _JJ = np.nonzero(np.arange(N)[:, None] <= np.arange(N)[None, :])
_M = np.zeros((N, K), np.float32)
_M[_II, np.arange(K)] += float(N)
_M[_JJ, np.arange(K)] += 1.0


def _tc_body(x_ref, m_ref, idx_ref):
    i = pl.program_id(0)
    X = x_ref[...]
    S = X * X
    sumsq = S[:, 0:N]
    for s in range(1, N):
        sumsq = sumsq + S[:, s * N:(s + 1) * N]
    norms = jnp.sqrt(sumsq)
    nT = norms.T
    jio = lax.broadcasted_iota(jnp.int32, (N, BLK), 0)
    rankT = jnp.zeros((N, BLK), jnp.int32)
    for k in range(N):
        nk = nT[k:k + 1, :]
        pre = (nk > nT) | ((nk == nT) & (k < jio))
        rankT = rankT + pre.astype(jnp.int32)
    pT = jnp.zeros((N, BLK), jnp.int32)
    for u in range(N):
        pT = pT + jnp.where(rankT[u:u + 1, :] == jio, u, 0)
    p = pT.T
    idxf = lax.dot_general(p.astype(jnp.float32), m_ref[...],
                           (((1,), (0,)), ((), ())),
                           preferred_element_type=jnp.float32)
    biota = lax.broadcasted_iota(jnp.int32, (BLK, K), 0)
    idx_ref[...] = idxf.astype(jnp.int32) + (i * BLK + biota) * F


def _tc_indices(X2):
    B = X2.shape[0]
    return pl.pallas_call(
        _tc_body,
        grid=(B // BLK,),
        in_specs=[
            pl.BlockSpec((BLK, F), lambda i: (i, 0)),
            pl.BlockSpec((N, K), lambda i: (0, 0)),
        ],
        out_specs=pl.BlockSpec((BLK, K), lambda i: (i, 0)),
        out_shape=jax.ShapeDtypeStruct((B, K), jnp.int32),
    )(X2, jnp.asarray(_M))


def _sc_gather(xf, idxf, beta_rep, invstd_rep, B):
    samp_w = B // NW
    npiece = samp_w // PIECE
    mesh = plsc.VectorSubcoreMesh(core_axis_name="c", subcore_axis_name="s",
                                  num_cores=NC, num_subcores=NS)

    CHX = PIECE * F
    CHI = PIECE * K

    @functools.partial(
        pl.kernel,
        mesh=mesh,
        compiler_params=pltpu.CompilerParams(needs_layout_passes=False),
        out_type=jax.ShapeDtypeStruct((B * K,), jnp.float32),
        scratch_types=[
            pltpu.VMEM((2 * CHX,), jnp.float32),
            pltpu.VMEM((2 * CHI,), jnp.int32),
            pltpu.VMEM((CHI,), jnp.float32),
            pltpu.VMEM((BETA_REP * K,), jnp.float32),
            pltpu.VMEM((L,), jnp.float32),
            pltpu.SemaphoreType.DMA,
        ],
    )
    def k(xf_hbm, idx_hbm, beta_hbm, inv_hbm, out_hbm, xv, iv, ov, bv, sv, sem):
        wid = lax.axis_index("s") * NC + lax.axis_index("c")
        pltpu.sync_copy(beta_hbm, bv)
        pltpu.sync_copy(inv_hbm, sv)
        invstd = sv[...]
        base0 = wid * samp_w
        pltpu.async_copy(xf_hbm.at[pl.ds(base0 * F, CHX)],
                         xv.at[pl.ds(0, CHX)], sem)
        pltpu.async_copy(idx_hbm.at[pl.ds(base0 * K, CHI)],
                         iv.at[pl.ds(0, CHI)], sem)

        def piece(pc, _):
            xo = lax.rem(pc, 2) * CHX
            io = lax.rem(pc, 2) * CHI
            base = wid * samp_w + pc * PIECE
            pltpu.make_async_copy(xf_hbm.at[pl.ds(0, CHX)],
                                  xv.at[pl.ds(xo, CHX)], sem).wait()
            pltpu.make_async_copy(idx_hbm.at[pl.ds(0, CHI)],
                                  iv.at[pl.ds(io, CHI)], sem).wait()

            @pl.when(pc + 1 < npiece)
            def _():
                nbase = base + PIECE
                pltpu.async_copy(xf_hbm.at[pl.ds(nbase * F, CHX)],
                                 xv.at[pl.ds(CHX - xo, CHX)], sem)
                pltpu.async_copy(idx_hbm.at[pl.ds(nbase * K, CHI)],
                                 iv.at[pl.ds(CHI - io, CHI)], sem)

            shift = base * F - xo

            def rep_body(rep, _):
                roff = rep * (BETA_REP * K)
                for c in range(BETA_REP * K // L):
                    off = roff + c * L
                    g = plsc.load_gather(xv, [iv[pl.ds(io + off, L)] - shift])
                    ov[pl.ds(off, L)] = g * invstd + bv[pl.ds(c * L, L)]
                return 0

            lax.fori_loop(0, PIECE * K // (BETA_REP * K), rep_body, 0)
            pltpu.sync_copy(ov, out_hbm.at[pl.ds(base * K, CHI)])
            return 0

        lax.fori_loop(0, npiece, piece, 0)

    return k(xf, idxf, beta_rep, invstd_rep)


def kernel(X, mean, std):
    B = X.shape[0]
    idx = _tc_indices(X.reshape(B, F))
    beta_rep = jnp.tile(-(mean / std), BETA_REP).astype(jnp.float32)
    invstd_rep = jnp.full((L,), 1.0, jnp.float32) / std
    outf = _sc_gather(X.reshape(B * F), idx.reshape(B * K),
                      beta_rep, invstd_rep, B)
    return outf.reshape(B, K)

# --- scband reference (transcript-rebuilt; emitter-appended) ---
"""Pipeline reference for scband-input-sorted-cm-2310692405275 (READ-ONLY COPY).

The authoritative reference and input builder live on the scoring server;
editing this copy changes nothing except your own understanding.
"""

import jax, jax.numpy as jnp
import numpy as np

# Upper-triangular (inclusive) index mask for a 23x23 Coulomb matrix -> 276 entries
TRIUIND = np.flatnonzero((np.arange(23)[:, None] <= np.arange(23)[None, :]).flatten())


def realize(X):
    # X: [B, 23, 23]. For each sample: sort rows/cols by descending column L2 norm,
    # then keep the (inclusive) upper-triangular part flattened.
    norms = jnp.sqrt(jnp.sum(X ** 2, axis=1))          # [B, 23] column norms (sum over dim 0 of each sample)
    inds = jnp.argsort(-norms, axis=-1)                 # [B, 23]
    Xs = jnp.take_along_axis(X, inds[:, :, None], axis=1)
    Xs = jnp.take_along_axis(Xs, inds[:, None, :], axis=2)
    flat = Xs.reshape(X.shape[0], -1)                   # [B, 529]
    return flat[:, TRIUIND]                             # [B, 276]


def setup_inputs(seed: int = 0) -> dict:
    key = jax.random.key(seed)
    k1, k2 = jax.random.split(key)
    # 'dataset' passed to __init__ is only used to derive mean/std buffers
    dataset = jax.random.normal(k1, (4096, 23, 23), dtype=jnp.float32)
    R = realize(dataset)                                # [4096, 276]
    mean = R.mean(axis=0)                               # [276]
    std = jnp.std(R - mean, ddof=1)                     # scalar (torch .std() is unbiased)
    X = jax.random.normal(k2, (16384, 23, 23), dtype=jnp.float32)
    return {"X": X, "mean": mean, "std": std}


def reference(X, mean, std):
    X_realized = realize(X)
    X_normalized = (X_realized - mean) / std
    return X_normalized

if __name__ == "__main__":
    import jax
    _d = setup_inputs()
    print(jax.jit(kernel)(*tuple(_d.values())))

</pallas_src>

<mosaic_0001>
#map = affine_map<(d0, d1) -> (0)>
module attributes {stable_mosaic.version = 14 : i64} {
  func.func @k(%arg0: i32, %arg1: i32, %arg2: memref<8667136xf32, #tpu.memory_space<hbm>>, %arg3: memref<4521984xi32, #tpu.memory_space<hbm>>, %arg4: memref<1104xf32, #tpu.memory_space<hbm>>, %arg5: memref<16xf32, #tpu.memory_space<hbm>>, %arg6: memref<4521984xf32, #tpu.memory_space<hbm>>, %arg7: memref<33856xf32, #tpu.memory_space<vmem>>, %arg8: memref<17664xi32, #tpu.memory_space<vmem>>, %arg9: memref<8832xf32, #tpu.memory_space<vmem>>, %arg10: memref<1104xf32, #tpu.memory_space<vmem>>, %arg11: memref<16xf32, #tpu.memory_space<vmem>>, %arg12: memref<!tpu.dma_semaphore, #tpu.memory_space<semaphore_mem>>) attributes {dimension_semantics = [#tpu.dimension_semantics<core_parallel>, #tpu.dimension_semantics<subcore_parallel>], iteration_bounds = array<i64: 2, 16>, scalar_prefetch = 0 : i64, scratch_operands = 6 : i64, tpu.core_type = #tpu.core_type<sc_vector_subcore>, window_params = [{transform_indices = #map}, {transform_indices = #map}, {transform_indices = #map}, {transform_indices = #map}, {transform_indices = #map}]} {
    %mul3A = arith.constant 2 : i32
    %mul3A_0 = arith.muli %arg1, %mul3A : i32
    %add3A = arith.addi %mul3A_0, %arg0 : i32
    "tpu.region"() ({
      %run_scoped3A = tpu.sem_alloc : memref<!tpu.dma_semaphore, #tpu.memory_space<semaphore_mem>>
      tpu.enqueue_dma source(%arg4 : memref<1104xf32, #tpu.memory_space<hbm>>) target(%arg10 : memref<1104xf32, #tpu.memory_space<vmem>>) target_semaphore(%run_scoped3A : memref<!tpu.dma_semaphore, #tpu.memory_space<semaphore_mem>>)
      tpu.wait_dma2 semaphore(%run_scoped3A : memref<!tpu.dma_semaphore, #tpu.memory_space<semaphore_mem>>) src(%arg4 : memref<1104xf32, #tpu.memory_space<hbm>>) dst(%arg10 : memref<1104xf32, #tpu.memory_space<vmem>>)
      tpu.yield
    }) : () -> ()
    "tpu.region"() ({
      %run_scoped3A = tpu.sem_alloc : memref<!tpu.dma_semaphore, #tpu.memory_space<semaphore_mem>>
      tpu.enqueue_dma source(%arg5 : memref<16xf32, #tpu.memory_space<hbm>>) target(%arg11 : memref<16xf32, #tpu.memory_space<vmem>>) target_semaphore(%run_scoped3A : memref<!tpu.dma_semaphore, #tpu.memory_space<semaphore_mem>>)
      tpu.wait_dma2 semaphore(%run_scoped3A : memref<!tpu.dma_semaphore, #tpu.memory_space<semaphore_mem>>) src(%arg5 : memref<16xf32, #tpu.memory_space<hbm>>) dst(%arg11 : memref<16xf32, #tpu.memory_space<vmem>>)
      tpu.yield
    }) : () -> ()
    %get3A = arith.constant 0 : index
    %get3A_1 = tpu.vector_load %arg11[%get3A] {strides = array<i32>} : memref<16xf32, #tpu.memory_space<vmem>>, vector<16xf32>,
    %mul3A_2 = arith.constant 512 : i32
    %mul3A_3 = arith.muli %add3A, %mul3A_2 : i32
    %mul3A_4 = arith.constant 529 : i32
    %mul3A_5 = arith.muli %mul3A_3, %mul3A_4 : i32
    %dma_start3A = arith.constant 0 : i32
    %dma_start3A_6 = tpu.memref_slice %arg7[%dma_start3A] : memref<33856xf32, #tpu.memory_space<vmem>> -> memref<16928xf32, #tpu.memory_space<vmem>>
    %dma_start3A_7 = tpu.memref_slice %arg2[%mul3A_5] : memref<8667136xf32, #tpu.memory_space<hbm>> -> memref<16928xf32, #tpu.memory_space<hbm>>
    %dma_start3A_8 = arith.constant 0 : i32
    %dma_start3A_9 = tpu.memref_slice %arg7[%dma_start3A_8] : memref<33856xf32, #tpu.memory_space<vmem>> -> memref<16928xf32, #tpu.memory_space<vmem>>
    %dma_start3A_10 = tpu.memref_slice %arg2[%mul3A_5] : memref<8667136xf32, #tpu.memory_space<hbm>> -> memref<16928xf32, #tpu.memory_space<hbm>>
    tpu.enqueue_dma source(%dma_start3A_10 : memref<16928xf32, #tpu.memory_space<hbm>>) target(%dma_start3A_9 : memref<16928xf32, #tpu.memory_space<vmem>>) target_semaphore(%arg12 : memref<!tpu.dma_semaphore, #tpu.memory_space<semaphore_mem>>)
    %mul3A_11 = arith.constant 276 : i32
    %mul3A_12 = arith.muli %mul3A_3, %mul3A_11 : i32
    %dma_start3A_13 = arith.constant 0 : i32
    %dma_start3A_14 = tpu.memref_slice %arg8[%dma_start3A_13] : memref<17664xi32, #tpu.memory_space<vmem>> -> memref<8832xi32, #tpu.memory_space<vmem>>
    %dma_start3A_15 = tpu.memref_slice %arg3[%mul3A_12] : memref<4521984xi32, #tpu.memory_space<hbm>> -> memref<8832xi32, #tpu.memory_space<hbm>>
    %dma_start3A_16 = arith.constant 0 : i32
    %dma_start3A_17 = tpu.memref_slice %arg8[%dma_start3A_16] : memref<17664xi32, #tpu.memory_space<vmem>> -> memref<8832xi32, #tpu.memory_space<vmem>>
    %dma_start3A_18 = tpu.memref_slice %arg3[%mul3A_12] : memref<4521984xi32, #tpu.memory_space<hbm>> -> memref<8832xi32, #tpu.memory_space<hbm>>
    tpu.enqueue_dma source(%dma_start3A_18 : memref<8832xi32, #tpu.memory_space<hbm>>) target(%dma_start3A_17 : memref<8832xi32, #tpu.memory_space<vmem>>) target_semaphore(%arg12 : memref<!tpu.dma_semaphore, #tpu.memory_space<semaphore_mem>>)
    %scan3A = arith.constant 0 : i32
    %scan3A_19 = arith.constant 0 : i32
    %scan3A_20 = arith.constant 16 : i32
    %scan3A_21 = arith.addi %scan3A_19, %scan3A_20 : i32
    %scan3A_22 = arith.constant 1 : i32
    %scan3A_23 = scf.for %scan3A_25 = %scan3A_19 to %scan3A_21 step %scan3A_22 iter_args(%scan3A_26 = %scan3A) -> (i32)  : i32 {
      %rem3A = arith.constant 2 : i32
      %rem3A_27 = arith.remsi %scan3A_25, %rem3A : i32
      %mul3A_28 = arith.constant 16928 : i32
      %mul3A_29 = arith.muli %rem3A_27, %mul3A_28 : i32
      %rem3A_30 = arith.constant 2 : i32
      %rem3A_31 = arith.remsi %scan3A_25, %rem3A_30 : i32
      %mul3A_32 = arith.constant 8832 : i32
      %mul3A_33 = arith.muli %rem3A_31, %mul3A_32 : i32
      %mul3A_34 = arith.constant 512 : i32
      %mul3A_35 = arith.muli %add3A, %mul3A_34 : i32
      %mul3A_36 = arith.constant 32 : i32
      %mul3A_37 = arith.muli %scan3A_25, %mul3A_36 : i32
      %add3A_38 = arith.addi %mul3A_35, %mul3A_37 : i32
      %dma_wait3A = tpu.memref_slice %arg7[%mul3A_29] : memref<33856xf32, #tpu.memory_space<vmem>> -> memref<16928xf32, #tpu.memory_space<vmem>>
      %dma_wait3A_39 = arith.constant 0 : i32
      %dma_wait3A_40 = tpu.memref_slice %arg2[%dma_wait3A_39] : memref<8667136xf32, #tpu.memory_space<hbm>> -> memref<16928xf32, #tpu.memory_space<hbm>>
      %dma_wait3A_41 = tpu.memref_slice %arg7[%mul3A_29] : memref<33856xf32, #tpu.memory_space<vmem>> -> memref<16928xf32, #tpu.memory_space<vmem>>
      %dma_wait3A_42 = arith.constant 0 : i32
      %dma_wait3A_43 = tpu.memref_slice %arg2[%dma_wait3A_42] : memref<8667136xf32, #tpu.memory_space<hbm>> -> memref<16928xf32, #tpu.memory_space<hbm>>
      tpu.wait_dma2 semaphore(%arg12 : memref<!tpu.dma_semaphore, #tpu.memory_space<semaphore_mem>>) src(%dma_wait3A_43 : memref<16928xf32, #tpu.memory_space<hbm>>) dst(%dma_wait3A_41 : memref<16928xf32, #tpu.memory_space<vmem>>)
      %dma_wait3A_44 = tpu.memref_slice %arg8[%mul3A_33] : memref<17664xi32, #tpu.memory_space<vmem>> -> memref<8832xi32, #tpu.memory_space<vmem>>
      %dma_wait3A_45 = arith.constant 0 : i32
      %dma_wait3A_46 = tpu.memref_slice %arg3[%dma_wait3A_45] : memref<4521984xi32, #tpu.memory_space<hbm>> -> memref<8832xi32, #tpu.memory_space<hbm>>
      %dma_wait3A_47 = tpu.memref_slice %arg8[%mul3A_33] : memref<17664xi32, #tpu.memory_space<vmem>> -> memref<8832xi32, #tpu.memory_space<vmem>>
      %dma_wait3A_48 = arith.constant 0 : i32
      %dma_wait3A_49 = tpu.memref_slice %arg3[%dma_wait3A_48] : memref<4521984xi32, #tpu.memory_space<hbm>> -> memref<8832xi32, #tpu.memory_space<hbm>>
      tpu.wait_dma2 semaphore(%arg12 : memref<!tpu.dma_semaphore, #tpu.memory_space<semaphore_mem>>) src(%dma_wait3A_49 : memref<8832xi32, #tpu.memory_space<hbm>>) dst(%dma_wait3A_47 : memref<8832xi32, #tpu.memory_space<vmem>>)
      %add3A_50 = arith.constant 1 : i32
      %add3A_51 = arith.addi %scan3A_25, %add3A_50 : i32
      %lt3A = arith.constant 16 : i32
      %lt3A_52 = arith.cmpi slt, %add3A_51, %lt3A : i32
      %convert_element_type3A = arith.extui %lt3A_52 : i1 to i32
      %cond3A = arith.constant 0 : i32
      %cond3A_53 = arith.cmpi ne, %convert_element_type3A, %cond3A : i32
      scf.if %cond3A_53 {
        %add3A_66 = arith.constant 32 : i32
        %add3A_67 = arith.addi %add3A_38, %add3A_66 : i32
        %mul3A_68 = arith.constant 529 : i32
        %mul3A_69 = arith.muli %add3A_67, %mul3A_68 : i32
        %sub3A_70 = arith.constant 16928 : i32
        %sub3A_71 = arith.subi %sub3A_70, %mul3A_29 : i32
        %dma_start3A_72 = tpu.memref_slice %arg7[%sub3A_71] : memref<33856xf32, #tpu.memory_space<vmem>> -> memref<16928xf32, #tpu.memory_space<vmem>>
        %dma_start3A_73 = tpu.memref_slice %arg2[%mul3A_69] : memref<8667136xf32, #tpu.memory_space<hbm>> -> memref<16928xf32, #tpu.memory_space<hbm>>
        %dma_start3A_74 = tpu.memref_slice %arg7[%sub3A_71] : memref<33856xf32, #tpu.memory_space<vmem>> -> memref<16928xf32, #tpu.memory_space<vmem>>
        %dma_start3A_75 = tpu.memref_slice %arg2[%mul3A_69] : memref<8667136xf32, #tpu.memory_space<hbm>> -> memref<16928xf32, #tpu.memory_space<hbm>>
        tpu.enqueue_dma source(%dma_start3A_75 : memref<16928xf32, #tpu.memory_space<hbm>>) target(%dma_start3A_74 : memref<16928xf32, #tpu.memory_space<vmem>>) target_semaphore(%arg12 : memref<!tpu.dma_semaphore, #tpu.memory_space<semaphore_mem>>)
        %mul3A_76 = arith.constant 276 : i32
        %mul3A_77 = arith.muli %add3A_67, %mul3A_76 : i32
        %sub3A_78 = arith.constant 8832 : i32
        %sub3A_79 = arith.subi %sub3A_78, %mul3A_33 : i32
        %dma_start3A_80 = tpu.memref_slice %arg8[%sub3A_79] : memref<17664xi32, #tpu.memory_space<vmem>> -> memref<8832xi32, #tpu.memory_space<vmem>>
        %dma_start3A_81 = tpu.memref_slice %arg3[%mul3A_77] : memref<4521984xi32, #tpu.memory_space<hbm>> -> memref<8832xi32, #tpu.memory_space<hbm>>
        %dma_start3A_82 = tpu.memref_slice %arg8[%sub3A_79] : memref<17664xi32, #tpu.memory_space<vmem>> -> memref<8832xi32, #tpu.memory_space<vmem>>
        %dma_start3A_83 = tpu.memref_slice %arg3[%mul3A_77] : memref<4521984xi32, #tpu.memory_space<hbm>> -> memref<8832xi32, #tpu.memory_space<hbm>>
        tpu.enqueue_dma source(%dma_start3A_83 : memref<8832xi32, #tpu.memory_space<hbm>>) target(%dma_start3A_82 : memref<8832xi32, #tpu.memory_space<vmem>>) target_semaphore(%arg12 : memref<!tpu.dma_semaphore, #tpu.memory_space<semaphore_mem>>)
      } else {
      }
      %mul3A_54 = arith.constant 529 : i32
      %mul3A_55 = arith.muli %add3A_38, %mul3A_54 : i32
      %sub3A = arith.subi %mul3A_55, %mul3A_29 : i32
      %scan3A_56 = arith.constant 0 : i32
      %scan3A_57 = arith.constant 0 : i32
      %scan3A_58 = arith.constant 8 : i32
      %scan3A_59 = arith.addi %scan3A_57, %scan3A_58 : i32
      %scan3A_60 = arith.constant 1 : i32
      %scan3A_61 = scf.for %scan3A_66 = %scan3A_57 to %scan3A_59 step %scan3A_60 iter_args(%scan3A_67 = %scan3A_56) -> (i32)  : i32 {
        %mul3A_68 = arith.constant 1104 : i32
        %mul3A_69 = arith.muli %scan3A_66, %mul3A_68 : i32
        %add3A_70 = arith.constant 0 : i32
        %add3A_71 = arith.addi %mul3A_69, %add3A_70 : i32
        %add3A_72 = arith.addi %mul3A_33, %add3A_71 : i32
        %get3A_73 = arith.index_cast %add3A_72 : i32 to index
        %get3A_74 = tpu.vector_load %arg8[%get3A_73] {strides = array<i32>} : memref<17664xi32, #tpu.memory_space<vmem>>, vector<16xi32>,
        %sub3A_75 = vector.broadcast %sub3A : i32 to vector<16xi32>
        %sub3A_76 = arith.subi %get3A_74, %sub3A_75 : vector<16xi32>
        %gather3A = tpu.vector_load_idx %arg7[%sub3A_76] : memref<33856xf32, #tpu.memory_space<vmem>>[vector<16xi32>], vector<16xf32>,
        %mul3A_77 = arith.mulf %gather3A, %get3A_1 : vector<16xf32>
        %get3A_78 = arith.constant 0 : index
        %get3A_79 = tpu.vector_load %arg10[%get3A_78] {strides = array<i32>} : memref<1104xf32, #tpu.memory_space<vmem>>, vector<16xf32>,
        %add3A_80 = arith.addf %mul3A_77, %get3A_79 : vector<16xf32>
        %swap3A = arith.index_cast %add3A_71 : i32 to index
        %swap3A_81 = tpu.vector_load %arg9[%swap3A] {strides = array<i32>} : memref<8832xf32, #tpu.memory_space<vmem>>, vector<16xf32>,
        tpu.vector_store %arg9[%swap3A], %add3A_80 {strides = array<i32>} : memref<8832xf32, #tpu.memory_space<vmem>>, vector<16xf32>,
        %add3A_82 = arith.constant 16 : i32
        %add3A_83 = arith.addi %mul3A_69, %add3A_82 : i32
        %add3A_84 = arith.addi %mul3A_33, %add3A_83 : i32
        %get3A_85 = arith.index_cast %add3A_84 : i32 to index
        %get3A_86 = tpu.vector_load %arg8[%get3A_85] {strides = array<i32>} : memref<17664xi32, #tpu.memory_space<vmem>>, vector<16xi32>,
        %sub3A_87 = vector.broadcast %sub3A : i32 to vector<16xi32>
        %sub3A_88 = arith.subi %get3A_86, %sub3A_87 : vector<16xi32>
        %gather3A_89 = tpu.vector_load_idx %arg7[%sub3A_88] : memref<33856xf32, #tpu.memory_space<vmem>>[vector<16xi32>], vector<16xf32>,
        %mul3A_90 = arith.mulf %gather3A_89, %get3A_1 : vector<16xf32>
        %get3A_91 = arith.constant 16 : index
        %get3A_92 = tpu.vector_load %arg10[%get3A_91] {strides = array<i32>} : memref<1104xf32, #tpu.memory_space<vmem>>, vector<16xf32>,
        %add3A_93 = arith.addf %mul3A_90, %get3A_92 : vector<16xf32>
        %swap3A_94 = arith.index_cast %add3A_83 : i32 to index
        %swap3A_95 = tpu.vector_load %arg9[%swap3A_94] {strides = array<i32>} : memref<8832xf32, #tpu.memory_space<vmem>>, vector<16xf32>,
        tpu.vector_store %arg9[%swap3A_94], %add3A_93 {strides = array<i32>} : memref<8832xf32, #tpu.memory_space<vmem>>, vector<16xf32>,
        %add3A_96 = arith.constant 32 : i32
        %add3A_97 = arith.addi %mul3A_69, %add3A_96 : i32
        %add3A_98 = arith.addi %mul3A_33, %add3A_97 : i32
        %get3A_99 = arith.index_cast %add3A_98 : i32 to index
        %get3A_100 = tpu.vector_load %arg8[%get3A_99] {strides = array<i32>} : memref<17664xi32, #tpu.memory_space<vmem>>, vector<16xi32>,
        %sub3A_101 = vector.broadcast %sub3A : i32 to vector<16xi32>
        %sub3A_102 = arith.subi %get3A_100, %sub3A_101 : vector<16xi32>
        %gather3A_103 = tpu.vector_load_idx %arg7[%sub3A_102] : memref<33856xf32, #tpu.memory_space<vmem>>[vector<16xi32>], vector<16xf32>,
        %mul3A_104 = arith.mulf %gather3A_103, %get3A_1 : vector<16xf32>
        %get3A_105 = arith.constant 32 : index
        %get3A_106 = tpu.vector_load %arg10[%get3A_105] {strides = array<i32>} : memref<1104xf32, #tpu.memory_space<vmem>>, vector<16xf32>,
        %add3A_107 = arith.addf %mul3A_104, %get3A_106 : vector<16xf32>
        %swap3A_108 = arith.index_cast %add3A_97 : i32 to index
        %swap3A_109 = tpu.vector_load %arg9[%swap3A_108] {strides = array<i32>} : memref<8832xf32, #tpu.memory_space<vmem>>, vector<16xf32>,
        tpu.vector_store %arg9[%swap3A_108], %add3A_107 {strides = array<i32>} : memref<8832xf32, #tpu.memory_space<vmem>>, vector<16xf32>,
        %add3A_110 = arith.constant 48 : i32
        %add3A_111 = arith.addi %mul3A_69, %add3A_110 : i32
        %add3A_112 = arith.addi %mul3A_33, %add3A_111 : i32
        %get3A_113 = arith.index_cast %add3A_112 : i32 to index
        %get3A_114 = tpu.vector_load %arg8[%get3A_113] {strides = array<i32>} : memref<17664xi32, #tpu.memory_space<vmem>>, vector<16xi32>,
        %sub3A_115 = vector.broadcast %sub3A : i32 to vector<16xi32>
        %sub3A_116 = arith.subi %get3A_114, %sub3A_115 : vector<16xi32>
        %gather3A_117 = tpu.vector_load_idx %arg7[%sub3A_116] : memref<33856xf32, #tpu.memory_space<vmem>>[vector<16xi32>], vector<16xf32>,
        %mul3A_118 = arith.mulf %gather3A_117, %get3A_1 : vector<16xf32>
        %get3A_119 = arith.constant 48 : index
        %get3A_120 = tpu.vector_load %arg10[%get3A_119] {strides = array<i32>} : memref<1104xf32, #tpu.memory_space<vmem>>, vector<16xf32>,
        %add3A_121 = arith.addf %mul3A_118, %get3A_120 : vector<16xf32>
        %swap3A_122 = arith.index_cast %add3A_111 : i32 to index
        %swap3A_123 = tpu.vector_load %arg9[%swap3A_122] {strides = array<i32>} : memref<8832xf32, #tpu.memory_space<vmem>>, vector<16xf32>,
        tpu.vector_store %arg9[%swap3A_122], %add3A_121 {strides = array<i32>} : memref<8832xf32, #tpu.memory_space<vmem>>, vector<16xf32>,
        %add3A_124 = arith.constant 64 : i32
        %add3A_125 = arith.addi %mul3A_69, %add3A_124 : i32
        %add3A_126 = arith.addi %mul3A_33, %add3A_125 : i32
        %get3A_127 = arith.index_cast %add3A_126 : i32 to index
        %get3A_128 = tpu.vector_load %arg8[%get3A_127] {strides = array<i32>} : memref<17664xi32, #tpu.memory_space<vmem>>, vector<16xi32>,
        %sub3A_129 = vector.broadcast %sub3A : i32 to vector<16xi32>
        %sub3A_130 = arith.subi %get3A_128, %sub3A_129 : vector<16xi32>
        %gather3A_131 = tpu.vector_load_idx %arg7[%sub3A_130] : memref<33856xf32, #tpu.memory_space<vmem>>[vector<16xi32>], vector<16xf32>,
        %mul3A_132 = arith.mulf %gather3A_131, %get3A_1 : vector<16xf32>
        %get3A_133 = arith.constant 64 : index
        %get3A_134 = tpu.vector_load %arg10[%get3A_133] {strides = array<i32>} : memref<1104xf32, #tpu.memory_space<vmem>>, vector<16xf32>,
        %add3A_135 = arith.addf %mul3A_132, %get3A_134 : vector<16xf32>
        %swap3A_136 = arith.index_cast %add3A_125 : i32 to index
        %swap3A_137 = tpu.vector_load %arg9[%swap3A_136] {strides = array<i32>} : memref<8832xf32, #tpu.memory_space<vmem>>, vector<16xf32>,
        tpu.vector_store %arg9[%swap3A_136], %add3A_135 {strides = array<i32>} : memref<8832xf32, #tpu.memory_space<vmem>>, vector<16xf32>,
        %add3A_138 = arith.constant 80 : i32
        %add3A_139 = arith.addi %mul3A_69, %add3A_138 : i32
        %add3A_140 = arith.addi %mul3A_33, %add3A_139 : i32
        %get3A_141 = arith.index_cast %add3A_140 : i32 to index
        %get3A_142 = tpu.vector_load %arg8[%get3A_141] {strides = array<i32>} : memref<17664xi32, #tpu.memory_space<vmem>>, vector<16xi32>,
        %sub3A_143 = vector.broadcast %sub3A : i32 to vector<16xi32>
        %sub3A_144 = arith.subi %get3A_142, %sub3A_143 : vector<16xi32>
        %gather3A_145 = tpu.vector_load_idx %arg7[%sub3A_144] : memref<33856xf32, #tpu.memory_space<vmem>>[vector<16xi32>], vector<16xf32>,
        %mul3A_146 = arith.mulf %gather3A_145, %get3A_1 : vector<16xf32>
        %get3A_147 = arith.constant 80 : index
        %get3A_148 = tpu.vector_load %arg10[%get3A_147] {strides = array<i32>} : memref<1104xf32, #tpu.memory_space<vmem>>, vector<16xf32>,
        %add3A_149 = arith.addf %mul3A_146, %get3A_148 : vector<16xf32>
        %swap3A_150 = arith.index_cast %add3A_139 : i32 to index
        %swap3A_151 = tpu.vector_load %arg9[%swap3A_150] {strides = array<i32>} : memref<8832xf32, #tpu.memory_space<vmem>>, vector<16xf32>,
        tpu.vector_store %arg9[%swap3A_150], %add3A_149 {strides = array<i32>} : memref<8832xf32, #tpu.memory_space<vmem>>, vector<16xf32>,
        %add3A_152 = arith.constant 96 : i32
        %add3A_153 = arith.addi %mul3A_69, %add3A_152 : i32
        %add3A_154 = arith.addi %mul3A_33, %add3A_153 : i32
        %get3A_155 = arith.index_cast %add3A_154 : i32 to index
        %get3A_156 = tpu.vector_load %arg8[%get3A_155] {strides = array<i32>} : memref<17664xi32, #tpu.memory_space<vmem>>, vector<16xi32>,
        %sub3A_157 = vector.broadcast %sub3A : i32 to vector<16xi32>
        %sub3A_158 = arith.subi %get3A_156, %sub3A_157 : vector<16xi32>
        %gather3A_159 = tpu.vector_load_idx %arg7[%sub3A_158] : memref<33856xf32, #tpu.memory_space<vmem>>[vector<16xi32>], vector<16xf32>,
        %mul3A_160 = arith.mulf %gather3A_159, %get3A_1 : vector<16xf32>
        %get3A_161 = arith.constant 96 : index
        %get3A_162 = tpu.vector_load %arg10[%get3A_161] {strides = array<i32>} : memref<1104xf32, #tpu.memory_space<vmem>>, vector<16xf32>,
        %add3A_163 = arith.addf %mul3A_160, %get3A_162 : vector<16xf32>
        %swap3A_164 = arith.index_cast %add3A_153 : i32 to index
        %swap3A_165 = tpu.vector_load %arg9[%swap3A_164] {strides = array<i32>} : memref<8832xf32, #tpu.memory_space<vmem>>, vector<16xf32>,
        tpu.vector_store %arg9[%swap3A_164], %add3A_163 {strides = array<i32>} : memref<8832xf32, #tpu.memory_space<vmem>>, vector<16xf32>,
        %add3A_166 = arith.constant 112 : i32
        %add3A_167 = arith.addi %mul3A_69, %add3A_166 : i32
        %add3A_168 = arith.addi %mul3A_33, %add3A_167 : i32
        %get3A_169 = arith.index_cast %add3A_168 : i32 to index
        %get3A_170 = tpu.vector_load %arg8[%get3A_169] {strides = array<i32>} : memref<17664xi32, #tpu.memory_space<vmem>>, vector<16xi32>,
        %sub3A_171 = vector.broadcast %sub3A : i32 to vector<16xi32>
        %sub3A_172 = arith.subi %get3A_170, %sub3A_171 : vector<16xi32>
        %gather3A_173 = tpu.vector_load_idx %arg7[%sub3A_172] : memref<33856xf32, #tpu.memory_space<vmem>>[vector<16xi32>], vector<16xf32>,
        %mul3A_174 = arith.mulf %gather3A_173, %get3A_1 : vector<16xf32>
        %get3A_175 = arith.constant 112 : index
        %get3A_176 = tpu.vector_load %arg10[%get3A_175] {strides = array<i32>} : memref<1104xf32, #tpu.memory_space<vmem>>, vector<16xf32>,
        %add3A_177 = arith.addf %mul3A_174, %get3A_176 : vector<16xf32>
        %swap3A_178 = arith.index_cast %add3A_167 : i32 to index
        %swap3A_179 = tpu.vector_load %arg9[%swap3A_178] {strides = array<i32>} : memref<8832xf32, #tpu.memory_space<vmem>>, vector<16xf32>,
        tpu.vector_store %arg9[%swap3A_178], %add3A_177 {strides = array<i32>} : memref<8832xf32, #tpu.memory_space<vmem>>, vector<16xf32>,
        %add3A_180 = arith.constant 128 : i32
        %add3A_181 = arith.addi %mul3A_69, %add3A_180 : i32
        %add3A_182 = arith.addi %mul3A_33, %add3A_181 : i32
        %get3A_183 = arith.index_cast %add3A_182 : i32 to index
        %get3A_184 = tpu.vector_load %arg8[%get3A_183] {strides = array<i32>} : memref<17664xi32, #tpu.memory_space<vmem>>, vector<16xi32>,
        %sub3A_185 = vector.broadcast %sub3A : i32 to vector<16xi32>
        %sub3A_186 = arith.subi %get3A_184, %sub3A_185 : vector<16xi32>
        %gather3A_187 = tpu.vector_load_idx %arg7[%sub3A_186] : memref<33856xf32, #tpu.memory_space<vmem>>[vector<16xi32>], vector<16xf32>,
        %mul3A_188 = arith.mulf %gather3A_187, %get3A_1 : vector<16xf32>
        %get3A_189 = arith.constant 128 : index
        %get3A_190 = tpu.vector_load %arg10[%get3A_189] {strides = array<i32>} : memref<1104xf32, #tpu.memory_space<vmem>>, vector<16xf32>,
        %add3A_191 = arith.addf %mul3A_188, %get3A_190 : vector<16xf32>
        %swap3A_192 = arith.index_cast %add3A_181 : i32 to index
        %swap3A_193 = tpu.vector_load %arg9[%swap3A_192] {strides = array<i32>} : memref<8832xf32, #tpu.memory_space<vmem>>, vector<16xf32>,
        tpu.vector_store %arg9[%swap3A_192], %add3A_191 {strides = array<i32>} : memref<8832xf32, #tpu.memory_space<vmem>>, vector<16xf32>,
        %add3A_194 = arith.constant 144 : i32
        %add3A_195 = arith.addi %mul3A_69, %add3A_194 : i32
        %add3A_196 = arith.addi %mul3A_33, %add3A_195 : i32
        %get3A_197 = arith.index_cast %add3A_196 : i32 to index
        %get3A_198 = tpu.vector_load %arg8[%get3A_197] {strides = array<i32>} : memref<17664xi32, #tpu.memory_space<vmem>>, vector<16xi32>,
        %sub3A_199 = vector.broadcast %sub3A : i32 to vector<16xi32>
        %sub3A_200 = arith.subi %get3A_198, %sub3A_199 : vector<16xi32>
        %gather3A_201 = tpu.vector_load_idx %arg7[%sub3A_200] : memref<33856xf32, #tpu.memory_space<vmem>>[vector<16xi32>], vector<16xf32>,
        %mul3A_202 = arith.mulf %gather3A_201, %get3A_1 : vector<16xf32>
        %get3A_203 = arith.constant 144 : index
        %get3A_204 = tpu.vector_load %arg10[%get3A_203] {strides = array<i32>} : memref<1104xf32, #tpu.memory_space<vmem>>, vector<16xf32>,
        %add3A_205 = arith.addf %mul3A_202, %get3A_204 : vector<16xf32>
        %swap3A_206 = arith.index_cast %add3A_195 : i32 to index
        %swap3A_207 = tpu.vector_load %arg9[%swap3A_206] {strides = array<i32>} : memref<8832xf32, #tpu.memory_space<vmem>>, vector<16xf32>,
        tpu.vector_store %arg9[%swap3A_206], %add3A_205 {strides = array<i32>} : memref<8832xf32, #tpu.memory_space<vmem>>, vector<16xf32>,
        %add3A_208 = arith.constant 160 : i32
        %add3A_209 = arith.addi %mul3A_69, %add3A_208 : i32
        %add3A_210 = arith.addi %mul3A_33, %add3A_209 : i32
        %get3A_211 = arith.index_cast %add3A_210 : i32 to index
        %get3A_212 = tpu.vector_load %arg8[%get3A_211] {strides = array<i32>} : memref<17664xi32, #tpu.memory_space<vmem>>, vector<16xi32>,
        %sub3A_213 = vector.broadcast %sub3A : i32 to vector<16xi32>
        %sub3A_214 = arith.subi %get3A_212, %sub3A_213 : vector<16xi32>
        %gather3A_215 = tpu.vector_load_idx %arg7[%sub3A_214] : memref<33856xf32, #tpu.memory_space<vmem>>[vector<16xi32>], vector<16xf32>,
        %mul3A_216 = arith.mulf %gather3A_215, %get3A_1 : vector<16xf32>
        %get3A_217 = arith.constant 160 : index
        %get3A_218 = tpu.vector_load %arg10[%get3A_217] {strides = array<i32>} : memref<1104xf32, #tpu.memory_space<vmem>>, vector<16xf32>,
        %add3A_219 = arith.addf %mul3A_216, %get3A_218 : vector<16xf32>
        %swap3A_220 = arith.index_cast %add3A_209 : i32 to index
        %swap3A_221 = tpu.vector_load %arg9[%swap3A_220] {strides = array<i32>} : memref<8832xf32, #tpu.memory_space<vmem>>, vector<16xf32>,
        tpu.vector_store %arg9[%swap3A_220], %add3A_219 {strides = array<i32>} : memref<8832xf32, #tpu.memory_space<vmem>>, vector<16xf32>,
        %add3A_222 = arith.constant 176 : i32
        %add3A_223 = arith.addi %mul3A_69, %add3A_222 : i32
        %add3A_224 = arith.addi %mul3A_33, %add3A_223 : i32
        %get3A_225 = arith.index_cast %add3A_224 : i32 to index
        %get3A_226 = tpu.vector_load %arg8[%get3A_225] {strides = array<i32>} : memref<17664xi32, #tpu.memory_space<vmem>>, vector<16xi32>,
        %sub3A_227 = vector.broadcast %sub3A : i32 to vector<16xi32>
        %sub3A_228 = arith.subi %get3A_226, %sub3A_227 : vector<16xi32>
        %gather3A_229 = tpu.vector_load_idx %arg7[%sub3A_228] : memref<33856xf32, #tpu.memory_space<vmem>>[vector<16xi32>], vector<16xf32>,
        %mul3A_230 = arith.mulf %gather3A_229, %get3A_1 : vector<16xf32>
        %get3A_231 = arith.constant 176 : index
        %get3A_232 = tpu.vector_load %arg10[%get3A_231] {strides = array<i32>} : memref<1104xf32, #tpu.memory_space<vmem>>, vector<16xf32>,
        %add3A_233 = arith.addf %mul3A_230, %get3A_232 : vector<16xf32>
        %swap3A_234 = arith.index_cast %add3A_223 : i32 to index
        %swap3A_235 = tpu.vector_load %arg9[%swap3A_234] {strides = array<i32>} : memref<8832xf32, #tpu.memory_space<vmem>>, vector<16xf32>,
        tpu.vector_store %arg9[%swap3A_234], %add3A_233 {strides = array<i32>} : memref<8832xf32, #tpu.memory_space<vmem>>, vector<16xf32>,
        %add3A_236 = arith.constant 192 : i32
        %add3A_237 = arith.addi %mul3A_69, %add3A_236 : i32
        %add3A_238 = arith.addi %mul3A_33, %add3A_237 : i32
        %get3A_239 = arith.index_cast %add3A_238 : i32 to index
        %get3A_240 = tpu.vector_load %arg8[%get3A_239] {strides = array<i32>} : memref<17664xi32, #tpu.memory_space<vmem>>, vector<16xi32>,
        %sub3A_241 = vector.broadcast %sub3A : i32 to vector<16xi32>
        %sub3A_242 = arith.subi %get3A_240, %sub3A_241 : vector<16xi32>
        %gather3A_243 = tpu.vector_load_idx %arg7[%sub3A_242] : memref<33856xf32, #tpu.memory_space<vmem>>[vector<16xi32>], vector<16xf32>,
        %mul3A_244 = arith.mulf %gather3A_243, %get3A_1 : vector<16xf32>
        %get3A_245 = arith.constant 192 : index
        %get3A_246 = tpu.vector_load %arg10[%get3A_245] {strides = array<i32>} : memref<1104xf32, #tpu.memory_space<vmem>>, vector<16xf32>,
        %add3A_247 = arith.addf %mul3A_244, %get3A_246 : vector<16xf32>
        %swap3A_248 = arith.index_cast %add3A_237 : i32 to index
        %swap3A_249 = tpu.vector_load %arg9[%swap3A_248] {strides = array<i32>} : memref<8832xf32, #tpu.memory_space<vmem>>, vector<16xf32>,
        tpu.vector_store %arg9[%swap3A_248], %add3A_247 {strides = array<i32>} : memref<8832xf32, #tpu.memory_space<vmem>>, vector<16xf32>,
        %add3A_250 = arith.constant 208 : i32
        %add3A_251 = arith.addi %mul3A_69, %add3A_250 : i32
        %add3A_252 = arith.addi %mul3A_33, %add3A_251 : i32
        %get3A_253 = arith.index_cast %add3A_252 : i32 to index
        %get3A_254 = tpu.vector_load %arg8[%get3A_253] {strides = array<i32>} : memref<17664xi32, #tpu.memory_space<vmem>>, vector<16xi32>,
        %sub3A_255 = vector.broadcast %sub3A : i32 to vector<16xi32>
        %sub3A_256 = arith.subi %get3A_254, %sub3A_255 : vector<16xi32>
        %gather3A_257 = tpu.vector_load_idx %arg7[%sub3A_256] : memref<33856xf32, #tpu.memory_space<vmem>>[vector<16xi32>], vector<16xf32>,
        %mul3A_258 = arith.mulf %gather3A_257, %get3A_1 : vector<16xf32>
        %get3A_259 = arith.constant 208 : index
        %get3A_260 = tpu.vector_load %arg10[%get3A_259] {strides = array<i32>} : memref<1104xf32, #tpu.memory_space<vmem>>, vector<16xf32>,
        %add3A_261 = arith.addf %mul3A_258, %get3A_260 : vector<16xf32>
        %swap3A_262 = arith.index_cast %add3A_251 : i32 to index
        %swap3A_263 = tpu.vector_load %arg9[%swap3A_262] {strides = array<i32>} : memref<8832xf32, #tpu.memory_space<vmem>>, vector<16xf32>,
        tpu.vector_store %arg9[%swap3A_262], %add3A_261 {strides = array<i32>} : memref<8832xf32, #tpu.memory_space<vmem>>, vector<16xf32>,
        %add3A_264 = arith.constant 224 : i32
        %add3A_265 = arith.addi %mul3A_69, %add3A_264 : i32
        %add3A_266 = arith.addi %mul3A_33, %add3A_265 : i32
        %get3A_267 = arith.index_cast %add3A_266 : i32 to index
        %get3A_268 = tpu.vector_load %arg8[%get3A_267] {strides = array<i32>} : memref<17664xi32, #tpu.memory_space<vmem>>, vector<16xi32>,
        %sub3A_269 = vector.broadcast %sub3A : i32 to vector<16xi32>
        %sub3A_270 = arith.subi %get3A_268, %sub3A_269 : vector<16xi32>
        %gather3A_271 = tpu.vector_load_idx %arg7[%sub3A_270] : memref<33856xf32, #tpu.memory_space<vmem>>[vector<16xi32>], vector<16xf32>,
        %mul3A_272 = arith.mulf %gather3A_271, %get3A_1 : vector<16xf32>
        %get3A_273 = arith.constant 224 : index
        %get3A_274 = tpu.vector_load %arg10[%get3A_273] {strides = array<i32>} : memref<1104xf32, #tpu.memory_space<vmem>>, vector<16xf32>,
        %add3A_275 = arith.addf %mul3A_272, %get3A_274 : vector<16xf32>
        %swap3A_276 = arith.index_cast %add3A_265 : i32 to index
        %swap3A_277 = tpu.vector_load %arg9[%swap3A_276] {strides = array<i32>} : memref<8832xf32, #tpu.memory_space<vmem>>, vector<16xf32>,
        tpu.vector_store %arg9[%swap3A_276], %add3A_275 {strides = array<i32>} : memref<8832xf32, #tpu.memory_space<vmem>>, vector<16xf32>,
        %add3A_278 = arith.constant 240 : i32
        %add3A_279 = arith.addi %mul3A_69, %add3A_278 : i32
        %add3A_280 = arith.addi %mul3A_33, %add3A_279 : i32
        %get3A_281 = arith.index_cast %add3A_280 : i32 to index
        %get3A_282 = tpu.vector_load %arg8[%get3A_281] {strides = array<i32>} : memref<17664xi32, #tpu.memory_space<vmem>>, vector<16xi32>,
        %sub3A_283 = vector.broadcast %sub3A : i32 to vector<16xi32>
        %sub3A_284 = arith.subi %get3A_282, %sub3A_283 : vector<16xi32>
        %gather3A_285 = tpu.vector_load_idx %arg7[%sub3A_284] : memref<33856xf32, #tpu.memory_space<vmem>>[vector<16xi32>], vector<16xf32>,
        %mul3A_286 = arith.mulf %gather3A_285, %get3A_1 : vector<16xf32>
        %get3A_287 = arith.constant 240 : index
        %get3A_288 = tpu.vector_load %arg10[%get3A_287] {strides = array<i32>} : memref<1104xf32, #tpu.memory_space<vmem>>, vector<16xf32>,
        %add3A_289 = arith.addf %mul3A_286, %get3A_288 : vector<16xf32>
        %swap3A_290 = arith.index_cast %add3A_279 : i32 to index
        %swap3A_291 = tpu.vector_load %arg9[%swap3A_290] {strides = array<i32>} : memref<8832xf32, #tpu.memory_space<vmem>>, vector<16xf32>,
        tpu.vector_store %arg9[%swap3A_290], %add3A_289 {strides = array<i32>} : memref<8832xf32, #tpu.memory_space<vmem>>, vector<16xf32>,
        %add3A_292 = arith.constant 256 : i32
        %add3A_293 = arith.addi %mul3A_69, %add3A_292 : i32
        %add3A_294 = arith.addi %mul3A_33, %add3A_293 : i32
        %get3A_295 = arith.index_cast %add3A_294 : i32 to index
        %get3A_296 = tpu.vector_load %arg8[%get3A_295] {strides = array<i32>} : memref<17664xi32, #tpu.memory_space<vmem>>, vector<16xi32>,
        %sub3A_297 = vector.broadcast %sub3A : i32 to vector<16xi32>
        %sub3A_298 = arith.subi %get3A_296, %sub3A_297 : vector<16xi32>
        %gather3A_299 = tpu.vector_load_idx %arg7[%sub3A_298] : memref<33856xf32, #tpu.memory_space<vmem>>[vector<16xi32>], vector<16xf32>,
        %mul3A_300 = arith.mulf %gather3A_299, %get3A_1 : vector<16xf32>
        %get3A_301 = arith.constant 256 : index
        %get3A_302 = tpu.vector_load %arg10[%get3A_301] {strides = array<i32>} : memref<1104xf32, #tpu.memory_space<vmem>>, vector<16xf32>,
        %add3A_303 = arith.addf %mul3A_300, %get3A_302 : vector<16xf32>
        %swap3A_304 = arith.index_cast %add3A_293 : i32 to index
        %swap3A_305 = tpu.vector_load %arg9[%swap3A_304] {strides = array<i32>} : memref<8832xf32, #tpu.memory_space<vmem>>, vector<16xf32>,
        tpu.vector_store %arg9[%swap3A_304], %add3A_303 {strides = array<i32>} : memref<8832xf32, #tpu.memory_space<vmem>>, vector<16xf32>,
        %add3A_306 = arith.constant 272 : i32
        %add3A_307 = arith.addi %mul3A_69, %add3A_306 : i32
        %add3A_308 = arith.addi %mul3A_33, %add3A_307 : i32
        %get3A_309 = arith.index_cast %add3A_308 : i32 to index
        %get3A_310 = tpu.vector_load %arg8[%get3A_309] {strides = array<i32>} : memref<17664xi32, #tpu.memory_space<vmem>>, vector<16xi32>,
        %sub3A_311 = vector.broadcast %sub3A : i32 to vector<16xi32>
        %sub3A_312 = arith.subi %get3A_310, %sub3A_311 : vector<16xi32>
        %gather3A_313 = tpu.vector_load_idx %arg7[%sub3A_312] : memref<33856xf32, #tpu.memory_space<vmem>>[vector<16xi32>], vector<16xf32>,
        %mul3A_314 = arith.mulf %gather3A_313, %get3A_1 : vector<16xf32>
        %get3A_315 = arith.constant 272 : index
        %get3A_316 = tpu.vector_load %arg10[%get3A_315] {strides = array<i32>} : memref<1104xf32, #tpu.memory_space<vmem>>, vector<16xf32>,
        %add3A_317 = arith.addf %mul3A_314, %get3A_316 : vector<16xf32>
        %swap3A_318 = arith.index_cast %add3A_307 : i32 to index
        %swap3A_319 = tpu.vector_load %arg9[%swap3A_318] {strides = array<i32>} : memref<8832xf32, #tpu.memory_space<vmem>>, vector<16xf32>,
        tpu.vector_store %arg9[%swap3A_318], %add3A_317 {strides = array<i32>} : memref<8832xf32, #tpu.memory_space<vmem>>, vector<16xf32>,
        %add3A_320 = arith.constant 288 : i32
        %add3A_321 = arith.addi %mul3A_69, %add3A_320 : i32
        %add3A_322 = arith.addi %mul3A_33, %add3A_321 : i32
        %get3A_323 = arith.index_cast %add3A_322 : i32 to index
        %get3A_324 = tpu.vector_load %arg8[%get3A_323] {strides = array<i32>} : memref<17664xi32, #tpu.memory_space<vmem>>, vector<16xi32>,
        %sub3A_325 = vector.broadcast %sub3A : i32 to vector<16xi32>
        %sub3A_326 = arith.subi %get3A_324, %sub3A_325 : vector<16xi32>
        %gather3A_327 = tpu.vector_load_idx %arg7[%sub3A_326] : memref<33856xf32, #tpu.memory_space<vmem>>[vector<16xi32>], vector<16xf32>,
        %mul3A_328 = arith.mulf %gather3A_327, %get3A_1 : vector<16xf32>
        %get3A_329 = arith.constant 288 : index
        %get3A_330 = tpu.vector_load %arg10[%get3A_329] {strides = array<i32>} : memref<1104xf32, #tpu.memory_space<vmem>>, vector<16xf32>,
        %add3A_331 = arith.addf %mul3A_328, %get3A_330 : vector<16xf32>
        %swap3A_332 = arith.index_cast %add3A_321 : i32 to index
        %swap3A_333 = tpu.vector_load %arg9[%swap3A_332] {strides = array<i32>} : memref<8832xf32, #tpu.memory_space<vmem>>, vector<16xf32>,
        tpu.vector_store %arg9[%swap3A_332], %add3A_331 {strides = array<i32>} : memref<8832xf32, #tpu.memory_space<vmem>>, vector<16xf32>,
        %add3A_334 = arith.constant 304 : i32
        %add3A_335 = arith.addi %mul3A_69, %add3A_334 : i32
        %add3A_336 = arith.addi %mul3A_33, %add3A_335 : i32
        %get3A_337 = arith.index_cast %add3A_336 : i32 to index
        %get3A_338 = tpu.vector_load %arg8[%get3A_337] {strides = array<i32>} : memref<17664xi32, #tpu.memory_space<vmem>>, vector<16xi32>,
        %sub3A_339 = vector.broadcast %sub3A : i32 to vector<16xi32>
        %sub3A_340 = arith.subi %get3A_338, %sub3A_339 : vector<16xi32>
        %gather3A_341 = tpu.vector_load_idx %arg7[%sub3A_340] : memref<33856xf32, #tpu.memory_space<vmem>>[vector<16xi32>], vector<16xf32>,
        %mul3A_342 = arith.mulf %gather3A_341, %get3A_1 : vector<16xf32>
        %get3A_343 = arith.constant 304 : index
        %get3A_344 = tpu.vector_load %arg10[%get3A_343] {strides = array<i32>} : memref<1104xf32, #tpu.memory_space<vmem>>, vector<16xf32>,
        %add3A_345 = arith.addf %mul3A_342, %get3A_344 : vector<16xf32>
        %swap3A_346 = arith.index_cast %add3A_335 : i32 to index
        %swap3A_347 = tpu.vector_load %arg9[%swap3A_346] {strides = array<i32>} : memref<8832xf32, #tpu.memory_space<vmem>>, vector<16xf32>,
        tpu.vector_store %arg9[%swap3A_346], %add3A_345 {strides = array<i32>} : memref<8832xf32, #tpu.memory_space<vmem>>, vector<16xf32>,
        %add3A_348 = arith.constant 320 : i32
        %add3A_349 = arith.addi %mul3A_69, %add3A_348 : i32
        %add3A_350 = arith.addi %mul3A_33, %add3A_349 : i32
        %get3A_351 = arith.index_cast %add3A_350 : i32 to index
        %get3A_352 = tpu.vector_load %arg8[%get3A_351] {strides = array<i32>} : memref<17664xi32, #tpu.memory_space<vmem>>, vector<16xi32>,
        %sub3A_353 = vector.broadcast %sub3A : i32 to vector<16xi32>
        %sub3A_354 = arith.subi %get3A_352, %sub3A_353 : vector<16xi32>
        %gather3A_355 = tpu.vector_load_idx %arg7[%sub3A_354] : memref<33856xf32, #tpu.memory_space<vmem>>[vector<16xi32>], vector<16xf32>,
        %mul3A_356 = arith.mulf %gather3A_355, %get3A_1 : vector<16xf32>
        %get3A_357 = arith.constant 320 : index
        %get3A_358 = tpu.vector_load %arg10[%get3A_357] {strides = array<i32>} : memref<1104xf32, #tpu.memory_space<vmem>>, vector<16xf32>,
        %add3A_359 = arith.addf %mul3A_356, %get3A_358 : vector<16xf32>
        %swap3A_360 = arith.index_cast %add3A_349 : i32 to index
        %swap3A_361 = tpu.vector_load %arg9[%swap3A_360] {strides = array<i32>} : memref<8832xf32, #tpu.memory_space<vmem>>, vector<16xf32>,
        tpu.vector_store %arg9[%swap3A_360], %add3A_359 {strides = array<i32>} : memref<8832xf32, #tpu.memory_space<vmem>>, vector<16xf32>,
        %add3A_362 = arith.constant 336 : i32
        %add3A_363 = arith.addi %mul3A_69, %add3A_362 : i32
        %add3A_364 = arith.addi %mul3A_33, %add3A_363 : i32
        %get3A_365 = arith.index_cast %add3A_364 : i32 to index
        %get3A_366 = tpu.vector_load %arg8[%get3A_365] {strides = array<i32>} : memref<17664xi32, #tpu.memory_space<vmem>>, vector<16xi32>,
        %sub3A_367 = vector.broadcast %sub3A : i32 to vector<16xi32>
        %sub3A_368 = arith.subi %get3A_366, %sub3A_367 : vector<16xi32>
        %gather3A_369 = tpu.vector_load_idx %arg7[%sub3A_368] : memref<33856xf32, #tpu.memory_space<vmem>>[vector<16xi32>], vector<16xf32>,
        %mul3A_370 = arith.mulf %gather3A_369, %get3A_1 : vector<16xf32>
        %get3A_371 = arith.constant 336 : index
        %get3A_372 = tpu.vector_load %arg10[%get3A_371] {strides = array<i32>} : memref<1104xf32, #tpu.memory_space<vmem>>, vector<16xf32>,
        %add3A_373 = arith.addf %mul3A_370, %get3A_372 : vector<16xf32>
        %swap3A_374 = arith.index_cast %add3A_363 : i32 to index
        %swap3A_375 = tpu.vector_load %arg9[%swap3A_374] {strides = array<i32>} : memref<8832xf32, #tpu.memory_space<vmem>>, vector<16xf32>,
        tpu.vector_store %arg9[%swap3A_374], %add3A_373 {strides = array<i32>} : memref<8832xf32, #tpu.memory_space<vmem>>, vector<16xf32>,
        %add3A_376 = arith.constant 352 : i32
        %add3A_377 = arith.addi %mul3A_69, %add3A_376 : i32
        %add3A_378 = arith.addi %mul3A_33, %add3A_377 : i32
        %get3A_379 = arith.index_cast %add3A_378 : i32 to index
        %get3A_380 = tpu.vector_load %arg8[%get3A_379] {strides = array<i32>} : memref<17664xi32, #tpu.memory_space<vmem>>, vector<16xi32>,
        %sub3A_381 = vector.broadcast %sub3A : i32 to vector<16xi32>
        %sub3A_382 = arith.subi %get3A_380, %sub3A_381 : vector<16xi32>
        %gather3A_383 = tpu.vector_load_idx %arg7[%sub3A_382] : memref<33856xf32, #tpu.memory_space<vmem>>[vector<16xi32>], vector<16xf32>,
        %mul3A_384 = arith.mulf %gather3A_383, %get3A_1 : vector<16xf32>
        %get3A_385 = arith.constant 352 : index
        %get3A_386 = tpu.vector_load %arg10[%get3A_385] {strides = array<i32>} : memref<1104xf32, #tpu.memory_space<vmem>>, vector<16xf32>,
        %add3A_387 = arith.addf %mul3A_384, %get3A_386 : vector<16xf32>
        %swap3A_388 = arith.index_cast %add3A_377 : i32 to index
        %swap3A_389 = tpu.vector_load %arg9[%swap3A_388] {strides = array<i32>} : memref<8832xf32, #tpu.memory_space<vmem>>, vector<16xf32>,
        tpu.vector_store %arg9[%swap3A_388], %add3A_387 {strides = array<i32>} : memref<8832xf32, #tpu.memory_space<vmem>>, vector<16xf32>,
        %add3A_390 = arith.constant 368 : i32
        %add3A_391 = arith.addi %mul3A_69, %add3A_390 : i32
        %add3A_392 = arith.addi %mul3A_33, %add3A_391 : i32
        %get3A_393 = arith.index_cast %add3A_392 : i32 to index
        %get3A_394 = tpu.vector_load %arg8[%get3A_393] {strides = array<i32>} : memref<17664xi32, #tpu.memory_space<vmem>>, vector<16xi32>,
        %sub3A_395 = vector.broadcast %sub3A : i32 to vector<16xi32>
        %sub3A_396 = arith.subi %get3A_394, %sub3A_395 : vector<16xi32>
        %gather3A_397 = tpu.vector_load_idx %arg7[%sub3A_396] : memref<33856xf32, #tpu.memory_space<vmem>>[vector<16xi32>], vector<16xf32>,
        %mul3A_398 = arith.mulf %gather3A_397, %get3A_1 : vector<16xf32>
        %get3A_399 = arith.constant 368 : index
        %get3A_400 = tpu.vector_load %arg10[%get3A_399] {strides = array<i32>} : memref<1104xf32, #tpu.memory_space<vmem>>, vector<16xf32>,
        %add3A_401 = arith.addf %mul3A_398, %get3A_400 : vector<16xf32>
        %swap3A_402 = arith.index_cast %add3A_391 : i32 to index
        %swap3A_403 = tpu.vector_load %arg9[%swap3A_402] {strides = array<i32>} : memref<8832xf32, #tpu.memory_space<vmem>>, vector<16xf32>,
        tpu.vector_store %arg9[%swap3A_402], %add3A_401 {strides = array<i32>} : memref<8832xf32, #tpu.memory_space<vmem>>, vector<16xf32>,
        %add3A_404 = arith.constant 384 : i32
        %add3A_405 = arith.addi %mul3A_69, %add3A_404 : i32
        %add3A_406 = arith.addi %mul3A_33, %add3A_405 : i32
        %get3A_407 = arith.index_cast %add3A_406 : i32 to index
        %get3A_408 = tpu.vector_load %arg8[%get3A_407] {strides = array<i32>} : memref<17664xi32, #tpu.memory_space<vmem>>, vector<16xi32>,
        %sub3A_409 = vector.broadcast %sub3A : i32 to vector<16xi32>
        %sub3A_410 = arith.subi %get3A_408, %sub3A_409 : vector<16xi32>
        %gather3A_411 = tpu.vector_load_idx %arg7[%sub3A_410] : memref<33856xf32, #tpu.memory_space<vmem>>[vector<16xi32>], vector<16xf32>,
        %mul3A_412 = arith.mulf %gather3A_411, %get3A_1 : vector<16xf32>
        %get3A_413 = arith.constant 384 : index
        %get3A_414 = tpu.vector_load %arg10[%get3A_413] {strides = array<i32>} : memref<1104xf32, #tpu.memory_space<vmem>>, vector<16xf32>,
        %add3A_415 = arith.addf %mul3A_412, %get3A_414 : vector<16xf32>
        %swap3A_416 = arith.index_cast %add3A_405 : i32 to index
        %swap3A_417 = tpu.vector_load %arg9[%swap3A_416] {strides = array<i32>} : memref<8832xf32, #tpu.memory_space<vmem>>, vector<16xf32>,
        tpu.vector_store %arg9[%swap3A_416], %add3A_415 {strides = array<i32>} : memref<8832xf32, #tpu.memory_space<vmem>>, vector<16xf32>,
        %add3A_418 = arith.constant 400 : i32
        %add3A_419 = arith.addi %mul3A_69, %add3A_418 : i32
        %add3A_420 = arith.addi %mul3A_33, %add3A_419 : i32
        %get3A_421 = arith.index_cast %add3A_420 : i32 to index
        %get3A_422 = tpu.vector_load %arg8[%get3A_421] {strides = array<i32>} : memref<17664xi32, #tpu.memory_space<vmem>>, vector<16xi32>,
        %sub3A_423 = vector.broadcast %sub3A : i32 to vector<16xi32>
        %sub3A_424 = arith.subi %get3A_422, %sub3A_423 : vector<16xi32>
        %gather3A_425 = tpu.vector_load_idx %arg7[%sub3A_424] : memref<33856xf32, #tpu.memory_space<vmem>>[vector<16xi32>], vector<16xf32>,
        %mul3A_426 = arith.mulf %gather3A_425, %get3A_1 : vector<16xf32>
        %get3A_427 = arith.constant 400 : index
        %get3A_428 = tpu.vector_load %arg10[%get3A_427] {strides = array<i32>} : memref<1104xf32, #tpu.memory_space<vmem>>, vector<16xf32>,
        %add3A_429 = arith.addf %mul3A_426, %get3A_428 : vector<16xf32>
        %swap3A_430 = arith.index_cast %add3A_419 : i32 to index
        %swap3A_431 = tpu.vector_load %arg9[%swap3A_430] {strides = array<i32>} : memref<8832xf32, #tpu.memory_space<vmem>>, vector<16xf32>,
        tpu.vector_store %arg9[%swap3A_430], %add3A_429 {strides = array<i32>} : memref<8832xf32, #tpu.memory_space<vmem>>, vector<16xf32>,
        %add3A_432 = arith.constant 416 : i32
        %add3A_433 = arith.addi %mul3A_69, %add3A_432 : i32
        %add3A_434 = arith.addi %mul3A_33, %add3A_433 : i32
        %get3A_435 = arith.index_cast %add3A_434 : i32 to index
        %get3A_436 = tpu.vector_load %arg8[%get3A_435] {strides = array<i32>} : memref<17664xi32, #tpu.memory_space<vmem>>, vector<16xi32>,
        %sub3A_437 = vector.broadcast %sub3A : i32 to vector<16xi32>
        %sub3A_438 = arith.subi %get3A_436, %sub3A_437 : vector<16xi32>
        %gather3A_439 = tpu.vector_load_idx %arg7[%sub3A_438] : memref<33856xf32, #tpu.memory_space<vmem>>[vector<16xi32>], vector<16xf32>,
        %mul3A_440 = arith.mulf %gather3A_439, %get3A_1 : vector<16xf32>
        %get3A_441 = arith.constant 416 : index
        %get3A_442 = tpu.vector_load %arg10[%get3A_441] {strides = array<i32>} : memref<1104xf32, #tpu.memory_space<vmem>>, vector<16xf32>,
        %add3A_443 = arith.addf %mul3A_440, %get3A_442 : vector<16xf32>
        %swap3A_444 = arith.index_cast %add3A_433 : i32 to index
        %swap3A_445 = tpu.vector_load %arg9[%swap3A_444] {strides = array<i32>} : memref<8832xf32, #tpu.memory_space<vmem>>, vector<16xf32>,
        tpu.vector_store %arg9[%swap3A_444], %add3A_443 {strides = array<i32>} : memref<8832xf32, #tpu.memory_space<vmem>>, vector<16xf32>,
        %add3A_446 = arith.constant 432 : i32
        %add3A_447 = arith.addi %mul3A_69, %add3A_446 : i32
        %add3A_448 = arith.addi %mul3A_33, %add3A_447 : i32
        %get3A_449 = arith.index_cast %add3A_448 : i32 to index
        %get3A_450 = tpu.vector_load %arg8[%get3A_449] {strides = array<i32>} : memref<17664xi32, #tpu.memory_space<vmem>>, vector<16xi32>,
        %sub3A_451 = vector.broadcast %sub3A : i32 to vector<16xi32>
        %sub3A_452 = arith.subi %get3A_450, %sub3A_451 : vector<16xi32>
        %gather3A_453 = tpu.vector_load_idx %arg7[%sub3A_452] : memref<33856xf32, #tpu.memory_space<vmem>>[vector<16xi32>], vector<16xf32>,
        %mul3A_454 = arith.mulf %gather3A_453, %get3A_1 : vector<16xf32>
        %get3A_455 = arith.constant 432 : index
        %get3A_456 = tpu.vector_load %arg10[%get3A_455] {strides = array<i32>} : memref<1104xf32, #tpu.memory_space<vmem>>, vector<16xf32>,
        %add3A_457 = arith.addf %mul3A_454, %get3A_456 : vector<16xf32>
        %swap3A_458 = arith.index_cast %add3A_447 : i32 to index
        %swap3A_459 = tpu.vector_load %arg9[%swap3A_458] {strides = array<i32>} : memref<8832xf32, #tpu.memory_space<vmem>>, vector<16xf32>,
        tpu.vector_store %arg9[%swap3A_458], %add3A_457 {strides = array<i32>} : memref<8832xf32, #tpu.memory_space<vmem>>, vector<16xf32>,
        %add3A_460 = arith.constant 448 : i32
        %add3A_461 = arith.addi %mul3A_69, %add3A_460 : i32
        %add3A_462 = arith.addi %mul3A_33, %add3A_461 : i32
        %get3A_463 = arith.index_cast %add3A_462 : i32 to index
        %get3A_464 = tpu.vector_load %arg8[%get3A_463] {strides = array<i32>} : memref<17664xi32, #tpu.memory_space<vmem>>, vector<16xi32>,
        %sub3A_465 = vector.broadcast %sub3A : i32 to vector<16xi32>
        %sub3A_466 = arith.subi %get3A_464, %sub3A_465 : vector<16xi32>
        %gather3A_467 = tpu.vector_load_idx %arg7[%sub3A_466] : memref<33856xf32, #tpu.memory_space<vmem>>[vector<16xi32>], vector<16xf32>,
        %mul3A_468 = arith.mulf %gather3A_467, %get3A_1 : vector<16xf32>
        %get3A_469 = arith.constant 448 : index
        %get3A_470 = tpu.vector_load %arg10[%get3A_469] {strides = array<i32>} : memref<1104xf32, #tpu.memory_space<vmem>>, vector<16xf32>,
        %add3A_471 = arith.addf %mul3A_468, %get3A_470 : vector<16xf32>
        %swap3A_472 = arith.index_cast %add3A_461 : i32 to index
        %swap3A_473 = tpu.vector_load %arg9[%swap3A_472] {strides = array<i32>} : memref<8832xf32, #tpu.memory_space<vmem>>, vector<16xf32>,
        tpu.vector_store %arg9[%swap3A_472], %add3A_471 {strides = array<i32>} : memref<8832xf32, #tpu.memory_space<vmem>>, vector<16xf32>,
        %add3A_474 = arith.constant 464 : i32
        %add3A_475 = arith.addi %mul3A_69, %add3A_474 : i32
        %add3A_476 = arith.addi %mul3A_33, %add3A_475 : i32
        %get3A_477 = arith.index_cast %add3A_476 : i32 to index
        %get3A_478 = tpu.vector_load %arg8[%get3A_477] {strides = array<i32>} : memref<17664xi32, #tpu.memory_space<vmem>>, vector<16xi32>,
        %sub3A_479 = vector.broadcast %sub3A : i32 to vector<16xi32>
        %sub3A_480 = arith.subi %get3A_478, %sub3A_479 : vector<16xi32>
        %gather3A_481 = tpu.vector_load_idx %arg7[%sub3A_480] : memref<33856xf32, #tpu.memory_space<vmem>>[vector<16xi32>], vector<16xf32>,
        %mul3A_482 = arith.mulf %gather3A_481, %get3A_1 : vector<16xf32>
        %get3A_483 = arith.constant 464 : index
        %get3A_484 = tpu.vector_load %arg10[%get3A_483] {strides = array<i32>} : memref<1104xf32, #tpu.memory_space<vmem>>, vector<16xf32>,
        %add3A_485 = arith.addf %mul3A_482, %get3A_484 : vector<16xf32>
        %swap3A_486 = arith.index_cast %add3A_475 : i32 to index
        %swap3A_487 = tpu.vector_load %arg9[%swap3A_486] {strides = array<i32>} : memref<8832xf32, #tpu.memory_space<vmem>>, vector<16xf32>,
        tpu.vector_store %arg9[%swap3A_486], %add3A_485 {strides = array<i32>} : memref<8832xf32, #tpu.memory_space<vmem>>, vector<16xf32>,
        %add3A_488 = arith.constant 480 : i32
        %add3A_489 = arith.addi %mul3A_69, %add3A_488 : i32
        %add3A_490 = arith.addi %mul3A_33, %add3A_489 : i32
        %get3A_491 = arith.index_cast %add3A_490 : i32 to index
        %get3A_492 = tpu.vector_load %arg8[%get3A_491] {strides = array<i32>} : memref<17664xi32, #tpu.memory_space<vmem>>, vector<16xi32>,
        %sub3A_493 = vector.broadcast %sub3A : i32 to vector<16xi32>
        %sub3A_494 = arith.subi %get3A_492, %sub3A_493 : vector<16xi32>
        %gather3A_495 = tpu.vector_load_idx %arg7[%sub3A_494] : memref<33856xf32, #tpu.memory_space<vmem>>[vector<16xi32>], vector<16xf32>,
        %mul3A_496 = arith.mulf %gather3A_495, %get3A_1 : vector<16xf32>
        %get3A_497 = arith.constant 480 : index
        %get3A_498 = tpu.vector_load %arg10[%get3A_497] {strides = array<i32>} : memref<1104xf32, #tpu.memory_space<vmem>>, vector<16xf32>,
        %add3A_499 = arith.addf %mul3A_496, %get3A_498 : vector<16xf32>
        %swap3A_500 = arith.index_cast %add3A_489 : i32 to index
        %swap3A_501 = tpu.vector_load %arg9[%swap3A_500] {strides = array<i32>} : memref<8832xf32, #tpu.memory_space<vmem>>, vector<16xf32>,
        tpu.vector_store %arg9[%swap3A_500], %add3A_499 {strides = array<i32>} : memref<8832xf32, #tpu.memory_space<vmem>>, vector<16xf32>,
        %add3A_502 = arith.constant 496 : i32
        %add3A_503 = arith.addi %mul3A_69, %add3A_502 : i32
        %add3A_504 = arith.addi %mul3A_33, %add3A_503 : i32
        %get3A_505 = arith.index_cast %add3A_504 : i32 to index
        %get3A_506 = tpu.vector_load %arg8[%get3A_505] {strides = array<i32>} : memref<17664xi32, #tpu.memory_space<vmem>>, vector<16xi32>,
        %sub3A_507 = vector.broadcast %sub3A : i32 to vector<16xi32>
        %sub3A_508 = arith.subi %get3A_506, %sub3A_507 : vector<16xi32>
        %gather3A_509 = tpu.vector_load_idx %arg7[%sub3A_508] : memref<33856xf32, #tpu.memory_space<vmem>>[vector<16xi32>], vector<16xf32>,
        %mul3A_510 = arith.mulf %gather3A_509, %get3A_1 : vector<16xf32>
        %get3A_511 = arith.constant 496 : index
        %get3A_512 = tpu.vector_load %arg10[%get3A_511] {strides = array<i32>} : memref<1104xf32, #tpu.memory_space<vmem>>, vector<16xf32>,
        %add3A_513 = arith.addf %mul3A_510, %get3A_512 : vector<16xf32>
        %swap3A_514 = arith.index_cast %add3A_503 : i32 to index
        %swap3A_515 = tpu.vector_load %arg9[%swap3A_514] {strides = array<i32>} : memref<8832xf32, #tpu.memory_space<vmem>>, vector<16xf32>,
        tpu.vector_store %arg9[%swap3A_514], %add3A_513 {strides = array<i32>} : memref<8832xf32, #tpu.memory_space<vmem>>, vector<16xf32>,
        %add3A_516 = arith.constant 512 : i32
        %add3A_517 = arith.addi %mul3A_69, %add3A_516 : i32
        %add3A_518 = arith.addi %mul3A_33, %add3A_517 : i32
        %get3A_519 = arith.index_cast %add3A_518 : i32 to index
        %get3A_520 = tpu.vector_load %arg8[%get3A_519] {strides = array<i32>} : memref<17664xi32, #tpu.memory_space<vmem>>, vector<16xi32>,
        %sub3A_521 = vector.broadcast %sub3A : i32 to vector<16xi32>
        %sub3A_522 = arith.subi %get3A_520, %sub3A_521 : vector<16xi32>
        %gather3A_523 = tpu.vector_load_idx %arg7[%sub3A_522] : memref<33856xf32, #tpu.memory_space<vmem>>[vector<16xi32>], vector<16xf32>,
        %mul3A_524 = arith.mulf %gather3A_523, %get3A_1 : vector<16xf32>
        %get3A_525 = arith.constant 512 : index
        %get3A_526 = tpu.vector_load %arg10[%get3A_525] {strides = array<i32>} : memref<1104xf32, #tpu.memory_space<vmem>>, vector<16xf32>,
        %add3A_527 = arith.addf %mul3A_524, %get3A_526 : vector<16xf32>
        %swap3A_528 = arith.index_cast %add3A_517 : i32 to index
        %swap3A_529 = tpu.vector_load %arg9[%swap3A_528] {strides = array<i32>} : memref<8832xf32, #tpu.memory_space<vmem>>, vector<16xf32>,
        tpu.vector_store %arg9[%swap3A_528], %add3A_527 {strides = array<i32>} : memref<8832xf32, #tpu.memory_space<vmem>>, vector<16xf32>,
        %add3A_530 = arith.constant 528 : i32
        %add3A_531 = arith.addi %mul3A_69, %add3A_530 : i32
        %add3A_532 = arith.addi %mul3A_33, %add3A_531 : i32
        %get3A_533 = arith.index_cast %add3A_532 : i32 to index
        %get3A_534 = tpu.vector_load %arg8[%get3A_533] {strides = array<i32>} : memref<17664xi32, #tpu.memory_space<vmem>>, vector<16xi32>,
        %sub3A_535 = vector.broadcast %sub3A : i32 to vector<16xi32>
        %sub3A_536 = arith.subi %get3A_534, %sub3A_535 : vector<16xi32>
        %gather3A_537 = tpu.vector_load_idx %arg7[%sub3A_536] : memref<33856xf32, #tpu.memory_space<vmem>>[vector<16xi32>], vector<16xf32>,
        %mul3A_538 = arith.mulf %gather3A_537, %get3A_1 : vector<16xf32>
        %get3A_539 = arith.constant 528 : index
        %get3A_540 = tpu.vector_load %arg10[%get3A_539] {strides = array<i32>} : memref<1104xf32, #tpu.memory_space<vmem>>, vector<16xf32>,
        %add3A_541 = arith.addf %mul3A_538, %get3A_540 : vector<16xf32>
        %swap3A_542 = arith.index_cast %add3A_531 : i32 to index
        %swap3A_543 = tpu.vector_load %arg9[%swap3A_542] {strides = array<i32>} : memref<8832xf32, #tpu.memory_space<vmem>>, vector<16xf32>,
        tpu.vector_store %arg9[%swap3A_542], %add3A_541 {strides = array<i32>} : memref<8832xf32, #tpu.memory_space<vmem>>, vector<16xf32>,
        %add3A_544 = arith.constant 544 : i32
        %add3A_545 = arith.addi %mul3A_69, %add3A_544 : i32
        %add3A_546 = arith.addi %mul3A_33, %add3A_545 : i32
        %get3A_547 = arith.index_cast %add3A_546 : i32 to index
        %get3A_548 = tpu.vector_load %arg8[%get3A_547] {strides = array<i32>} : memref<17664xi32, #tpu.memory_space<vmem>>, vector<16xi32>,
        %sub3A_549 = vector.broadcast %sub3A : i32 to vector<16xi32>
        %sub3A_550 = arith.subi %get3A_548, %sub3A_549 : vector<16xi32>
        %gather3A_551 = tpu.vector_load_idx %arg7[%sub3A_550] : memref<33856xf32, #tpu.memory_space<vmem>>[vector<16xi32>], vector<16xf32>,
        %mul3A_552 = arith.mulf %gather3A_551, %get3A_1 : vector<16xf32>
        %get3A_553 = arith.constant 544 : index
        %get3A_554 = tpu.vector_load %arg10[%get3A_553] {strides = array<i32>} : memref<1104xf32, #tpu.memory_space<vmem>>, vector<16xf32>,
        %add3A_555 = arith.addf %mul3A_552, %get3A_554 : vector<16xf32>
        %swap3A_556 = arith.index_cast %add3A_545 : i32 to index
        %swap3A_557 = tpu.vector_load %arg9[%swap3A_556] {strides = array<i32>} : memref<8832xf32, #tpu.memory_space<vmem>>, vector<16xf32>,
        tpu.vector_store %arg9[%swap3A_556], %add3A_555 {strides = array<i32>} : memref<8832xf32, #tpu.memory_space<vmem>>, vector<16xf32>,
        %add3A_558 = arith.constant 560 : i32
        %add3A_559 = arith.addi %mul3A_69, %add3A_558 : i32
        %add3A_560 = arith.addi %mul3A_33, %add3A_559 : i32
        %get3A_561 = arith.index_cast %add3A_560 : i32 to index
        %get3A_562 = tpu.vector_load %arg8[%get3A_561] {strides = array<i32>} : memref<17664xi32, #tpu.memory_space<vmem>>, vector<16xi32>,
        %sub3A_563 = vector.broadcast %sub3A : i32 to vector<16xi32>
        %sub3A_564 = arith.subi %get3A_562, %sub3A_563 : vector<16xi32>
        %gather3A_565 = tpu.vector_load_idx %arg7[%sub3A_564] : memref<33856xf32, #tpu.memory_space<vmem>>[vector<16xi32>], vector<16xf32>,
        %mul3A_566 = arith.mulf %gather3A_565, %get3A_1 : vector<16xf32>
        %get3A_567 = arith.constant 560 : index
        %get3A_568 = tpu.vector_load %arg10[%get3A_567] {strides = array<i32>} : memref<1104xf32, #tpu.memory_space<vmem>>, vector<16xf32>,
        %add3A_569 = arith.addf %mul3A_566, %get3A_568 : vector<16xf32>
        %swap3A_570 = arith.index_cast %add3A_559 : i32 to index
        %swap3A_571 = tpu.vector_load %arg9[%swap3A_570] {strides = array<i32>} : memref<8832xf32, #tpu.memory_space<vmem>>, vector<16xf32>,
        tpu.vector_store %arg9[%swap3A_570], %add3A_569 {strides = array<i32>} : memref<8832xf32, #tpu.memory_space<vmem>>, vector<16xf32>,
        %add3A_572 = arith.constant 576 : i32
        %add3A_573 = arith.addi %mul3A_69, %add3A_572 : i32
        %add3A_574 = arith.addi %mul3A_33, %add3A_573 : i32
        %get3A_575 = arith.index_cast %add3A_574 : i32 to index
        %get3A_576 = tpu.vector_load %arg8[%get3A_575] {strides = array<i32>} : memref<17664xi32, #tpu.memory_space<vmem>>, vector<16xi32>,
        %sub3A_577 = vector.broadcast %sub3A : i32 to vector<16xi32>
        %sub3A_578 = arith.subi %get3A_576, %sub3A_577 : vector<16xi32>
        %gather3A_579 = tpu.vector_load_idx %arg7[%sub3A_578] : memref<33856xf32, #tpu.memory_space<vmem>>[vector<16xi32>], vector<16xf32>,
        %mul3A_580 = arith.mulf %gather3A_579, %get3A_1 : vector<16xf32>
        %get3A_581 = arith.constant 576 : index
        %get3A_582 = tpu.vector_load %arg10[%get3A_581] {strides = array<i32>} : memref<1104xf32, #tpu.memory_space<vmem>>, vector<16xf32>,
        %add3A_583 = arith.addf %mul3A_580, %get3A_582 : vector<16xf32>
        %swap3A_584 = arith.index_cast %add3A_573 : i32 to index
        %swap3A_585 = tpu.vector_load %arg9[%swap3A_584] {strides = array<i32>} : memref<8832xf32, #tpu.memory_space<vmem>>, vector<16xf32>,
        tpu.vector_store %arg9[%swap3A_584], %add3A_583 {strides = array<i32>} : memref<8832xf32, #tpu.memory_space<vmem>>, vector<16xf32>,
        %add3A_586 = arith.constant 592 : i32
        %add3A_587 = arith.addi %mul3A_69, %add3A_586 : i32
        %add3A_588 = arith.addi %mul3A_33, %add3A_587 : i32
        %get3A_589 = arith.index_cast %add3A_588 : i32 to index
        %get3A_590 = tpu.vector_load %arg8[%get3A_589] {strides = array<i32>} : memref<17664xi32, #tpu.memory_space<vmem>>, vector<16xi32>,
        %sub3A_591 = vector.broadcast %sub3A : i32 to vector<16xi32>
        %sub3A_592 = arith.subi %get3A_590, %sub3A_591 : vector<16xi32>
        %gather3A_593 = tpu.vector_load_idx %arg7[%sub3A_592] : memref<33856xf32, #tpu.memory_space<vmem>>[vector<16xi32>], vector<16xf32>,
        %mul3A_594 = arith.mulf %gather3A_593, %get3A_1 : vector<16xf32>
        %get3A_595 = arith.constant 592 : index
        %get3A_596 = tpu.vector_load %arg10[%get3A_595] {strides = array<i32>} : memref<1104xf32, #tpu.memory_space<vmem>>, vector<16xf32>,
        %add3A_597 = arith.addf %mul3A_594, %get3A_596 : vector<16xf32>
        %swap3A_598 = arith.index_cast %add3A_587 : i32 to index
        %swap3A_599 = tpu.vector_load %arg9[%swap3A_598] {strides = array<i32>} : memref<8832xf32, #tpu.memory_space<vmem>>, vector<16xf32>,
        tpu.vector_store %arg9[%swap3A_598], %add3A_597 {strides = array<i32>} : memref<8832xf32, #tpu.memory_space<vmem>>, vector<16xf32>,
        %add3A_600 = arith.constant 608 : i32
        %add3A_601 = arith.addi %mul3A_69, %add3A_600 : i32
        %add3A_602 = arith.addi %mul3A_33, %add3A_601 : i32
        %get3A_603 = arith.index_cast %add3A_602 : i32 to index
        %get3A_604 = tpu.vector_load %arg8[%get3A_603] {strides = array<i32>} : memref<17664xi32, #tpu.memory_space<vmem>>, vector<16xi32>,
        %sub3A_605 = vector.broadcast %sub3A : i32 to vector<16xi32>
        %sub3A_606 = arith.subi %get3A_604, %sub3A_605 : vector<16xi32>
        %gather3A_607 = tpu.vector_load_idx %arg7[%sub3A_606] : memref<33856xf32, #tpu.memory_space<vmem>>[vector<16xi32>], vector<16xf32>,
        %mul3A_608 = arith.mulf %gather3A_607, %get3A_1 : vector<16xf32>
        %get3A_609 = arith.constant 608 : index
        %get3A_610 = tpu.vector_load %arg10[%get3A_609] {strides = array<i32>} : memref<1104xf32, #tpu.memory_space<vmem>>, vector<16xf32>,
        %add3A_611 = arith.addf %mul3A_608, %get3A_610 : vector<16xf32>
        %swap3A_612 = arith.index_cast %add3A_601 : i32 to index
        %swap3A_613 = tpu.vector_load %arg9[%swap3A_612] {strides = array<i32>} : memref<8832xf32, #tpu.memory_space<vmem>>, vector<16xf32>,
        tpu.vector_store %arg9[%swap3A_612], %add3A_611 {strides = array<i32>} : memref<8832xf32, #tpu.memory_space<vmem>>, vector<16xf32>,
        %add3A_614 = arith.constant 624 : i32
        %add3A_615 = arith.addi %mul3A_69, %add3A_614 : i32
        %add3A_616 = arith.addi %mul3A_33, %add3A_615 : i32
        %get3A_617 = arith.index_cast %add3A_616 : i32 to index
        %get3A_618 = tpu.vector_load %arg8[%get3A_617] {strides = array<i32>} : memref<17664xi32, #tpu.memory_space<vmem>>, vector<16xi32>,
        %sub3A_619 = vector.broadcast %sub3A : i32 to vector<16xi32>
        %sub3A_620 = arith.subi %get3A_618, %sub3A_619 : vector<16xi32>
        %gather3A_621 = tpu.vector_load_idx %arg7[%sub3A_620] : memref<33856xf32, #tpu.memory_space<vmem>>[vector<16xi32>], vector<16xf32>,
        %mul3A_622 = arith.mulf %gather3A_621, %get3A_1 : vector<16xf32>
        %get3A_623 = arith.constant 624 : index
        %get3A_624 = tpu.vector_load %arg10[%get3A_623] {strides = array<i32>} : memref<1104xf32, #tpu.memory_space<vmem>>, vector<16xf32>,
        %add3A_625 = arith.addf %mul3A_622, %get3A_624 : vector<16xf32>
        %swap3A_626 = arith.index_cast %add3A_615 : i32 to index
        %swap3A_627 = tpu.vector_load %arg9[%swap3A_626] {strides = array<i32>} : memref<8832xf32, #tpu.memory_space<vmem>>, vector<16xf32>,
        tpu.vector_store %arg9[%swap3A_626], %add3A_625 {strides = array<i32>} : memref<8832xf32, #tpu.memory_space<vmem>>, vector<16xf32>,
        %add3A_628 = arith.constant 640 : i32
        %add3A_629 = arith.addi %mul3A_69, %add3A_628 : i32
        %add3A_630 = arith.addi %mul3A_33, %add3A_629 : i32
        %get3A_631 = arith.index_cast %add3A_630 : i32 to index
        %get3A_632 = tpu.vector_load %arg8[%get3A_631] {strides = array<i32>} : memref<17664xi32, #tpu.memory_space<vmem>>, vector<16xi32>,
        %sub3A_633 = vector.broadcast %sub3A : i32 to vector<16xi32>
        %sub3A_634 = arith.subi %get3A_632, %sub3A_633 : vector<16xi32>
        %gather3A_635 = tpu.vector_load_idx %arg7[%sub3A_634] : memref<33856xf32, #tpu.memory_space<vmem>>[vector<16xi32>], vector<16xf32>,
        %mul3A_636 = arith.mulf %gather3A_635, %get3A_1 : vector<16xf32>
        %get3A_637 = arith.constant 640 : index
        %get3A_638 = tpu.vector_load %arg10[%get3A_637] {strides = array<i32>} : memref<1104xf32, #tpu.memory_space<vmem>>, vector<16xf32>,
        %add3A_639 = arith.addf %mul3A_636, %get3A_638 : vector<16xf32>
        %swap3A_640 = arith.index_cast %add3A_629 : i32 to index
        %swap3A_641 = tpu.vector_load %arg9[%swap3A_640] {strides = array<i32>} : memref<8832xf32, #tpu.memory_space<vmem>>, vector<16xf32>,
        tpu.vector_store %arg9[%swap3A_640], %add3A_639 {strides = array<i32>} : memref<8832xf32, #tpu.memory_space<vmem>>, vector<16xf32>,
        %add3A_642 = arith.constant 656 : i32
        %add3A_643 = arith.addi %mul3A_69, %add3A_642 : i32
        %add3A_644 = arith.addi %mul3A_33, %add3A_643 : i32
        %get3A_645 = arith.index_cast %add3A_644 : i32 to index
        %get3A_646 = tpu.vector_load %arg8[%get3A_645] {strides = array<i32>} : memref<17664xi32, #tpu.memory_space<vmem>>, vector<16xi32>,
        %sub3A_647 = vector.broadcast %sub3A : i32 to vector<16xi32>
        %sub3A_648 = arith.subi %get3A_646, %sub3A_647 : vector<16xi32>
        %gather3A_649 = tpu.vector_load_idx %arg7[%sub3A_648] : memref<33856xf32, #tpu.memory_space<vmem>>[vector<16xi32>], vector<16xf32>,
        %mul3A_650 = arith.mulf %gather3A_649, %get3A_1 : vector<16xf32>
        %get3A_651 = arith.constant 656 : index
        %get3A_652 = tpu.vector_load %arg10[%get3A_651] {strides = array<i32>} : memref<1104xf32, #tpu.memory_space<vmem>>, vector<16xf32>,
        %add3A_653 = arith.addf %mul3A_650, %get3A_652 : vector<16xf32>
        %swap3A_654 = arith.index_cast %add3A_643 : i32 to index
        %swap3A_655 = tpu.vector_load %arg9[%swap3A_654] {strides = array<i32>} : memref<8832xf32, #tpu.memory_space<vmem>>, vector<16xf32>,
        tpu.vector_store %arg9[%swap3A_654], %add3A_653 {strides = array<i32>} : memref<8832xf32, #tpu.memory_space<vmem>>, vector<16xf32>,
        %add3A_656 = arith.constant 672 : i32
        %add3A_657 = arith.addi %mul3A_69, %add3A_656 : i32
        %add3A_658 = arith.addi %mul3A_33, %add3A_657 : i32
        %get3A_659 = arith.index_cast %add3A_658 : i32 to index
        %get3A_660 = tpu.vector_load %arg8[%get3A_659] {strides = array<i32>} : memref<17664xi32, #tpu.memory_space<vmem>>, vector<16xi32>,
        %sub3A_661 = vector.broadcast %sub3A : i32 to vector<16xi32>
        %sub3A_662 = arith.subi %get3A_660, %sub3A_661 : vector<16xi32>
        %gather3A_663 = tpu.vector_load_idx %arg7[%sub3A_662] : memref<33856xf32, #tpu.memory_space<vmem>>[vector<16xi32>], vector<16xf32>,
        %mul3A_664 = arith.mulf %gather3A_663, %get3A_1 : vector<16xf32>
        %get3A_665 = arith.constant 672 : index
        %get3A_666 = tpu.vector_load %arg10[%get3A_665] {strides = array<i32>} : memref<1104xf32, #tpu.memory_space<vmem>>, vector<16xf32>,
        %add3A_667 = arith.addf %mul3A_664, %get3A_666 : vector<16xf32>
        %swap3A_668 = arith.index_cast %add3A_657 : i32 to index
        %swap3A_669 = tpu.vector_load %arg9[%swap3A_668] {strides = array<i32>} : memref<8832xf32, #tpu.memory_space<vmem>>, vector<16xf32>,
        tpu.vector_store %arg9[%swap3A_668], %add3A_667 {strides = array<i32>} : memref<8832xf32, #tpu.memory_space<vmem>>, vector<16xf32>,
        %add3A_670 = arith.constant 688 : i32
        %add3A_671 = arith.addi %mul3A_69, %add3A_670 : i32
        %add3A_672 = arith.addi %mul3A_33, %add3A_671 : i32
        %get3A_673 = arith.index_cast %add3A_672 : i32 to index
        %get3A_674 = tpu.vector_load %arg8[%get3A_673] {strides = array<i32>} : memref<17664xi32, #tpu.memory_space<vmem>>, vector<16xi32>,
        %sub3A_675 = vector.broadcast %sub3A : i32 to vector<16xi32>
        %sub3A_676 = arith.subi %get3A_674, %sub3A_675 : vector<16xi32>
        %gather3A_677 = tpu.vector_load_idx %arg7[%sub3A_676] : memref<33856xf32, #tpu.memory_space<vmem>>[vector<16xi32>], vector<16xf32>,
        %mul3A_678 = arith.mulf %gather3A_677, %get3A_1 : vector<16xf32>
        %get3A_679 = arith.constant 688 : index
        %get3A_680 = tpu.vector_load %arg10[%get3A_679] {strides = array<i32>} : memref<1104xf32, #tpu.memory_space<vmem>>, vector<16xf32>,
        %add3A_681 = arith.addf %mul3A_678, %get3A_680 : vector<16xf32>
        %swap3A_682 = arith.index_cast %add3A_671 : i32 to index
        %swap3A_683 = tpu.vector_load %arg9[%swap3A_682] {strides = array<i32>} : memref<8832xf32, #tpu.memory_space<vmem>>, vector<16xf32>,
        tpu.vector_store %arg9[%swap3A_682], %add3A_681 {strides = array<i32>} : memref<8832xf32, #tpu.memory_space<vmem>>, vector<16xf32>,
        %add3A_684 = arith.constant 704 : i32
        %add3A_685 = arith.addi %mul3A_69, %add3A_684 : i32
        %add3A_686 = arith.addi %mul3A_33, %add3A_685 : i32
        %get3A_687 = arith.index_cast %add3A_686 : i32 to index
        %get3A_688 = tpu.vector_load %arg8[%get3A_687] {strides = array<i32>} : memref<17664xi32, #tpu.memory_space<vmem>>, vector<16xi32>,
        %sub3A_689 = vector.broadcast %sub3A : i32 to vector<16xi32>
        %sub3A_690 = arith.subi %get3A_688, %sub3A_689 : vector<16xi32>
        %gather3A_691 = tpu.vector_load_idx %arg7[%sub3A_690] : memref<33856xf32, #tpu.memory_space<vmem>>[vector<16xi32>], vector<16xf32>,
        %mul3A_692 = arith.mulf %gather3A_691, %get3A_1 : vector<16xf32>
        %get3A_693 = arith.constant 704 : index
        %get3A_694 = tpu.vector_load %arg10[%get3A_693] {strides = array<i32>} : memref<1104xf32, #tpu.memory_space<vmem>>, vector<16xf32>,
        %add3A_695 = arith.addf %mul3A_692, %get3A_694 : vector<16xf32>
        %swap3A_696 = arith.index_cast %add3A_685 : i32 to index
        %swap3A_697 = tpu.vector_load %arg9[%swap3A_696] {strides = array<i32>} : memref<8832xf32, #tpu.memory_space<vmem>>, vector<16xf32>,
        tpu.vector_store %arg9[%swap3A_696], %add3A_695 {strides = array<i32>} : memref<8832xf32, #tpu.memory_space<vmem>>, vector<16xf32>,
        %add3A_698 = arith.constant 720 : i32
        %add3A_699 = arith.addi %mul3A_69, %add3A_698 : i32
        %add3A_700 = arith.addi %mul3A_33, %add3A_699 : i32
        %get3A_701 = arith.index_cast %add3A_700 : i32 to index
        %get3A_702 = tpu.vector_load %arg8[%get3A_701] {strides = array<i32>} : memref<17664xi32, #tpu.memory_space<vmem>>, vector<16xi32>,
        %sub3A_703 = vector.broadcast %sub3A : i32 to vector<16xi32>
        %sub3A_704 = arith.subi %get3A_702, %sub3A_703 : vector<16xi32>
        %gather3A_705 = tpu.vector_load_idx %arg7[%sub3A_704] : memref<33856xf32, #tpu.memory_space<vmem>>[vector<16xi32>], vector<16xf32>,
        %mul3A_706 = arith.mulf %gather3A_705, %get3A_1 : vector<16xf32>
        %get3A_707 = arith.constant 720 : index
        %get3A_708 = tpu.vector_load %arg10[%get3A_707] {strides = array<i32>} : memref<1104xf32, #tpu.memory_space<vmem>>, vector<16xf32>,
        %add3A_709 = arith.addf %mul3A_706, %get3A_708 : vector<16xf32>
        %swap3A_710 = arith.index_cast %add3A_699 : i32 to index
        %swap3A_711 = tpu.vector_load %arg9[%swap3A_710] {strides = array<i32>} : memref<8832xf32, #tpu.memory_space<vmem>>, vector<16xf32>,
        tpu.vector_store %arg9[%swap3A_710], %add3A_709 {strides = array<i32>} : memref<8832xf32, #tpu.memory_space<vmem>>, vector<16xf32>,
        %add3A_712 = arith.constant 736 : i32
        %add3A_713 = arith.addi %mul3A_69, %add3A_712 : i32
        %add3A_714 = arith.addi %mul3A_33, %add3A_713 : i32
        %get3A_715 = arith.index_cast %add3A_714 : i32 to index
        %get3A_716 = tpu.vector_load %arg8[%get3A_715] {strides = array<i32>} : memref<17664xi32, #tpu.memory_space<vmem>>, vector<16xi32>,
        %sub3A_717 = vector.broadcast %sub3A : i32 to vector<16xi32>
        %sub3A_718 = arith.subi %get3A_716, %sub3A_717 : vector<16xi32>
        %gather3A_719 = tpu.vector_load_idx %arg7[%sub3A_718] : memref<33856xf32, #tpu.memory_space<vmem>>[vector<16xi32>], vector<16xf32>,
        %mul3A_720 = arith.mulf %gather3A_719, %get3A_1 : vector<16xf32>
        %get3A_721 = arith.constant 736 : index
        %get3A_722 = tpu.vector_load %arg10[%get3A_721] {strides = array<i32>} : memref<1104xf32, #tpu.memory_space<vmem>>, vector<16xf32>,
        %add3A_723 = arith.addf %mul3A_720, %get3A_722 : vector<16xf32>
        %swap3A_724 = arith.index_cast %add3A_713 : i32 to index
        %swap3A_725 = tpu.vector_load %arg9[%swap3A_724] {strides = array<i32>} : memref<8832xf32, #tpu.memory_space<vmem>>, vector<16xf32>,
        tpu.vector_store %arg9[%swap3A_724], %add3A_723 {strides = array<i32>} : memref<8832xf32, #tpu.memory_space<vmem>>, vector<16xf32>,
        %add3A_726 = arith.constant 752 : i32
        %add3A_727 = arith.addi %mul3A_69, %add3A_726 : i32
        %add3A_728 = arith.addi %mul3A_33, %add3A_727 : i32
        %get3A_729 = arith.index_cast %add3A_728 : i32 to index
        %get3A_730 = tpu.vector_load %arg8[%get3A_729] {strides = array<i32>} : memref<17664xi32, #tpu.memory_space<vmem>>, vector<16xi32>,
        %sub3A_731 = vector.broadcast %sub3A : i32 to vector<16xi32>
        %sub3A_732 = arith.subi %get3A_730, %sub3A_731 : vector<16xi32>
        %gather3A_733 = tpu.vector_load_idx %arg7[%sub3A_732] : memref<33856xf32, #tpu.memory_space<vmem>>[vector<16xi32>], vector<16xf32>,
        %mul3A_734 = arith.mulf %gather3A_733, %get3A_1 : vector<16xf32>
        %get3A_735 = arith.constant 752 : index
        %get3A_736 = tpu.vector_load %arg10[%get3A_735] {strides = array<i32>} : memref<1104xf32, #tpu.memory_space<vmem>>, vector<16xf32>,
        %add3A_737 = arith.addf %mul3A_734, %get3A_736 : vector<16xf32>
        %swap3A_738 = arith.index_cast %add3A_727 : i32 to index
        %swap3A_739 = tpu.vector_load %arg9[%swap3A_738] {strides = array<i32>} : memref<8832xf32, #tpu.memory_space<vmem>>, vector<16xf32>,
        tpu.vector_store %arg9[%swap3A_738], %add3A_737 {strides = array<i32>} : memref<8832xf32, #tpu.memory_space<vmem>>, vector<16xf32>,
        %add3A_740 = arith.constant 768 : i32
        %add3A_741 = arith.addi %mul3A_69, %add3A_740 : i32
        %add3A_742 = arith.addi %mul3A_33, %add3A_741 : i32
        %get3A_743 = arith.index_cast %add3A_742 : i32 to index
        %get3A_744 = tpu.vector_load %arg8[%get3A_743] {strides = array<i32>} : memref<17664xi32, #tpu.memory_space<vmem>>, vector<16xi32>,
        %sub3A_745 = vector.broadcast %sub3A : i32 to vector<16xi32>
        %sub3A_746 = arith.subi %get3A_744, %sub3A_745 : vector<16xi32>
        %gather3A_747 = tpu.vector_load_idx %arg7[%sub3A_746] : memref<33856xf32, #tpu.memory_space<vmem>>[vector<16xi32>], vector<16xf32>,
        %mul3A_748 = arith.mulf %gather3A_747, %get3A_1 : vector<16xf32>
        %get3A_749 = arith.constant 768 : index
        %get3A_750 = tpu.vector_load %arg10[%get3A_749] {strides = array<i32>} : memref<1104xf32, #tpu.memory_space<vmem>>, vector<16xf32>,
        %add3A_751 = arith.addf %mul3A_748, %get3A_750 : vector<16xf32>
        %swap3A_752 = arith.index_cast %add3A_741 : i32 to index
        %swap3A_753 = tpu.vector_load %arg9[%swap3A_752] {strides = array<i32>} : memref<8832xf32, #tpu.memory_space<vmem>>, vector<16xf32>,
        tpu.vector_store %arg9[%swap3A_752], %add3A_751 {strides = array<i32>} : memref<8832xf32, #tpu.memory_space<vmem>>, vector<16xf32>,
        %add3A_754 = arith.constant 784 : i32
        %add3A_755 = arith.addi %mul3A_69, %add3A_754 : i32
        %add3A_756 = arith.addi %mul3A_33, %add3A_755 : i32
        %get3A_757 = arith.index_cast %add3A_756 : i32 to index
        %get3A_758 = tpu.vector_load %arg8[%get3A_757] {strides = array<i32>} : memref<17664xi32, #tpu.memory_space<vmem>>, vector<16xi32>,
        %sub3A_759 = vector.broadcast %sub3A : i32 to vector<16xi32>
        %sub3A_760 = arith.subi %get3A_758, %sub3A_759 : vector<16xi32>
        %gather3A_761 = tpu.vector_load_idx %arg7[%sub3A_760] : memref<33856xf32, #tpu.memory_space<vmem>>[vector<16xi32>], vector<16xf32>,
        %mul3A_762 = arith.mulf %gather3A_761, %get3A_1 : vector<16xf32>
        %get3A_763 = arith.constant 784 : index
        %get3A_764 = tpu.vector_load %arg10[%get3A_763] {strides = array<i32>} : memref<1104xf32, #tpu.memory_space<vmem>>, vector<16xf32>,
        %add3A_765 = arith.addf %mul3A_762, %get3A_764 : vector<16xf32>
        %swap3A_766 = arith.index_cast %add3A_755 : i32 to index
        %swap3A_767 = tpu.vector_load %arg9[%swap3A_766] {strides = array<i32>} : memref<8832xf32, #tpu.memory_space<vmem>>, vector<16xf32>,
        tpu.vector_store %arg9[%swap3A_766], %add3A_765 {strides = array<i32>} : memref<8832xf32, #tpu.memory_space<vmem>>, vector<16xf32>,
        %add3A_768 = arith.constant 800 : i32
        %add3A_769 = arith.addi %mul3A_69, %add3A_768 : i32
        %add3A_770 = arith.addi %mul3A_33, %add3A_769 : i32
        %get3A_771 = arith.index_cast %add3A_770 : i32 to index
        %get3A_772 = tpu.vector_load %arg8[%get3A_771] {strides = array<i32>} : memref<17664xi32, #tpu.memory_space<vmem>>, vector<16xi32>,
        %sub3A_773 = vector.broadcast %sub3A : i32 to vector<16xi32>
        %sub3A_774 = arith.subi %get3A_772, %sub3A_773 : vector<16xi32>
        %gather3A_775 = tpu.vector_load_idx %arg7[%sub3A_774] : memref<33856xf32, #tpu.memory_space<vmem>>[vector<16xi32>], vector<16xf32>,
        %mul3A_776 = arith.mulf %gather3A_775, %get3A_1 : vector<16xf32>
        %get3A_777 = arith.constant 800 : index
        %get3A_778 = tpu.vector_load %arg10[%get3A_777] {strides = array<i32>} : memref<1104xf32, #tpu.memory_space<vmem>>, vector<16xf32>,
        %add3A_779 = arith.addf %mul3A_776, %get3A_778 : vector<16xf32>
        %swap3A_780 = arith.index_cast %add3A_769 : i32 to index
        %swap3A_781 = tpu.vector_load %arg9[%swap3A_780] {strides = array<i32>} : memref<8832xf32, #tpu.memory_space<vmem>>, vector<16xf32>,
        tpu.vector_store %arg9[%swap3A_780], %add3A_779 {strides = array<i32>} : memref<8832xf32, #tpu.memory_space<vmem>>, vector<16xf32>,
        %add3A_782 = arith.constant 816 : i32
        %add3A_783 = arith.addi %mul3A_69, %add3A_782 : i32
        %add3A_784 = arith.addi %mul3A_33, %add3A_783 : i32
        %get3A_785 = arith.index_cast %add3A_784 : i32 to index
        %get3A_786 = tpu.vector_load %arg8[%get3A_785] {strides = array<i32>} : memref<17664xi32, #tpu.memory_space<vmem>>, vector<16xi32>,
        %sub3A_787 = vector.broadcast %sub3A : i32 to vector<16xi32>
        %sub3A_788 = arith.subi %get3A_786, %sub3A_787 : vector<16xi32>
        %gather3A_789 = tpu.vector_load_idx %arg7[%sub3A_788] : memref<33856xf32, #tpu.memory_space<vmem>>[vector<16xi32>], vector<16xf32>,
        %mul3A_790 = arith.mulf %gather3A_789, %get3A_1 : vector<16xf32>
        %get3A_791 = arith.constant 816 : index
        %get3A_792 = tpu.vector_load %arg10[%get3A_791] {strides = array<i32>} : memref<1104xf32, #tpu.memory_space<vmem>>, vector<16xf32>,
        %add3A_793 = arith.addf %mul3A_790, %get3A_792 : vector<16xf32>
        %swap3A_794 = arith.index_cast %add3A_783 : i32 to index
        %swap3A_795 = tpu.vector_load %arg9[%swap3A_794] {strides = array<i32>} : memref<8832xf32, #tpu.memory_space<vmem>>, vector<16xf32>,
        tpu.vector_store %arg9[%swap3A_794], %add3A_793 {strides = array<i32>} : memref<8832xf32, #tpu.memory_space<vmem>>, vector<16xf32>,
        %add3A_796 = arith.constant 832 : i32
        %add3A_797 = arith.addi %mul3A_69, %add3A_796 : i32
        %add3A_798 = arith.addi %mul3A_33, %add3A_797 : i32
        %get3A_799 = arith.index_cast %add3A_798 : i32 to index
        %get3A_800 = tpu.vector_load %arg8[%get3A_799] {strides = array<i32>} : memref<17664xi32, #tpu.memory_space<vmem>>, vector<16xi32>,
        %sub3A_801 = vector.broadcast %sub3A : i32 to vector<16xi32>
        %sub3A_802 = arith.subi %get3A_800, %sub3A_801 : vector<16xi32>
        %gather3A_803 = tpu.vector_load_idx %arg7[%sub3A_802] : memref<33856xf32, #tpu.memory_space<vmem>>[vector<16xi32>], vector<16xf32>,
        %mul3A_804 = arith.mulf %gather3A_803, %get3A_1 : vector<16xf32>
        %get3A_805 = arith.constant 832 : index
        %get3A_806 = tpu.vector_load %arg10[%get3A_805] {strides = array<i32>} : memref<1104xf32, #tpu.memory_space<vmem>>, vector<16xf32>,
        %add3A_807 = arith.addf %mul3A_804, %get3A_806 : vector<16xf32>
        %swap3A_808 = arith.index_cast %add3A_797 : i32 to index
        %swap3A_809 = tpu.vector_load %arg9[%swap3A_808] {strides = array<i32>} : memref<8832xf32, #tpu.memory_space<vmem>>, vector<16xf32>,
        tpu.vector_store %arg9[%swap3A_808], %add3A_807 {strides = array<i32>} : memref<8832xf32, #tpu.memory_space<vmem>>, vector<16xf32>,
        %add3A_810 = arith.constant 848 : i32
        %add3A_811 = arith.addi %mul3A_69, %add3A_810 : i32
        %add3A_812 = arith.addi %mul3A_33, %add3A_811 : i32
        %get3A_813 = arith.index_cast %add3A_812 : i32 to index
        %get3A_814 = tpu.vector_load %arg8[%get3A_813] {strides = array<i32>} : memref<17664xi32, #tpu.memory_space<vmem>>, vector<16xi32>,
        %sub3A_815 = vector.broadcast %sub3A : i32 to vector<16xi32>
        %sub3A_816 = arith.subi %get3A_814, %sub3A_815 : vector<16xi32>
        %gather3A_817 = tpu.vector_load_idx %arg7[%sub3A_816] : memref<33856xf32, #tpu.memory_space<vmem>>[vector<16xi32>], vector<16xf32>,
        %mul3A_818 = arith.mulf %gather3A_817, %get3A_1 : vector<16xf32>
        %get3A_819 = arith.constant 848 : index
        %get3A_820 = tpu.vector_load %arg10[%get3A_819] {strides = array<i32>} : memref<1104xf32, #tpu.memory_space<vmem>>, vector<16xf32>,
        %add3A_821 = arith.addf %mul3A_818, %get3A_820 : vector<16xf32>
        %swap3A_822 = arith.index_cast %add3A_811 : i32 to index
        %swap3A_823 = tpu.vector_load %arg9[%swap3A_822] {strides = array<i32>} : memref<8832xf32, #tpu.memory_space<vmem>>, vector<16xf32>,
        tpu.vector_store %arg9[%swap3A_822], %add3A_821 {strides = array<i32>} : memref<8832xf32, #tpu.memory_space<vmem>>, vector<16xf32>,
        %add3A_824 = arith.constant 864 : i32
        %add3A_825 = arith.addi %mul3A_69, %add3A_824 : i32
        %add3A_826 = arith.addi %mul3A_33, %add3A_825 : i32
        %get3A_827 = arith.index_cast %add3A_826 : i32 to index
        %get3A_828 = tpu.vector_load %arg8[%get3A_827] {strides = array<i32>} : memref<17664xi32, #tpu.memory_space<vmem>>, vector<16xi32>,
        %sub3A_829 = vector.broadcast %sub3A : i32 to vector<16xi32>
        %sub3A_830 = arith.subi %get3A_828, %sub3A_829 : vector<16xi32>
        %gather3A_831 = tpu.vector_load_idx %arg7[%sub3A_830] : memref<33856xf32, #tpu.memory_space<vmem>>[vector<16xi32>], vector<16xf32>,
        %mul3A_832 = arith.mulf %gather3A_831, %get3A_1 : vector<16xf32>
        %get3A_833 = arith.constant 864 : index
        %get3A_834 = tpu.vector_load %arg10[%get3A_833] {strides = array<i32>} : memref<1104xf32, #tpu.memory_space<vmem>>, vector<16xf32>,
        %add3A_835 = arith.addf %mul3A_832, %get3A_834 : vector<16xf32>
        %swap3A_836 = arith.index_cast %add3A_825 : i32 to index
        %swap3A_837 = tpu.vector_load %arg9[%swap3A_836] {strides = array<i32>} : memref<8832xf32, #tpu.memory_space<vmem>>, vector<16xf32>,
        tpu.vector_store %arg9[%swap3A_836], %add3A_835 {strides = array<i32>} : memref<8832xf32, #tpu.memory_space<vmem>>, vector<16xf32>,
        %add3A_838 = arith.constant 880 : i32
        %add3A_839 = arith.addi %mul3A_69, %add3A_838 : i32
        %add3A_840 = arith.addi %mul3A_33, %add3A_839 : i32
        %get3A_841 = arith.index_cast %add3A_840 : i32 to index
        %get3A_842 = tpu.vector_load %arg8[%get3A_841] {strides = array<i32>} : memref<17664xi32, #tpu.memory_space<vmem>>, vector<16xi32>,
        %sub3A_843 = vector.broadcast %sub3A : i32 to vector<16xi32>
        %sub3A_844 = arith.subi %get3A_842, %sub3A_843 : vector<16xi32>
        %gather3A_845 = tpu.vector_load_idx %arg7[%sub3A_844] : memref<33856xf32, #tpu.memory_space<vmem>>[vector<16xi32>], vector<16xf32>,
        %mul3A_846 = arith.mulf %gather3A_845, %get3A_1 : vector<16xf32>
        %get3A_847 = arith.constant 880 : index
        %get3A_848 = tpu.vector_load %arg10[%get3A_847] {strides = array<i32>} : memref<1104xf32, #tpu.memory_space<vmem>>, vector<16xf32>,
        %add3A_849 = arith.addf %mul3A_846, %get3A_848 : vector<16xf32>
        %swap3A_850 = arith.index_cast %add3A_839 : i32 to index
        %swap3A_851 = tpu.vector_load %arg9[%swap3A_850] {strides = array<i32>} : memref<8832xf32, #tpu.memory_space<vmem>>, vector<16xf32>,
        tpu.vector_store %arg9[%swap3A_850], %add3A_849 {strides = array<i32>} : memref<8832xf32, #tpu.memory_space<vmem>>, vector<16xf32>,
        %add3A_852 = arith.constant 896 : i32
        %add3A_853 = arith.addi %mul3A_69, %add3A_852 : i32
        %add3A_854 = arith.addi %mul3A_33, %add3A_853 : i32
        %get3A_855 = arith.index_cast %add3A_854 : i32 to index
        %get3A_856 = tpu.vector_load %arg8[%get3A_855] {strides = array<i32>} : memref<17664xi32, #tpu.memory_space<vmem>>, vector<16xi32>,
        %sub3A_857 = vector.broadcast %sub3A : i32 to vector<16xi32>
        %sub3A_858 = arith.subi %get3A_856, %sub3A_857 : vector<16xi32>
        %gather3A_859 = tpu.vector_load_idx %arg7[%sub3A_858] : memref<33856xf32, #tpu.memory_space<vmem>>[vector<16xi32>], vector<16xf32>,
        %mul3A_860 = arith.mulf %gather3A_859, %get3A_1 : vector<16xf32>
        %get3A_861 = arith.constant 896 : index
        %get3A_862 = tpu.vector_load %arg10[%get3A_861] {strides = array<i32>} : memref<1104xf32, #tpu.memory_space<vmem>>, vector<16xf32>,
        %add3A_863 = arith.addf %mul3A_860, %get3A_862 : vector<16xf32>
        %swap3A_864 = arith.index_cast %add3A_853 : i32 to index
        %swap3A_865 = tpu.vector_load %arg9[%swap3A_864] {strides = array<i32>} : memref<8832xf32, #tpu.memory_space<vmem>>, vector<16xf32>,
        tpu.vector_store %arg9[%swap3A_864], %add3A_863 {strides = array<i32>} : memref<8832xf32, #tpu.memory_space<vmem>>, vector<16xf32>,
        %add3A_866 = arith.constant 912 : i32
        %add3A_867 = arith.addi %mul3A_69, %add3A_866 : i32
        %add3A_868 = arith.addi %mul3A_33, %add3A_867 : i32
        %get3A_869 = arith.index_cast %add3A_868 : i32 to index
        %get3A_870 = tpu.vector_load %arg8[%get3A_869] {strides = array<i32>} : memref<17664xi32, #tpu.memory_space<vmem>>, vector<16xi32>,
        %sub3A_871 = vector.broadcast %sub3A : i32 to vector<16xi32>
        %sub3A_872 = arith.subi %get3A_870, %sub3A_871 : vector<16xi32>
        %gather3A_873 = tpu.vector_load_idx %arg7[%sub3A_872] : memref<33856xf32, #tpu.memory_space<vmem>>[vector<16xi32>], vector<16xf32>,
        %mul3A_874 = arith.mulf %gather3A_873, %get3A_1 : vector<16xf32>
        %get3A_875 = arith.constant 912 : index
        %get3A_876 = tpu.vector_load %arg10[%get3A_875] {strides = array<i32>} : memref<1104xf32, #tpu.memory_space<vmem>>, vector<16xf32>,
        %add3A_877 = arith.addf %mul3A_874, %get3A_876 : vector<16xf32>
        %swap3A_878 = arith.index_cast %add3A_867 : i32 to index
        %swap3A_879 = tpu.vector_load %arg9[%swap3A_878] {strides = array<i32>} : memref<8832xf32, #tpu.memory_space<vmem>>, vector<16xf32>,
        tpu.vector_store %arg9[%swap3A_878], %add3A_877 {strides = array<i32>} : memref<8832xf32, #tpu.memory_space<vmem>>, vector<16xf32>,
        %add3A_880 = arith.constant 928 : i32
        %add3A_881 = arith.addi %mul3A_69, %add3A_880 : i32
        %add3A_882 = arith.addi %mul3A_33, %add3A_881 : i32
        %get3A_883 = arith.index_cast %add3A_882 : i32 to index
        %get3A_884 = tpu.vector_load %arg8[%get3A_883] {strides = array<i32>} : memref<17664xi32, #tpu.memory_space<vmem>>, vector<16xi32>,
        %sub3A_885 = vector.broadcast %sub3A : i32 to vector<16xi32>
        %sub3A_886 = arith.subi %get3A_884, %sub3A_885 : vector<16xi32>
        %gather3A_887 = tpu.vector_load_idx %arg7[%sub3A_886] : memref<33856xf32, #tpu.memory_space<vmem>>[vector<16xi32>], vector<16xf32>,
        %mul3A_888 = arith.mulf %gather3A_887, %get3A_1 : vector<16xf32>
        %get3A_889 = arith.constant 928 : index
        %get3A_890 = tpu.vector_load %arg10[%get3A_889] {strides = array<i32>} : memref<1104xf32, #tpu.memory_space<vmem>>, vector<16xf32>,
        %add3A_891 = arith.addf %mul3A_888, %get3A_890 : vector<16xf32>
        %swap3A_892 = arith.index_cast %add3A_881 : i32 to index
        %swap3A_893 = tpu.vector_load %arg9[%swap3A_892] {strides = array<i32>} : memref<8832xf32, #tpu.memory_space<vmem>>, vector<16xf32>,
        tpu.vector_store %arg9[%swap3A_892], %add3A_891 {strides = array<i32>} : memref<8832xf32, #tpu.memory_space<vmem>>, vector<16xf32>,
        %add3A_894 = arith.constant 944 : i32
        %add3A_895 = arith.addi %mul3A_69, %add3A_894 : i32
        %add3A_896 = arith.addi %mul3A_33, %add3A_895 : i32
        %get3A_897 = arith.index_cast %add3A_896 : i32 to index
        %get3A_898 = tpu.vector_load %arg8[%get3A_897] {strides = array<i32>} : memref<17664xi32, #tpu.memory_space<vmem>>, vector<16xi32>,
        %sub3A_899 = vector.broadcast %sub3A : i32 to vector<16xi32>
        %sub3A_900 = arith.subi %get3A_898, %sub3A_899 : vector<16xi32>
        %gather3A_901 = tpu.vector_load_idx %arg7[%sub3A_900] : memref<33856xf32, #tpu.memory_space<vmem>>[vector<16xi32>], vector<16xf32>,
        %mul3A_902 = arith.mulf %gather3A_901, %get3A_1 : vector<16xf32>
        %get3A_903 = arith.constant 944 : index
        %get3A_904 = tpu.vector_load %arg10[%get3A_903] {strides = array<i32>} : memref<1104xf32, #tpu.memory_space<vmem>>, vector<16xf32>,
        %add3A_905 = arith.addf %mul3A_902, %get3A_904 : vector<16xf32>
        %swap3A_906 = arith.index_cast %add3A_895 : i32 to index
        %swap3A_907 = tpu.vector_load %arg9[%swap3A_906] {strides = array<i32>} : memref<8832xf32, #tpu.memory_space<vmem>>, vector<16xf32>,
        tpu.vector_store %arg9[%swap3A_906], %add3A_905 {strides = array<i32>} : memref<8832xf32, #tpu.memory_space<vmem>>, vector<16xf32>,
        %add3A_908 = arith.constant 960 : i32
        %add3A_909 = arith.addi %mul3A_69, %add3A_908 : i32
        %add3A_910 = arith.addi %mul3A_33, %add3A_909 : i32
        %get3A_911 = arith.index_cast %add3A_910 : i32 to index
        %get3A_912 = tpu.vector_load %arg8[%get3A_911] {strides = array<i32>} : memref<17664xi32, #tpu.memory_space<vmem>>, vector<16xi32>,
        %sub3A_913 = vector.broadcast %sub3A : i32 to vector<16xi32>
        %sub3A_914 = arith.subi %get3A_912, %sub3A_913 : vector<16xi32>
        %gather3A_915 = tpu.vector_load_idx %arg7[%sub3A_914] : memref<33856xf32, #tpu.memory_space<vmem>>[vector<16xi32>], vector<16xf32>,
        %mul3A_916 = arith.mulf %gather3A_915, %get3A_1 : vector<16xf32>
        %get3A_917 = arith.constant 960 : index
        %get3A_918 = tpu.vector_load %arg10[%get3A_917] {strides = array<i32>} : memref<1104xf32, #tpu.memory_space<vmem>>, vector<16xf32>,
        %add3A_919 = arith.addf %mul3A_916, %get3A_918 : vector<16xf32>
        %swap3A_920 = arith.index_cast %add3A_909 : i32 to index
        %swap3A_921 = tpu.vector_load %arg9[%swap3A_920] {strides = array<i32>} : memref<8832xf32, #tpu.memory_space<vmem>>, vector<16xf32>,
        tpu.vector_store %arg9[%swap3A_920], %add3A_919 {strides = array<i32>} : memref<8832xf32, #tpu.memory_space<vmem>>, vector<16xf32>,
        %add3A_922 = arith.constant 976 : i32
        %add3A_923 = arith.addi %mul3A_69, %add3A_922 : i32
        %add3A_924 = arith.addi %mul3A_33, %add3A_923 : i32
        %get3A_925 = arith.index_cast %add3A_924 : i32 to index
        %get3A_926 = tpu.vector_load %arg8[%get3A_925] {strides = array<i32>} : memref<17664xi32, #tpu.memory_space<vmem>>, vector<16xi32>,
        %sub3A_927 = vector.broadcast %sub3A : i32 to vector<16xi32>
        %sub3A_928 = arith.subi %get3A_926, %sub3A_927 : vector<16xi32>
        %gather3A_929 = tpu.vector_load_idx %arg7[%sub3A_928] : memref<33856xf32, #tpu.memory_space<vmem>>[vector<16xi32>], vector<16xf32>,
        %mul3A_930 = arith.mulf %gather3A_929, %get3A_1 : vector<16xf32>
        %get3A_931 = arith.constant 976 : index
        %get3A_932 = tpu.vector_load %arg10[%get3A_931] {strides = array<i32>} : memref<1104xf32, #tpu.memory_space<vmem>>, vector<16xf32>,
        %add3A_933 = arith.addf %mul3A_930, %get3A_932 : vector<16xf32>
        %swap3A_934 = arith.index_cast %add3A_923 : i32 to index
        %swap3A_935 = tpu.vector_load %arg9[%swap3A_934] {strides = array<i32>} : memref<8832xf32, #tpu.memory_space<vmem>>, vector<16xf32>,
        tpu.vector_store %arg9[%swap3A_934], %add3A_933 {strides = array<i32>} : memref<8832xf32, #tpu.memory_space<vmem>>, vector<16xf32>,
        %add3A_936 = arith.constant 992 : i32
        %add3A_937 = arith.addi %mul3A_69, %add3A_936 : i32
        %add3A_938 = arith.addi %mul3A_33, %add3A_937 : i32
        %get3A_939 = arith.index_cast %add3A_938 : i32 to index
        %get3A_940 = tpu.vector_load %arg8[%get3A_939] {strides = array<i32>} : memref<17664xi32, #tpu.memory_space<vmem>>, vector<16xi32>,
        %sub3A_941 = vector.broadcast %sub3A : i32 to vector<16xi32>
        %sub3A_942 = arith.subi %get3A_940, %sub3A_941 : vector<16xi32>
        %gather3A_943 = tpu.vector_load_idx %arg7[%sub3A_942] : memref<33856xf32, #tpu.memory_space<vmem>>[vector<16xi32>], vector<16xf32>,
        %mul3A_944 = arith.mulf %gather3A_943, %get3A_1 : vector<16xf32>
        %get3A_945 = arith.constant 992 : index
        %get3A_946 = tpu.vector_load %arg10[%get3A_945] {strides = array<i32>} : memref<1104xf32, #tpu.memory_space<vmem>>, vector<16xf32>,
        %add3A_947 = arith.addf %mul3A_944, %get3A_946 : vector<16xf32>
        %swap3A_948 = arith.index_cast %add3A_937 : i32 to index
        %swap3A_949 = tpu.vector_load %arg9[%swap3A_948] {strides = array<i32>} : memref<8832xf32, #tpu.memory_space<vmem>>, vector<16xf32>,
        tpu.vector_store %arg9[%swap3A_948], %add3A_947 {strides = array<i32>} : memref<8832xf32, #tpu.memory_space<vmem>>, vector<16xf32>,
        %add3A_950 = arith.constant 1008 : i32
        %add3A_951 = arith.addi %mul3A_69, %add3A_950 : i32
        %add3A_952 = arith.addi %mul3A_33, %add3A_951 : i32
        %get3A_953 = arith.index_cast %add3A_952 : i32 to index
        %get3A_954 = tpu.vector_load %arg8[%get3A_953] {strides = array<i32>} : memref<17664xi32, #tpu.memory_space<vmem>>, vector<16xi32>,
        %sub3A_955 = vector.broadcast %sub3A : i32 to vector<16xi32>
        %sub3A_956 = arith.subi %get3A_954, %sub3A_955 : vector<16xi32>
        %gather3A_957 = tpu.vector_load_idx %arg7[%sub3A_956] : memref<33856xf32, #tpu.memory_space<vmem>>[vector<16xi32>], vector<16xf32>,
        %mul3A_958 = arith.mulf %gather3A_957, %get3A_1 : vector<16xf32>
        %get3A_959 = arith.constant 1008 : index
        %get3A_960 = tpu.vector_load %arg10[%get3A_959] {strides = array<i32>} : memref<1104xf32, #tpu.memory_space<vmem>>, vector<16xf32>,
        %add3A_961 = arith.addf %mul3A_958, %get3A_960 : vector<16xf32>
        %swap3A_962 = arith.index_cast %add3A_951 : i32 to index
        %swap3A_963 = tpu.vector_load %arg9[%swap3A_962] {strides = array<i32>} : memref<8832xf32, #tpu.memory_space<vmem>>, vector<16xf32>,
        tpu.vector_store %arg9[%swap3A_962], %add3A_961 {strides = array<i32>} : memref<8832xf32, #tpu.memory_space<vmem>>, vector<16xf32>,
        %add3A_964 = arith.constant 1024 : i32
        %add3A_965 = arith.addi %mul3A_69, %add3A_964 : i32
        %add3A_966 = arith.addi %mul3A_33, %add3A_965 : i32
        %get3A_967 = arith.index_cast %add3A_966 : i32 to index
        %get3A_968 = tpu.vector_load %arg8[%get3A_967] {strides = array<i32>} : memref<17664xi32, #tpu.memory_space<vmem>>, vector<16xi32>,
        %sub3A_969 = vector.broadcast %sub3A : i32 to vector<16xi32>
        %sub3A_970 = arith.subi %get3A_968, %sub3A_969 : vector<16xi32>
        %gather3A_971 = tpu.vector_load_idx %arg7[%sub3A_970] : memref<33856xf32, #tpu.memory_space<vmem>>[vector<16xi32>], vector<16xf32>,
        %mul3A_972 = arith.mulf %gather3A_971, %get3A_1 : vector<16xf32>
        %get3A_973 = arith.constant 1024 : index
        %get3A_974 = tpu.vector_load %arg10[%get3A_973] {strides = array<i32>} : memref<1104xf32, #tpu.memory_space<vmem>>, vector<16xf32>,
        %add3A_975 = arith.addf %mul3A_972, %get3A_974 : vector<16xf32>
        %swap3A_976 = arith.index_cast %add3A_965 : i32 to index
        %swap3A_977 = tpu.vector_load %arg9[%swap3A_976] {strides = array<i32>} : memref<8832xf32, #tpu.memory_space<vmem>>, vector<16xf32>,
        tpu.vector_store %arg9[%swap3A_976], %add3A_975 {strides = array<i32>} : memref<8832xf32, #tpu.memory_space<vmem>>, vector<16xf32>,
        %add3A_978 = arith.constant 1040 : i32
        %add3A_979 = arith.addi %mul3A_69, %add3A_978 : i32
        %add3A_980 = arith.addi %mul3A_33, %add3A_979 : i32
        %get3A_981 = arith.index_cast %add3A_980 : i32 to index
        %get3A_982 = tpu.vector_load %arg8[%get3A_981] {strides = array<i32>} : memref<17664xi32, #tpu.memory_space<vmem>>, vector<16xi32>,
        %sub3A_983 = vector.broadcast %sub3A : i32 to vector<16xi32>
        %sub3A_984 = arith.subi %get3A_982, %sub3A_983 : vector<16xi32>
        %gather3A_985 = tpu.vector_load_idx %arg7[%sub3A_984] : memref<33856xf32, #tpu.memory_space<vmem>>[vector<16xi32>], vector<16xf32>,
        %mul3A_986 = arith.mulf %gather3A_985, %get3A_1 : vector<16xf32>
        %get3A_987 = arith.constant 1040 : index
        %get3A_988 = tpu.vector_load %arg10[%get3A_987] {strides = array<i32>} : memref<1104xf32, #tpu.memory_space<vmem>>, vector<16xf32>,
        %add3A_989 = arith.addf %mul3A_986, %get3A_988 : vector<16xf32>
        %swap3A_990 = arith.index_cast %add3A_979 : i32 to index
        %swap3A_991 = tpu.vector_load %arg9[%swap3A_990] {strides = array<i32>} : memref<8832xf32, #tpu.memory_space<vmem>>, vector<16xf32>,
        tpu.vector_store %arg9[%swap3A_990], %add3A_989 {strides = array<i32>} : memref<8832xf32, #tpu.memory_space<vmem>>, vector<16xf32>,
        %add3A_992 = arith.constant 1056 : i32
        %add3A_993 = arith.addi %mul3A_69, %add3A_992 : i32
        %add3A_994 = arith.addi %mul3A_33, %add3A_993 : i32
        %get3A_995 = arith.index_cast %add3A_994 : i32 to index
        %get3A_996 = tpu.vector_load %arg8[%get3A_995] {strides = array<i32>} : memref<17664xi32, #tpu.memory_space<vmem>>, vector<16xi32>,
        %sub3A_997 = vector.broadcast %sub3A : i32 to vector<16xi32>
        %sub3A_998 = arith.subi %get3A_996, %sub3A_997 : vector<16xi32>
        %gather3A_999 = tpu.vector_load_idx %arg7[%sub3A_998] : memref<33856xf32, #tpu.memory_space<vmem>>[vector<16xi32>], vector<16xf32>,
        %mul3A_1000 = arith.mulf %gather3A_999, %get3A_1 : vector<16xf32>
        %get3A_1001 = arith.constant 1056 : index
        %get3A_1002 = tpu.vector_load %arg10[%get3A_1001] {strides = array<i32>} : memref<1104xf32, #tpu.memory_space<vmem>>, vector<16xf32>,
        %add3A_1003 = arith.addf %mul3A_1000, %get3A_1002 : vector<16xf32>
        %swap3A_1004 = arith.index_cast %add3A_993 : i32 to index
        %swap3A_1005 = tpu.vector_load %arg9[%swap3A_1004] {strides = array<i32>} : memref<8832xf32, #tpu.memory_space<vmem>>, vector<16xf32>,
        tpu.vector_store %arg9[%swap3A_1004], %add3A_1003 {strides = array<i32>} : memref<8832xf32, #tpu.memory_space<vmem>>, vector<16xf32>,
        %add3A_1006 = arith.constant 1072 : i32
        %add3A_1007 = arith.addi %mul3A_69, %add3A_1006 : i32
        %add3A_1008 = arith.addi %mul3A_33, %add3A_1007 : i32
        %get3A_1009 = arith.index_cast %add3A_1008 : i32 to index
        %get3A_1010 = tpu.vector_load %arg8[%get3A_1009] {strides = array<i32>} : memref<17664xi32, #tpu.memory_space<vmem>>, vector<16xi32>,
        %sub3A_1011 = vector.broadcast %sub3A : i32 to vector<16xi32>
        %sub3A_1012 = arith.subi %get3A_1010, %sub3A_1011 : vector<16xi32>
        %gather3A_1013 = tpu.vector_load_idx %arg7[%sub3A_1012] : memref<33856xf32, #tpu.memory_space<vmem>>[vector<16xi32>], vector<16xf32>,
        %mul3A_1014 = arith.mulf %gather3A_1013, %get3A_1 : vector<16xf32>
        %get3A_1015 = arith.constant 1072 : index
        %get3A_1016 = tpu.vector_load %arg10[%get3A_1015] {strides = array<i32>} : memref<1104xf32, #tpu.memory_space<vmem>>, vector<16xf32>,
        %add3A_1017 = arith.addf %mul3A_1014, %get3A_1016 : vector<16xf32>
        %swap3A_1018 = arith.index_cast %add3A_1007 : i32 to index
        %swap3A_1019 = tpu.vector_load %arg9[%swap3A_1018] {strides = array<i32>} : memref<8832xf32, #tpu.memory_space<vmem>>, vector<16xf32>,
        tpu.vector_store %arg9[%swap3A_1018], %add3A_1017 {strides = array<i32>} : memref<8832xf32, #tpu.memory_space<vmem>>, vector<16xf32>,
        %add3A_1020 = arith.constant 1088 : i32
        %add3A_1021 = arith.addi %mul3A_69, %add3A_1020 : i32
        %add3A_1022 = arith.addi %mul3A_33, %add3A_1021 : i32
        %get3A_1023 = arith.index_cast %add3A_1022 : i32 to index
        %get3A_1024 = tpu.vector_load %arg8[%get3A_1023] {strides = array<i32>} : memref<17664xi32, #tpu.memory_space<vmem>>, vector<16xi32>,
        %sub3A_1025 = vector.broadcast %sub3A : i32 to vector<16xi32>
        %sub3A_1026 = arith.subi %get3A_1024, %sub3A_1025 : vector<16xi32>
        %gather3A_1027 = tpu.vector_load_idx %arg7[%sub3A_1026] : memref<33856xf32, #tpu.memory_space<vmem>>[vector<16xi32>], vector<16xf32>,
        %mul3A_1028 = arith.mulf %gather3A_1027, %get3A_1 : vector<16xf32>
        %get3A_1029 = arith.constant 1088 : index
        %get3A_1030 = tpu.vector_load %arg10[%get3A_1029] {strides = array<i32>} : memref<1104xf32, #tpu.memory_space<vmem>>, vector<16xf32>,
        %add3A_1031 = arith.addf %mul3A_1028, %get3A_1030 : vector<16xf32>
        %swap3A_1032 = arith.index_cast %add3A_1021 : i32 to index
        %swap3A_1033 = tpu.vector_load %arg9[%swap3A_1032] {strides = array<i32>} : memref<8832xf32, #tpu.memory_space<vmem>>, vector<16xf32>,
        tpu.vector_store %arg9[%swap3A_1032], %add3A_1031 {strides = array<i32>} : memref<8832xf32, #tpu.memory_space<vmem>>, vector<16xf32>,
        %scan3A_1034 = arith.constant 0 : i32
        scf.yield %scan3A_1034 : i32
      }
      %scan3A_62 = arith.constant 8 : i32
      %mul3A_63 = arith.constant 276 : i32
      %mul3A_64 = arith.muli %add3A_38, %mul3A_63 : i32
      "tpu.region"() ({
        %run_scoped3A = tpu.sem_alloc : memref<!tpu.dma_semaphore, #tpu.memory_space<semaphore_mem>>
        %dma_start3A_66 = tpu.memref_slice %arg6[%mul3A_64] : memref<4521984xf32, #tpu.memory_space<hbm>> -> memref<8832xf32, #tpu.memory_space<hbm>>
        %dma_start3A_67 = tpu.memref_slice %arg6[%mul3A_64] : memref<4521984xf32, #tpu.memory_space<hbm>> -> memref<8832xf32, #tpu.memory_space<hbm>>
        tpu.enqueue_dma source(%arg9 : memref<8832xf32, #tpu.memory_space<vmem>>) target(%dma_start3A_67 : memref<8832xf32, #tpu.memory_space<hbm>>) target_semaphore(%run_scoped3A : memref<!tpu.dma_semaphore, #tpu.memory_space<semaphore_mem>>)
        %dma_wait3A_68 = tpu.memref_slice %arg6[%mul3A_64] : memref<4521984xf32, #tpu.memory_space<hbm>> -> memref<8832xf32, #tpu.memory_space<hbm>>
        %dma_wait3A_69 = tpu.memref_slice %arg6[%mul3A_64] : memref<4521984xf32, #tpu.memory_space<hbm>> -> memref<8832xf32, #tpu.memory_space<hbm>>
        tpu.wait_dma2 semaphore(%run_scoped3A : memref<!tpu.dma_semaphore, #tpu.memory_space<semaphore_mem>>) src(%arg9 : memref<8832xf32, #tpu.memory_space<vmem>>) dst(%dma_wait3A_69 : memref<8832xf32, #tpu.memory_space<hbm>>)
        tpu.yield
      }) : () -> ()
      %scan3A_65 = arith.constant 0 : i32
      scf.yield %scan3A_65 : i32
    }
    %scan3A_24 = arith.constant 16 : i32
    return
  }
}

module attributes {stable_mosaic.version = 14 : i64} {
  func.func @_tc_body(%arg0: i32, %arg1: memref<1024x529xf32, #tpu.memory_space<vmem>>, %arg2: memref<23x276xf32, #tpu.memory_space<vmem>>, %arg3: memref<1024x276xi32, #tpu.memory_space<vmem>>) attributes {dimension_semantics = [#tpu.dimension_semantics<arbitrary>], iteration_bounds = array<i64: 16>, scalar_prefetch = 0 : i64, scratch_operands = 0 : i64, tpu.core_type = #tpu.core_type<tc>, window_params = [{transform_indices = @transform_0, window_bounds = array<i64: 1024, 529>}, {pipeline_mode = #tpu.pipeline_mode<synchronous>, transform_indices = @transform_1, window_bounds = array<i64: 23, 276>}, {transform_indices = @transform_2, window_bounds = array<i64: 1024, 276>}]} {
    %get3A = arith.constant 0 : index
    %get3A_0 = arith.constant 0 : index
    %get3A_1 = vector.load %arg1[%get3A, %get3A_0] : memref<1024x529xf32, #tpu.memory_space<vmem>>, vector<1024x529xf32>
    %mul3A = arith.mulf %get3A_1, %get3A_1 : vector<1024x529xf32>
    %slice3A = vector.extract_strided_slice %mul3A {offsets = [0, 0], sizes = [1024, 23], strides = [1, 1]} : vector<1024x529xf32> to vector<1024x23xf32>
    %slice3A_2 = vector.extract_strided_slice %mul3A {offsets = [0, 23], sizes = [1024, 23], strides = [1, 1]} : vector<1024x529xf32> to vector<1024x23xf32>
    %add3A = arith.addf %slice3A, %slice3A_2 : vector<1024x23xf32>
    %slice3A_3 = vector.extract_strided_slice %mul3A {offsets = [0, 46], sizes = [1024, 23], strides = [1, 1]} : vector<1024x529xf32> to vector<1024x23xf32>
    %add3A_4 = arith.addf %add3A, %slice3A_3 : vector<1024x23xf32>
    %slice3A_5 = vector.extract_strided_slice %mul3A {offsets = [0, 69], sizes = [1024, 23], strides = [1, 1]} : vector<1024x529xf32> to vector<1024x23xf32>
    %add3A_6 = arith.addf %add3A_4, %slice3A_5 : vector<1024x23xf32>
    %slice3A_7 = vector.extract_strided_slice %mul3A {offsets = [0, 92], sizes = [1024, 23], strides = [1, 1]} : vector<1024x529xf32> to vector<1024x23xf32>
    %add3A_8 = arith.addf %add3A_6, %slice3A_7 : vector<1024x23xf32>
    %slice3A_9 = vector.extract_strided_slice %mul3A {offsets = [0, 115], sizes = [1024, 23], strides = [1, 1]} : vector<1024x529xf32> to vector<1024x23xf32>
    %add3A_10 = arith.addf %add3A_8, %slice3A_9 : vector<1024x23xf32>
    %slice3A_11 = vector.extract_strided_slice %mul3A {offsets = [0, 138], sizes = [1024, 23], strides = [1, 1]} : vector<1024x529xf32> to vector<1024x23xf32>
    %add3A_12 = arith.addf %add3A_10, %slice3A_11 : vector<1024x23xf32>
    %slice3A_13 = vector.extract_strided_slice %mul3A {offsets = [0, 161], sizes = [1024, 23], strides = [1, 1]} : vector<1024x529xf32> to vector<1024x23xf32>
    %add3A_14 = arith.addf %add3A_12, %slice3A_13 : vector<1024x23xf32>
    %slice3A_15 = vector.extract_strided_slice %mul3A {offsets = [0, 184], sizes = [1024, 23], strides = [1, 1]} : vector<1024x529xf32> to vector<1024x23xf32>
    %add3A_16 = arith.addf %add3A_14, %slice3A_15 : vector<1024x23xf32>
    %slice3A_17 = vector.extract_strided_slice %mul3A {offsets = [0, 207], sizes = [1024, 23], strides = [1, 1]} : vector<1024x529xf32> to vector<1024x23xf32>
    %add3A_18 = arith.addf %add3A_16, %slice3A_17 : vector<1024x23xf32>
    %slice3A_19 = vector.extract_strided_slice %mul3A {offsets = [0, 230], sizes = [1024, 23], strides = [1, 1]} : vector<1024x529xf32> to vector<1024x23xf32>
    %add3A_20 = arith.addf %add3A_18, %slice3A_19 : vector<1024x23xf32>
    %slice3A_21 = vector.extract_strided_slice %mul3A {offsets = [0, 253], sizes = [1024, 23], strides = [1, 1]} : vector<1024x529xf32> to vector<1024x23xf32>
    %add3A_22 = arith.addf %add3A_20, %slice3A_21 : vector<1024x23xf32>
    %slice3A_23 = vector.extract_strided_slice %mul3A {offsets = [0, 276], sizes = [1024, 23], strides = [1, 1]} : vector<1024x529xf32> to vector<1024x23xf32>
    %add3A_24 = arith.addf %add3A_22, %slice3A_23 : vector<1024x23xf32>
    %slice3A_25 = vector.extract_strided_slice %mul3A {offsets = [0, 299], sizes = [1024, 23], strides = [1, 1]} : vector<1024x529xf32> to vector<1024x23xf32>
    %add3A_26 = arith.addf %add3A_24, %slice3A_25 : vector<1024x23xf32>
    %slice3A_27 = vector.extract_strided_slice %mul3A {offsets = [0, 322], sizes = [1024, 23], strides = [1, 1]} : vector<1024x529xf32> to vector<1024x23xf32>
    %add3A_28 = arith.addf %add3A_26, %slice3A_27 : vector<1024x23xf32>
    %slice3A_29 = vector.extract_strided_slice %mul3A {offsets = [0, 345], sizes = [1024, 23], strides = [1, 1]} : vector<1024x529xf32> to vector<1024x23xf32>
    %add3A_30 = arith.addf %add3A_28, %slice3A_29 : vector<1024x23xf32>
    %slice3A_31 = vector.extract_strided_slice %mul3A {offsets = [0, 368], sizes = [1024, 23], strides = [1, 1]} : vector<1024x529xf32> to vector<1024x23xf32>
    %add3A_32 = arith.addf %add3A_30, %slice3A_31 : vector<1024x23xf32>
    %slice3A_33 = vector.extract_strided_slice %mul3A {offsets = [0, 391], sizes = [1024, 23], strides = [1, 1]} : vector<1024x529xf32> to vector<1024x23xf32>
    %add3A_34 = arith.addf %add3A_32, %slice3A_33 : vector<1024x23xf32>
    %slice3A_35 = vector.extract_strided_slice %mul3A {offsets = [0, 414], sizes = [1024, 23], strides = [1, 1]} : vector<1024x529xf32> to vector<1024x23xf32>
    %add3A_36 = arith.addf %add3A_34, %slice3A_35 : vector<1024x23xf32>
    %slice3A_37 = vector.extract_strided_slice %mul3A {offsets = [0, 437], sizes = [1024, 23], strides = [1, 1]} : vector<1024x529xf32> to vector<1024x23xf32>
    %add3A_38 = arith.addf %add3A_36, %slice3A_37 : vector<1024x23xf32>
    %slice3A_39 = vector.extract_strided_slice %mul3A {offsets = [0, 460], sizes = [1024, 23], strides = [1, 1]} : vector<1024x529xf32> to vector<1024x23xf32>
    %add3A_40 = arith.addf %add3A_38, %slice3A_39 : vector<1024x23xf32>
    %slice3A_41 = vector.extract_strided_slice %mul3A {offsets = [0, 483], sizes = [1024, 23], strides = [1, 1]} : vector<1024x529xf32> to vector<1024x23xf32>
    %add3A_42 = arith.addf %add3A_40, %slice3A_41 : vector<1024x23xf32>
    %slice3A_43 = vector.extract_strided_slice %mul3A {offsets = [0, 506], sizes = [1024, 23], strides = [1, 1]} : vector<1024x529xf32> to vector<1024x23xf32>
    %add3A_44 = arith.addf %add3A_42, %slice3A_43 : vector<1024x23xf32>
    %sqrt3A = math.sqrt %add3A_44 : vector<1024x23xf32>
    %transpose3A = tpu.transpose %sqrt3A, [1, 0] : vector<1024x23xf32> -> vector<23x1024xf32>
    %iota3A = tpu.iota {dimensions = array<i32: 0>} : vector<23x1024xi32>
    %broadcast_in_dim3A = arith.constant 0 : i32
    %broadcast_in_dim3A_45 = vector.broadcast %broadcast_in_dim3A : i32 to vector<23x1024xi32>
    %slice3A_46 = vector.extract_strided_slice %transpose3A {offsets = [0, 0], sizes = [1, 1024], strides = [1, 1]} : vector<23x1024xf32> to vector<1x1024xf32>
    %gt3A = vector.broadcast %slice3A_46 : vector<1x1024xf32> to vector<23x1024xf32>
    %gt3A_47 = arith.cmpf ogt, %gt3A, %transpose3A : vector<23x1024xf32>
    %eq3A = vector.broadcast %slice3A_46 : vector<1x1024xf32> to vector<23x1024xf32>
    %eq3A_48 = arith.cmpf oeq, %eq3A, %transpose3A : vector<23x1024xf32>
    %gt3A_49 = arith.constant 0 : i32
    %gt3A_50 = vector.broadcast %gt3A_49 : i32 to vector<23x1024xi32>
    %gt3A_51 = arith.cmpi sgt, %iota3A, %gt3A_50 : vector<23x1024xi32>
    %and3A = arith.andi %eq3A_48, %gt3A_51 : vector<23x1024xi1>
    %or3A = arith.ori %gt3A_47, %and3A : vector<23x1024xi1>
    %convert_element_type3A = arith.extui %or3A : vector<23x1024xi1> to vector<23x1024xi32>
    %add3A_52 = arith.addi %broadcast_in_dim3A_45, %convert_element_type3A : vector<23x1024xi32>
    %slice3A_53 = vector.extract_strided_slice %transpose3A {offsets = [1, 0], sizes = [1, 1024], strides = [1, 1]} : vector<23x1024xf32> to vector<1x1024xf32>
    %gt3A_54 = vector.broadcast %slice3A_53 : vector<1x1024xf32> to vector<23x1024xf32>
    %gt3A_55 = arith.cmpf ogt, %gt3A_54, %transpose3A : vector<23x1024xf32>
    %eq3A_56 = vector.broadcast %slice3A_53 : vector<1x1024xf32> to vector<23x1024xf32>
    %eq3A_57 = arith.cmpf oeq, %eq3A_56, %transpose3A : vector<23x1024xf32>
    %gt3A_58 = arith.constant 1 : i32
    %gt3A_59 = vector.broadcast %gt3A_58 : i32 to vector<23x1024xi32>
    %gt3A_60 = arith.cmpi sgt, %iota3A, %gt3A_59 : vector<23x1024xi32>
    %and3A_61 = arith.andi %eq3A_57, %gt3A_60 : vector<23x1024xi1>
    %or3A_62 = arith.ori %gt3A_55, %and3A_61 : vector<23x1024xi1>
    %convert_element_type3A_63 = arith.extui %or3A_62 : vector<23x1024xi1> to vector<23x1024xi32>
    %add3A_64 = arith.addi %add3A_52, %convert_element_type3A_63 : vector<23x1024xi32>
    %slice3A_65 = vector.extract_strided_slice %transpose3A {offsets = [2, 0], sizes = [1, 1024], strides = [1, 1]} : vector<23x1024xf32> to vector<1x1024xf32>
    %gt3A_66 = vector.broadcast %slice3A_65 : vector<1x1024xf32> to vector<23x1024xf32>
    %gt3A_67 = arith.cmpf ogt, %gt3A_66, %transpose3A : vector<23x1024xf32>
    %eq3A_68 = vector.broadcast %slice3A_65 : vector<1x1024xf32> to vector<23x1024xf32>
    %eq3A_69 = arith.cmpf oeq, %eq3A_68, %transpose3A : vector<23x1024xf32>
    %gt3A_70 = arith.constant 2 : i32
    %gt3A_71 = vector.broadcast %gt3A_70 : i32 to vector<23x1024xi32>
    %gt3A_72 = arith.cmpi sgt, %iota3A, %gt3A_71 : vector<23x1024xi32>
    %and3A_73 = arith.andi %eq3A_69, %gt3A_72 : vector<23x1024xi1>
    %or3A_74 = arith.ori %gt3A_67, %and3A_73 : vector<23x1024xi1>
    %convert_element_type3A_75 = arith.extui %or3A_74 : vector<23x1024xi1> to vector<23x1024xi32>
    %add3A_76 = arith.addi %add3A_64, %convert_element_type3A_75 : vector<23x1024xi32>
    %slice3A_77 = vector.extract_strided_slice %transpose3A {offsets = [3, 0], sizes = [1, 1024], strides = [1, 1]} : vector<23x1024xf32> to vector<1x1024xf32>
    %gt3A_78 = vector.broadcast %slice3A_77 : vector<1x1024xf32> to vector<23x1024xf32>
    %gt3A_79 = arith.cmpf ogt, %gt3A_78, %transpose3A : vector<23x1024xf32>
    %eq3A_80 = vector.broadcast %slice3A_77 : vector<1x1024xf32> to vector<23x1024xf32>
    %eq3A_81 = arith.cmpf oeq, %eq3A_80, %transpose3A : vector<23x1024xf32>
    %gt3A_82 = arith.constant 3 : i32
    %gt3A_83 = vector.broadcast %gt3A_82 : i32 to vector<23x1024xi32>
    %gt3A_84 = arith.cmpi sgt, %iota3A, %gt3A_83 : vector<23x1024xi32>
    %and3A_85 = arith.andi %eq3A_81, %gt3A_84 : vector<23x1024xi1>
    %or3A_86 = arith.ori %gt3A_79, %and3A_85 : vector<23x1024xi1>
    %convert_element_type3A_87 = arith.extui %or3A_86 : vector<23x1024xi1> to vector<23x1024xi32>
    %add3A_88 = arith.addi %add3A_76, %convert_element_type3A_87 : vector<23x1024xi32>
    %slice3A_89 = vector.extract_strided_slice %transpose3A {offsets = [4, 0], sizes = [1, 1024], strides = [1, 1]} : vector<23x1024xf32> to vector<1x1024xf32>
    %gt3A_90 = vector.broadcast %slice3A_89 : vector<1x1024xf32> to vector<23x1024xf32>
    %gt3A_91 = arith.cmpf ogt, %gt3A_90, %transpose3A : vector<23x1024xf32>
    %eq3A_92 = vector.broadcast %slice3A_89 : vector<1x1024xf32> to vector<23x1024xf32>
    %eq3A_93 = arith.cmpf oeq, %eq3A_92, %transpose3A : vector<23x1024xf32>
    %gt3A_94 = arith.constant 4 : i32
    %gt3A_95 = vector.broadcast %gt3A_94 : i32 to vector<23x1024xi32>
    %gt3A_96 = arith.cmpi sgt, %iota3A, %gt3A_95 : vector<23x1024xi32>
    %and3A_97 = arith.andi %eq3A_93, %gt3A_96 : vector<23x1024xi1>
    %or3A_98 = arith.ori %gt3A_91, %and3A_97 : vector<23x1024xi1>
    %convert_element_type3A_99 = arith.extui %or3A_98 : vector<23x1024xi1> to vector<23x1024xi32>
    %add3A_100 = arith.addi %add3A_88, %convert_element_type3A_99 : vector<23x1024xi32>
    %slice3A_101 = vector.extract_strided_slice %transpose3A {offsets = [5, 0], sizes = [1, 1024], strides = [1, 1]} : vector<23x1024xf32> to vector<1x1024xf32>
    %gt3A_102 = vector.broadcast %slice3A_101 : vector<1x1024xf32> to vector<23x1024xf32>
    %gt3A_103 = arith.cmpf ogt, %gt3A_102, %transpose3A : vector<23x1024xf32>
    %eq3A_104 = vector.broadcast %slice3A_101 : vector<1x1024xf32> to vector<23x1024xf32>
    %eq3A_105 = arith.cmpf oeq, %eq3A_104, %transpose3A : vector<23x1024xf32>
    %gt3A_106 = arith.constant 5 : i32
    %gt3A_107 = vector.broadcast %gt3A_106 : i32 to vector<23x1024xi32>
    %gt3A_108 = arith.cmpi sgt, %iota3A, %gt3A_107 : vector<23x1024xi32>
    %and3A_109 = arith.andi %eq3A_105, %gt3A_108 : vector<23x1024xi1>
    %or3A_110 = arith.ori %gt3A_103, %and3A_109 : vector<23x1024xi1>
    %convert_element_type3A_111 = arith.extui %or3A_110 : vector<23x1024xi1> to vector<23x1024xi32>
    %add3A_112 = arith.addi %add3A_100, %convert_element_type3A_111 : vector<23x1024xi32>
    %slice3A_113 = vector.extract_strided_slice %transpose3A {offsets = [6, 0], sizes = [1, 1024], strides = [1, 1]} : vector<23x1024xf32> to vector<1x1024xf32>
    %gt3A_114 = vector.broadcast %slice3A_113 : vector<1x1024xf32> to vector<23x1024xf32>
    %gt3A_115 = arith.cmpf ogt, %gt3A_114, %transpose3A : vector<23x1024xf32>
    %eq3A_116 = vector.broadcast %slice3A_113 : vector<1x1024xf32> to vector<23x1024xf32>
    %eq3A_117 = arith.cmpf oeq, %eq3A_116, %transpose3A : vector<23x1024xf32>
    %gt3A_118 = arith.constant 6 : i32
    %gt3A_119 = vector.broadcast %gt3A_118 : i32 to vector<23x1024xi32>
    %gt3A_120 = arith.cmpi sgt, %iota3A, %gt3A_119 : vector<23x1024xi32>
    %and3A_121 = arith.andi %eq3A_117, %gt3A_120 : vector<23x1024xi1>
    %or3A_122 = arith.ori %gt3A_115, %and3A_121 : vector<23x1024xi1>
    %convert_element_type3A_123 = arith.extui %or3A_122 : vector<23x1024xi1> to vector<23x1024xi32>
    %add3A_124 = arith.addi %add3A_112, %convert_element_type3A_123 : vector<23x1024xi32>
    %slice3A_125 = vector.extract_strided_slice %transpose3A {offsets = [7, 0], sizes = [1, 1024], strides = [1, 1]} : vector<23x1024xf32> to vector<1x1024xf32>
    %gt3A_126 = vector.broadcast %slice3A_125 : vector<1x1024xf32> to vector<23x1024xf32>
    %gt3A_127 = arith.cmpf ogt, %gt3A_126, %transpose3A : vector<23x1024xf32>
    %eq3A_128 = vector.broadcast %slice3A_125 : vector<1x1024xf32> to vector<23x1024xf32>
    %eq3A_129 = arith.cmpf oeq, %eq3A_128, %transpose3A : vector<23x1024xf32>
    %gt3A_130 = arith.constant 7 : i32
    %gt3A_131 = vector.broadcast %gt3A_130 : i32 to vector<23x1024xi32>
    %gt3A_132 = arith.cmpi sgt, %iota3A, %gt3A_131 : vector<23x1024xi32>
    %and3A_133 = arith.andi %eq3A_129, %gt3A_132 : vector<23x1024xi1>
    %or3A_134 = arith.ori %gt3A_127, %and3A_133 : vector<23x1024xi1>
    %convert_element_type3A_135 = arith.extui %or3A_134 : vector<23x1024xi1> to vector<23x1024xi32>
    %add3A_136 = arith.addi %add3A_124, %convert_element_type3A_135 : vector<23x1024xi32>
    %slice3A_137 = vector.extract_strided_slice %transpose3A {offsets = [8, 0], sizes = [1, 1024], strides = [1, 1]} : vector<23x1024xf32> to vector<1x1024xf32>
    %gt3A_138 = vector.broadcast %slice3A_137 : vector<1x1024xf32> to vector<23x1024xf32>
    %gt3A_139 = arith.cmpf ogt, %gt3A_138, %transpose3A : vector<23x1024xf32>
    %eq3A_140 = vector.broadcast %slice3A_137 : vector<1x1024xf32> to vector<23x1024xf32>
    %eq3A_141 = arith.cmpf oeq, %eq3A_140, %transpose3A : vector<23x1024xf32>
    %gt3A_142 = arith.constant 8 : i32
    %gt3A_143 = vector.broadcast %gt3A_142 : i32 to vector<23x1024xi32>
    %gt3A_144 = arith.cmpi sgt, %iota3A, %gt3A_143 : vector<23x1024xi32>
    %and3A_145 = arith.andi %eq3A_141, %gt3A_144 : vector<23x1024xi1>
    %or3A_146 = arith.ori %gt3A_139, %and3A_145 : vector<23x1024xi1>
    %convert_element_type3A_147 = arith.extui %or3A_146 : vector<23x1024xi1> to vector<23x1024xi32>
    %add3A_148 = arith.addi %add3A_136, %convert_element_type3A_147 : vector<23x1024xi32>
    %slice3A_149 = vector.extract_strided_slice %transpose3A {offsets = [9, 0], sizes = [1, 1024], strides = [1, 1]} : vector<23x1024xf32> to vector<1x1024xf32>
    %gt3A_150 = vector.broadcast %slice3A_149 : vector<1x1024xf32> to vector<23x1024xf32>
    %gt3A_151 = arith.cmpf ogt, %gt3A_150, %transpose3A : vector<23x1024xf32>
    %eq3A_152 = vector.broadcast %slice3A_149 : vector<1x1024xf32> to vector<23x1024xf32>
    %eq3A_153 = arith.cmpf oeq, %eq3A_152, %transpose3A : vector<23x1024xf32>
    %gt3A_154 = arith.constant 9 : i32
    %gt3A_155 = vector.broadcast %gt3A_154 : i32 to vector<23x1024xi32>
    %gt3A_156 = arith.cmpi sgt, %iota3A, %gt3A_155 : vector<23x1024xi32>
    %and3A_157 = arith.andi %eq3A_153, %gt3A_156 : vector<23x1024xi1>
    %or3A_158 = arith.ori %gt3A_151, %and3A_157 : vector<23x1024xi1>
    %convert_element_type3A_159 = arith.extui %or3A_158 : vector<23x1024xi1> to vector<23x1024xi32>
    %add3A_160 = arith.addi %add3A_148, %convert_element_type3A_159 : vector<23x1024xi32>
    %slice3A_161 = vector.extract_strided_slice %transpose3A {offsets = [10, 0], sizes = [1, 1024], strides = [1, 1]} : vector<23x1024xf32> to vector<1x1024xf32>
    %gt3A_162 = vector.broadcast %slice3A_161 : vector<1x1024xf32> to vector<23x1024xf32>
    %gt3A_163 = arith.cmpf ogt, %gt3A_162, %transpose3A : vector<23x1024xf32>
    %eq3A_164 = vector.broadcast %slice3A_161 : vector<1x1024xf32> to vector<23x1024xf32>
    %eq3A_165 = arith.cmpf oeq, %eq3A_164, %transpose3A : vector<23x1024xf32>
    %gt3A_166 = arith.constant 10 : i32
    %gt3A_167 = vector.broadcast %gt3A_166 : i32 to vector<23x1024xi32>
    %gt3A_168 = arith.cmpi sgt, %iota3A, %gt3A_167 : vector<23x1024xi32>
    %and3A_169 = arith.andi %eq3A_165, %gt3A_168 : vector<23x1024xi1>
    %or3A_170 = arith.ori %gt3A_163, %and3A_169 : vector<23x1024xi1>
    %convert_element_type3A_171 = arith.extui %or3A_170 : vector<23x1024xi1> to vector<23x1024xi32>
    %add3A_172 = arith.addi %add3A_160, %convert_element_type3A_171 : vector<23x1024xi32>
    %slice3A_173 = vector.extract_strided_slice %transpose3A {offsets = [11, 0], sizes = [1, 1024], strides = [1, 1]} : vector<23x1024xf32> to vector<1x1024xf32>
    %gt3A_174 = vector.broadcast %slice3A_173 : vector<1x1024xf32> to vector<23x1024xf32>
    %gt3A_175 = arith.cmpf ogt, %gt3A_174, %transpose3A : vector<23x1024xf32>
    %eq3A_176 = vector.broadcast %slice3A_173 : vector<1x1024xf32> to vector<23x1024xf32>
    %eq3A_177 = arith.cmpf oeq, %eq3A_176, %transpose3A : vector<23x1024xf32>
    %gt3A_178 = arith.constant 11 : i32
    %gt3A_179 = vector.broadcast %gt3A_178 : i32 to vector<23x1024xi32>
    %gt3A_180 = arith.cmpi sgt, %iota3A, %gt3A_179 : vector<23x1024xi32>
    %and3A_181 = arith.andi %eq3A_177, %gt3A_180 : vector<23x1024xi1>
    %or3A_182 = arith.ori %gt3A_175, %and3A_181 : vector<23x1024xi1>
    %convert_element_type3A_183 = arith.extui %or3A_182 : vector<23x1024xi1> to vector<23x1024xi32>
    %add3A_184 = arith.addi %add3A_172, %convert_element_type3A_183 : vector<23x1024xi32>
    %slice3A_185 = vector.extract_strided_slice %transpose3A {offsets = [12, 0], sizes = [1, 1024], strides = [1, 1]} : vector<23x1024xf32> to vector<1x1024xf32>
    %gt3A_186 = vector.broadcast %slice3A_185 : vector<1x1024xf32> to vector<23x1024xf32>
    %gt3A_187 = arith.cmpf ogt, %gt3A_186, %transpose3A : vector<23x1024xf32>
    %eq3A_188 = vector.broadcast %slice3A_185 : vector<1x1024xf32> to vector<23x1024xf32>
    %eq3A_189 = arith.cmpf oeq, %eq3A_188, %transpose3A : vector<23x1024xf32>
    %gt3A_190 = arith.constant 12 : i32
    %gt3A_191 = vector.broadcast %gt3A_190 : i32 to vector<23x1024xi32>
    %gt3A_192 = arith.cmpi sgt, %iota3A, %gt3A_191 : vector<23x1024xi32>
    %and3A_193 = arith.andi %eq3A_189, %gt3A_192 : vector<23x1024xi1>
    %or3A_194 = arith.ori %gt3A_187, %and3A_193 : vector<23x1024xi1>
    %convert_element_type3A_195 = arith.extui %or3A_194 : vector<23x1024xi1> to vector<23x1024xi32>
    %add3A_196 = arith.addi %add3A_184, %convert_element_type3A_195 : vector<23x1024xi32>
    %slice3A_197 = vector.extract_strided_slice %transpose3A {offsets = [13, 0], sizes = [1, 1024], strides = [1, 1]} : vector<23x1024xf32> to vector<1x1024xf32>
    %gt3A_198 = vector.broadcast %slice3A_197 : vector<1x1024xf32> to vector<23x1024xf32>
    %gt3A_199 = arith.cmpf ogt, %gt3A_198, %transpose3A : vector<23x1024xf32>
    %eq3A_200 = vector.broadcast %slice3A_197 : vector<1x1024xf32> to vector<23x1024xf32>
    %eq3A_201 = arith.cmpf oeq, %eq3A_200, %transpose3A : vector<23x1024xf32>
    %gt3A_202 = arith.constant 13 : i32
    %gt3A_203 = vector.broadcast %gt3A_202 : i32 to vector<23x1024xi32>
    %gt3A_204 = arith.cmpi sgt, %iota3A, %gt3A_203 : vector<23x1024xi32>
    %and3A_205 = arith.andi %eq3A_201, %gt3A_204 : vector<23x1024xi1>
    %or3A_206 = arith.ori %gt3A_199, %and3A_205 : vector<23x1024xi1>
    %convert_element_type3A_207 = arith.extui %or3A_206 : vector<23x1024xi1> to vector<23x1024xi32>
    %add3A_208 = arith.addi %add3A_196, %convert_element_type3A_207 : vector<23x1024xi32>
    %slice3A_209 = vector.extract_strided_slice %transpose3A {offsets = [14, 0], sizes = [1, 1024], strides = [1, 1]} : vector<23x1024xf32> to vector<1x1024xf32>
    %gt3A_210 = vector.broadcast %slice3A_209 : vector<1x1024xf32> to vector<23x1024xf32>
    %gt3A_211 = arith.cmpf ogt, %gt3A_210, %transpose3A : vector<23x1024xf32>
    %eq3A_212 = vector.broadcast %slice3A_209 : vector<1x1024xf32> to vector<23x1024xf32>
    %eq3A_213 = arith.cmpf oeq, %eq3A_212, %transpose3A : vector<23x1024xf32>
    %gt3A_214 = arith.constant 14 : i32
    %gt3A_215 = vector.broadcast %gt3A_214 : i32 to vector<23x1024xi32>
    %gt3A_216 = arith.cmpi sgt, %iota3A, %gt3A_215 : vector<23x1024xi32>
    %and3A_217 = arith.andi %eq3A_213, %gt3A_216 : vector<23x1024xi1>
    %or3A_218 = arith.ori %gt3A_211, %and3A_217 : vector<23x1024xi1>
    %convert_element_type3A_219 = arith.extui %or3A_218 : vector<23x1024xi1> to vector<23x1024xi32>
    %add3A_220 = arith.addi %add3A_208, %convert_element_type3A_219 : vector<23x1024xi32>
    %slice3A_221 = vector.extract_strided_slice %transpose3A {offsets = [15, 0], sizes = [1, 1024], strides = [1, 1]} : vector<23x1024xf32> to vector<1x1024xf32>
    %gt3A_222 = vector.broadcast %slice3A_221 : vector<1x1024xf32> to vector<23x1024xf32>
    %gt3A_223 = arith.cmpf ogt, %gt3A_222, %transpose3A : vector<23x1024xf32>
    %eq3A_224 = vector.broadcast %slice3A_221 : vector<1x1024xf32> to vector<23x1024xf32>
    %eq3A_225 = arith.cmpf oeq, %eq3A_224, %transpose3A : vector<23x1024xf32>
    %gt3A_226 = arith.constant 15 : i32
    %gt3A_227 = vector.broadcast %gt3A_226 : i32 to vector<23x1024xi32>
    %gt3A_228 = arith.cmpi sgt, %iota3A, %gt3A_227 : vector<23x1024xi32>
    %and3A_229 = arith.andi %eq3A_225, %gt3A_228 : vector<23x1024xi1>
    %or3A_230 = arith.ori %gt3A_223, %and3A_229 : vector<23x1024xi1>
    %convert_element_type3A_231 = arith.extui %or3A_230 : vector<23x1024xi1> to vector<23x1024xi32>
    %add3A_232 = arith.addi %add3A_220, %convert_element_type3A_231 : vector<23x1024xi32>
    %slice3A_233 = vector.extract_strided_slice %transpose3A {offsets = [16, 0], sizes = [1, 1024], strides = [1, 1]} : vector<23x1024xf32> to vector<1x1024xf32>
    %gt3A_234 = vector.broadcast %slice3A_233 : vector<1x1024xf32> to vector<23x1024xf32>
    %gt3A_235 = arith.cmpf ogt, %gt3A_234, %transpose3A : vector<23x1024xf32>
    %eq3A_236 = vector.broadcast %slice3A_233 : vector<1x1024xf32> to vector<23x1024xf32>
    %eq3A_237 = arith.cmpf oeq, %eq3A_236, %transpose3A : vector<23x1024xf32>
    %gt3A_238 = arith.constant 16 : i32
    %gt3A_239 = vector.broadcast %gt3A_238 : i32 to vector<23x1024xi32>
    %gt3A_240 = arith.cmpi sgt, %iota3A, %gt3A_239 : vector<23x1024xi32>
    %and3A_241 = arith.andi %eq3A_237, %gt3A_240 : vector<23x1024xi1>
    %or3A_242 = arith.ori %gt3A_235, %and3A_241 : vector<23x1024xi1>
    %convert_element_type3A_243 = arith.extui %or3A_242 : vector<23x1024xi1> to vector<23x1024xi32>
    %add3A_244 = arith.addi %add3A_232, %convert_element_type3A_243 : vector<23x1024xi32>
    %slice3A_245 = vector.extract_strided_slice %transpose3A {offsets = [17, 0], sizes = [1, 1024], strides = [1, 1]} : vector<23x1024xf32> to vector<1x1024xf32>
    %gt3A_246 = vector.broadcast %slice3A_245 : vector<1x1024xf32> to vector<23x1024xf32>
    %gt3A_247 = arith.cmpf ogt, %gt3A_246, %transpose3A : vector<23x1024xf32>
    %eq3A_248 = vector.broadcast %slice3A_245 : vector<1x1024xf32> to vector<23x1024xf32>
    %eq3A_249 = arith.cmpf oeq, %eq3A_248, %transpose3A : vector<23x1024xf32>
    %gt3A_250 = arith.constant 17 : i32
    %gt3A_251 = vector.broadcast %gt3A_250 : i32 to vector<23x1024xi32>
    %gt3A_252 = arith.cmpi sgt, %iota3A, %gt3A_251 : vector<23x1024xi32>
    %and3A_253 = arith.andi %eq3A_249, %gt3A_252 : vector<23x1024xi1>
    %or3A_254 = arith.ori %gt3A_247, %and3A_253 : vector<23x1024xi1>
    %convert_element_type3A_255 = arith.extui %or3A_254 : vector<23x1024xi1> to vector<23x1024xi32>
    %add3A_256 = arith.addi %add3A_244, %convert_element_type3A_255 : vector<23x1024xi32>
    %slice3A_257 = vector.extract_strided_slice %transpose3A {offsets = [18, 0], sizes = [1, 1024], strides = [1, 1]} : vector<23x1024xf32> to vector<1x1024xf32>
    %gt3A_258 = vector.broadcast %slice3A_257 : vector<1x1024xf32> to vector<23x1024xf32>
    %gt3A_259 = arith.cmpf ogt, %gt3A_258, %transpose3A : vector<23x1024xf32>
    %eq3A_260 = vector.broadcast %slice3A_257 : vector<1x1024xf32> to vector<23x1024xf32>
    %eq3A_261 = arith.cmpf oeq, %eq3A_260, %transpose3A : vector<23x1024xf32>
    %gt3A_262 = arith.constant 18 : i32
    %gt3A_263 = vector.broadcast %gt3A_262 : i32 to vector<23x1024xi32>
    %gt3A_264 = arith.cmpi sgt, %iota3A, %gt3A_263 : vector<23x1024xi32>
    %and3A_265 = arith.andi %eq3A_261, %gt3A_264 : vector<23x1024xi1>
    %or3A_266 = arith.ori %gt3A_259, %and3A_265 : vector<23x1024xi1>
    %convert_element_type3A_267 = arith.extui %or3A_266 : vector<23x1024xi1> to vector<23x1024xi32>
    %add3A_268 = arith.addi %add3A_256, %convert_element_type3A_267 : vector<23x1024xi32>
    %slice3A_269 = vector.extract_strided_slice %transpose3A {offsets = [19, 0], sizes = [1, 1024], strides = [1, 1]} : vector<23x1024xf32> to vector<1x1024xf32>
    %gt3A_270 = vector.broadcast %slice3A_269 : vector<1x1024xf32> to vector<23x1024xf32>
    %gt3A_271 = arith.cmpf ogt, %gt3A_270, %transpose3A : vector<23x1024xf32>
    %eq3A_272 = vector.broadcast %slice3A_269 : vector<1x1024xf32> to vector<23x1024xf32>
    %eq3A_273 = arith.cmpf oeq, %eq3A_272, %transpose3A : vector<23x1024xf32>
    %gt3A_274 = arith.constant 19 : i32
    %gt3A_275 = vector.broadcast %gt3A_274 : i32 to vector<23x1024xi32>
    %gt3A_276 = arith.cmpi sgt, %iota3A, %gt3A_275 : vector<23x1024xi32>
    %and3A_277 = arith.andi %eq3A_273, %gt3A_276 : vector<23x1024xi1>
    %or3A_278 = arith.ori %gt3A_271, %and3A_277 : vector<23x1024xi1>
    %convert_element_type3A_279 = arith.extui %or3A_278 : vector<23x1024xi1> to vector<23x1024xi32>
    %add3A_280 = arith.addi %add3A_268, %convert_element_type3A_279 : vector<23x1024xi32>
    %slice3A_281 = vector.extract_strided_slice %transpose3A {offsets = [20, 0], sizes = [1, 1024], strides = [1, 1]} : vector<23x1024xf32> to vector<1x1024xf32>
    %gt3A_282 = vector.broadcast %slice3A_281 : vector<1x1024xf32> to vector<23x1024xf32>
    %gt3A_283 = arith.cmpf ogt, %gt3A_282, %transpose3A : vector<23x1024xf32>
    %eq3A_284 = vector.broadcast %slice3A_281 : vector<1x1024xf32> to vector<23x1024xf32>
    %eq3A_285 = arith.cmpf oeq, %eq3A_284, %transpose3A : vector<23x1024xf32>
    %gt3A_286 = arith.constant 20 : i32
    %gt3A_287 = vector.broadcast %gt3A_286 : i32 to vector<23x1024xi32>
    %gt3A_288 = arith.cmpi sgt, %iota3A, %gt3A_287 : vector<23x1024xi32>
    %and3A_289 = arith.andi %eq3A_285, %gt3A_288 : vector<23x1024xi1>
    %or3A_290 = arith.ori %gt3A_283, %and3A_289 : vector<23x1024xi1>
    %convert_element_type3A_291 = arith.extui %or3A_290 : vector<23x1024xi1> to vector<23x1024xi32>
    %add3A_292 = arith.addi %add3A_280, %convert_element_type3A_291 : vector<23x1024xi32>
    %slice3A_293 = vector.extract_strided_slice %transpose3A {offsets = [21, 0], sizes = [1, 1024], strides = [1, 1]} : vector<23x1024xf32> to vector<1x1024xf32>
    %gt3A_294 = vector.broadcast %slice3A_293 : vector<1x1024xf32> to vector<23x1024xf32>
    %gt3A_295 = arith.cmpf ogt, %gt3A_294, %transpose3A : vector<23x1024xf32>
    %eq3A_296 = vector.broadcast %slice3A_293 : vector<1x1024xf32> to vector<23x1024xf32>
    %eq3A_297 = arith.cmpf oeq, %eq3A_296, %transpose3A : vector<23x1024xf32>
    %gt3A_298 = arith.constant 21 : i32
    %gt3A_299 = vector.broadcast %gt3A_298 : i32 to vector<23x1024xi32>
    %gt3A_300 = arith.cmpi sgt, %iota3A, %gt3A_299 : vector<23x1024xi32>
    %and3A_301 = arith.andi %eq3A_297, %gt3A_300 : vector<23x1024xi1>
    %or3A_302 = arith.ori %gt3A_295, %and3A_301 : vector<23x1024xi1>
    %convert_element_type3A_303 = arith.extui %or3A_302 : vector<23x1024xi1> to vector<23x1024xi32>
    %add3A_304 = arith.addi %add3A_292, %convert_element_type3A_303 : vector<23x1024xi32>
    %slice3A_305 = vector.extract_strided_slice %transpose3A {offsets = [22, 0], sizes = [1, 1024], strides = [1, 1]} : vector<23x1024xf32> to vector<1x1024xf32>
    %gt3A_306 = vector.broadcast %slice3A_305 : vector<1x1024xf32> to vector<23x1024xf32>
    %gt3A_307 = arith.cmpf ogt, %gt3A_306, %transpose3A : vector<23x1024xf32>
    %eq3A_308 = vector.broadcast %slice3A_305 : vector<1x1024xf32> to vector<23x1024xf32>
    %eq3A_309 = arith.cmpf oeq, %eq3A_308, %transpose3A : vector<23x1024xf32>
    %gt3A_310 = arith.constant 22 : i32
    %gt3A_311 = vector.broadcast %gt3A_310 : i32 to vector<23x1024xi32>
    %gt3A_312 = arith.cmpi sgt, %iota3A, %gt3A_311 : vector<23x1024xi32>
    %and3A_313 = arith.andi %eq3A_309, %gt3A_312 : vector<23x1024xi1>
    %or3A_314 = arith.ori %gt3A_307, %and3A_313 : vector<23x1024xi1>
    %convert_element_type3A_315 = arith.extui %or3A_314 : vector<23x1024xi1> to vector<23x1024xi32>
    %add3A_316 = arith.addi %add3A_304, %convert_element_type3A_315 : vector<23x1024xi32>
    %broadcast_in_dim3A_317 = arith.constant 0 : i32
    %broadcast_in_dim3A_318 = vector.broadcast %broadcast_in_dim3A_317 : i32 to vector<23x1024xi32>
    %slice3A_319 = vector.extract_strided_slice %add3A_316 {offsets = [0, 0], sizes = [1, 1024], strides = [1, 1]} : vector<23x1024xi32> to vector<1x1024xi32>
    %eq3A_320 = vector.broadcast %slice3A_319 : vector<1x1024xi32> to vector<23x1024xi32>
    %eq3A_321 = arith.cmpi eq, %eq3A_320, %iota3A : vector<23x1024xi32>
    %jit3A = arith.constant 0 : i32
    %jit3A_322 = arith.constant 0 : i32
    %broadcast_in_dim3A_323 = vector.broadcast %jit3A : i32 to vector<23x1024xi32>
    %broadcast_in_dim3A_324 = vector.broadcast %jit3A_322 : i32 to vector<23x1024xi32>
    %select_n3A = arith.select %eq3A_321, %broadcast_in_dim3A_323, %broadcast_in_dim3A_324 : vector<23x1024xi1>, vector<23x1024xi32>
    %add3A_325 = arith.addi %broadcast_in_dim3A_318, %select_n3A : vector<23x1024xi32>
    %slice3A_326 = vector.extract_strided_slice %add3A_316 {offsets = [1, 0], sizes = [1, 1024], strides = [1, 1]} : vector<23x1024xi32> to vector<1x1024xi32>
    %eq3A_327 = vector.broadcast %slice3A_326 : vector<1x1024xi32> to vector<23x1024xi32>
    %eq3A_328 = arith.cmpi eq, %eq3A_327, %iota3A : vector<23x1024xi32>
    %jit3A_329 = arith.constant 1 : i32
    %jit3A_330 = arith.constant 0 : i32
    %broadcast_in_dim3A_331 = vector.broadcast %jit3A_329 : i32 to vector<23x1024xi32>
    %broadcast_in_dim3A_332 = vector.broadcast %jit3A_330 : i32 to vector<23x1024xi32>
    %select_n3A_333 = arith.select %eq3A_328, %broadcast_in_dim3A_331, %broadcast_in_dim3A_332 : vector<23x1024xi1>, vector<23x1024xi32>
    %add3A_334 = arith.addi %add3A_325, %select_n3A_333 : vector<23x1024xi32>
    %slice3A_335 = vector.extract_strided_slice %add3A_316 {offsets = [2, 0], sizes = [1, 1024], strides = [1, 1]} : vector<23x1024xi32> to vector<1x1024xi32>
    %eq3A_336 = vector.broadcast %slice3A_335 : vector<1x1024xi32> to vector<23x1024xi32>
    %eq3A_337 = arith.cmpi eq, %eq3A_336, %iota3A : vector<23x1024xi32>
    %jit3A_338 = arith.constant 2 : i32
    %jit3A_339 = arith.constant 0 : i32
    %broadcast_in_dim3A_340 = vector.broadcast %jit3A_338 : i32 to vector<23x1024xi32>
    %broadcast_in_dim3A_341 = vector.broadcast %jit3A_339 : i32 to vector<23x1024xi32>
    %select_n3A_342 = arith.select %eq3A_337, %broadcast_in_dim3A_340, %broadcast_in_dim3A_341 : vector<23x1024xi1>, vector<23x1024xi32>
    %add3A_343 = arith.addi %add3A_334, %select_n3A_342 : vector<23x1024xi32>
    %slice3A_344 = vector.extract_strided_slice %add3A_316 {offsets = [3, 0], sizes = [1, 1024], strides = [1, 1]} : vector<23x1024xi32> to vector<1x1024xi32>
    %eq3A_345 = vector.broadcast %slice3A_344 : vector<1x1024xi32> to vector<23x1024xi32>
    %eq3A_346 = arith.cmpi eq, %eq3A_345, %iota3A : vector<23x1024xi32>
    %jit3A_347 = arith.constant 3 : i32
    %jit3A_348 = arith.constant 0 : i32
    %broadcast_in_dim3A_349 = vector.broadcast %jit3A_347 : i32 to vector<23x1024xi32>
    %broadcast_in_dim3A_350 = vector.broadcast %jit3A_348 : i32 to vector<23x1024xi32>
    %select_n3A_351 = arith.select %eq3A_346, %broadcast_in_dim3A_349, %broadcast_in_dim3A_350 : vector<23x1024xi1>, vector<23x1024xi32>
    %add3A_352 = arith.addi %add3A_343, %select_n3A_351 : vector<23x1024xi32>
    %slice3A_353 = vector.extract_strided_slice %add3A_316 {offsets = [4, 0], sizes = [1, 1024], strides = [1, 1]} : vector<23x1024xi32> to vector<1x1024xi32>
    %eq3A_354 = vector.broadcast %slice3A_353 : vector<1x1024xi32> to vector<23x1024xi32>
    %eq3A_355 = arith.cmpi eq, %eq3A_354, %iota3A : vector<23x1024xi32>
    %jit3A_356 = arith.constant 4 : i32
    %jit3A_357 = arith.constant 0 : i32
    %broadcast_in_dim3A_358 = vector.broadcast %jit3A_356 : i32 to vector<23x1024xi32>
    %broadcast_in_dim3A_359 = vector.broadcast %jit3A_357 : i32 to vector<23x1024xi32>
    %select_n3A_360 = arith.select %eq3A_355, %broadcast_in_dim3A_358, %broadcast_in_dim3A_359 : vector<23x1024xi1>, vector<23x1024xi32>
    %add3A_361 = arith.addi %add3A_352, %select_n3A_360 : vector<23x1024xi32>
    %slice3A_362 = vector.extract_strided_slice %add3A_316 {offsets = [5, 0], sizes = [1, 1024], strides = [1, 1]} : vector<23x1024xi32> to vector<1x1024xi32>
    %eq3A_363 = vector.broadcast %slice3A_362 : vector<1x1024xi32> to vector<23x1024xi32>
    %eq3A_364 = arith.cmpi eq, %eq3A_363, %iota3A : vector<23x1024xi32>
    %jit3A_365 = arith.constant 5 : i32
    %jit3A_366 = arith.constant 0 : i32
    %broadcast_in_dim3A_367 = vector.broadcast %jit3A_365 : i32 to vector<23x1024xi32>
    %broadcast_in_dim3A_368 = vector.broadcast %jit3A_366 : i32 to vector<23x1024xi32>
    %select_n3A_369 = arith.select %eq3A_364, %broadcast_in_dim3A_367, %broadcast_in_dim3A_368 : vector<23x1024xi1>, vector<23x1024xi32>
    %add3A_370 = arith.addi %add3A_361, %select_n3A_369 : vector<23x1024xi32>
    %slice3A_371 = vector.extract_strided_slice %add3A_316 {offsets = [6, 0], sizes = [1, 1024], strides = [1, 1]} : vector<23x1024xi32> to vector<1x1024xi32>
    %eq3A_372 = vector.broadcast %slice3A_371 : vector<1x1024xi32> to vector<23x1024xi32>
    %eq3A_373 = arith.cmpi eq, %eq3A_372, %iota3A : vector<23x1024xi32>
    %jit3A_374 = arith.constant 6 : i32
    %jit3A_375 = arith.constant 0 : i32
    %broadcast_in_dim3A_376 = vector.broadcast %jit3A_374 : i32 to vector<23x1024xi32>
    %broadcast_in_dim3A_377 = vector.broadcast %jit3A_375 : i32 to vector<23x1024xi32>
    %select_n3A_378 = arith.select %eq3A_373, %broadcast_in_dim3A_376, %broadcast_in_dim3A_377 : vector<23x1024xi1>, vector<23x1024xi32>
    %add3A_379 = arith.addi %add3A_370, %select_n3A_378 : vector<23x1024xi32>
    %slice3A_380 = vector.extract_strided_slice %add3A_316 {offsets = [7, 0], sizes = [1, 1024], strides = [1, 1]} : vector<23x1024xi32> to vector<1x1024xi32>
    %eq3A_381 = vector.broadcast %slice3A_380 : vector<1x1024xi32> to vector<23x1024xi32>
    %eq3A_382 = arith.cmpi eq, %eq3A_381, %iota3A : vector<23x1024xi32>
    %jit3A_383 = arith.constant 7 : i32
    %jit3A_384 = arith.constant 0 : i32
    %broadcast_in_dim3A_385 = vector.broadcast %jit3A_383 : i32 to vector<23x1024xi32>
    %broadcast_in_dim3A_386 = vector.broadcast %jit3A_384 : i32 to vector<23x1024xi32>
    %select_n3A_387 = arith.select %eq3A_382, %broadcast_in_dim3A_385, %broadcast_in_dim3A_386 : vector<23x1024xi1>, vector<23x1024xi32>
    %add3A_388 = arith.addi %add3A_379, %select_n3A_387 : vector<23x1024xi32>
    %slice3A_389 = vector.extract_strided_slice %add3A_316 {offsets = [8, 0], sizes = [1, 1024], strides = [1, 1]} : vector<23x1024xi32> to vector<1x1024xi32>
    %eq3A_390 = vector.broadcast %slice3A_389 : vector<1x1024xi32> to vector<23x1024xi32>
    %eq3A_391 = arith.cmpi eq, %eq3A_390, %iota3A : vector<23x1024xi32>
    %jit3A_392 = arith.constant 8 : i32
    %jit3A_393 = arith.constant 0 : i32
    %broadcast_in_dim3A_394 = vector.broadcast %jit3A_392 : i32 to vector<23x1024xi32>
    %broadcast_in_dim3A_395 = vector.broadcast %jit3A_393 : i32 to vector<23x1024xi32>
    %select_n3A_396 = arith.select %eq3A_391, %broadcast_in_dim3A_394, %broadcast_in_dim3A_395 : vector<23x1024xi1>, vector<23x1024xi32>
    %add3A_397 = arith.addi %add3A_388, %select_n3A_396 : vector<23x1024xi32>
    %slice3A_398 = vector.extract_strided_slice %add3A_316 {offsets = [9, 0], sizes = [1, 1024], strides = [1, 1]} : vector<23x1024xi32> to vector<1x1024xi32>
    %eq3A_399 = vector.broadcast %slice3A_398 : vector<1x1024xi32> to vector<23x1024xi32>
    %eq3A_400 = arith.cmpi eq, %eq3A_399, %iota3A : vector<23x1024xi32>
    %jit3A_401 = arith.constant 9 : i32
    %jit3A_402 = arith.constant 0 : i32
    %broadcast_in_dim3A_403 = vector.broadcast %jit3A_401 : i32 to vector<23x1024xi32>
    %broadcast_in_dim3A_404 = vector.broadcast %jit3A_402 : i32 to vector<23x1024xi32>
    %select_n3A_405 = arith.select %eq3A_400, %broadcast_in_dim3A_403, %broadcast_in_dim3A_404 : vector<23x1024xi1>, vector<23x1024xi32>
    %add3A_406 = arith.addi %add3A_397, %select_n3A_405 : vector<23x1024xi32>
    %slice3A_407 = vector.extract_strided_slice %add3A_316 {offsets = [10, 0], sizes = [1, 1024], strides = [1, 1]} : vector<23x1024xi32> to vector<1x1024xi32>
    %eq3A_408 = vector.broadcast %slice3A_407 : vector<1x1024xi32> to vector<23x1024xi32>
    %eq3A_409 = arith.cmpi eq, %eq3A_408, %iota3A : vector<23x1024xi32>
    %jit3A_410 = arith.constant 10 : i32
    %jit3A_411 = arith.constant 0 : i32
    %broadcast_in_dim3A_412 = vector.broadcast %jit3A_410 : i32 to vector<23x1024xi32>
    %broadcast_in_dim3A_413 = vector.broadcast %jit3A_411 : i32 to vector<23x1024xi32>
    %select_n3A_414 = arith.select %eq3A_409, %broadcast_in_dim3A_412, %broadcast_in_dim3A_413 : vector<23x1024xi1>, vector<23x1024xi32>
    %add3A_415 = arith.addi %add3A_406, %select_n3A_414 : vector<23x1024xi32>
    %slice3A_416 = vector.extract_strided_slice %add3A_316 {offsets = [11, 0], sizes = [1, 1024], strides = [1, 1]} : vector<23x1024xi32> to vector<1x1024xi32>
    %eq3A_417 = vector.broadcast %slice3A_416 : vector<1x1024xi32> to vector<23x1024xi32>
    %eq3A_418 = arith.cmpi eq, %eq3A_417, %iota3A : vector<23x1024xi32>
    %jit3A_419 = arith.constant 11 : i32
    %jit3A_420 = arith.constant 0 : i32
    %broadcast_in_dim3A_421 = vector.broadcast %jit3A_419 : i32 to vector<23x1024xi32>
    %broadcast_in_dim3A_422 = vector.broadcast %jit3A_420 : i32 to vector<23x1024xi32>
    %select_n3A_423 = arith.select %eq3A_418, %broadcast_in_dim3A_421, %broadcast_in_dim3A_422 : vector<23x1024xi1>, vector<23x1024xi32>
    %add3A_424 = arith.addi %add3A_415, %select_n3A_423 : vector<23x1024xi32>
    %slice3A_425 = vector.extract_strided_slice %add3A_316 {offsets = [12, 0], sizes = [1, 1024], strides = [1, 1]} : vector<23x1024xi32> to vector<1x1024xi32>
    %eq3A_426 = vector.broadcast %slice3A_425 : vector<1x1024xi32> to vector<23x1024xi32>
    %eq3A_427 = arith.cmpi eq, %eq3A_426, %iota3A : vector<23x1024xi32>
    %jit3A_428 = arith.constant 12 : i32
    %jit3A_429 = arith.constant 0 : i32
    %broadcast_in_dim3A_430 = vector.broadcast %jit3A_428 : i32 to vector<23x1024xi32>
    %broadcast_in_dim3A_431 = vector.broadcast %jit3A_429 : i32 to vector<23x1024xi32>
    %select_n3A_432 = arith.select %eq3A_427, %broadcast_in_dim3A_430, %broadcast_in_dim3A_431 : vector<23x1024xi1>, vector<23x1024xi32>
    %add3A_433 = arith.addi %add3A_424, %select_n3A_432 : vector<23x1024xi32>
    %slice3A_434 = vector.extract_strided_slice %add3A_316 {offsets = [13, 0], sizes = [1, 1024], strides = [1, 1]} : vector<23x1024xi32> to vector<1x1024xi32>
    %eq3A_435 = vector.broadcast %slice3A_434 : vector<1x1024xi32> to vector<23x1024xi32>
    %eq3A_436 = arith.cmpi eq, %eq3A_435, %iota3A : vector<23x1024xi32>
    %jit3A_437 = arith.constant 13 : i32
    %jit3A_438 = arith.constant 0 : i32
    %broadcast_in_dim3A_439 = vector.broadcast %jit3A_437 : i32 to vector<23x1024xi32>
    %broadcast_in_dim3A_440 = vector.broadcast %jit3A_438 : i32 to vector<23x1024xi32>
    %select_n3A_441 = arith.select %eq3A_436, %broadcast_in_dim3A_439, %broadcast_in_dim3A_440 : vector<23x1024xi1>, vector<23x1024xi32>
    %add3A_442 = arith.addi %add3A_433, %select_n3A_441 : vector<23x1024xi32>
    %slice3A_443 = vector.extract_strided_slice %add3A_316 {offsets = [14, 0], sizes = [1, 1024], strides = [1, 1]} : vector<23x1024xi32> to vector<1x1024xi32>
    %eq3A_444 = vector.broadcast %slice3A_443 : vector<1x1024xi32> to vector<23x1024xi32>
    %eq3A_445 = arith.cmpi eq, %eq3A_444, %iota3A : vector<23x1024xi32>
    %jit3A_446 = arith.constant 14 : i32
    %jit3A_447 = arith.constant 0 : i32
    %broadcast_in_dim3A_448 = vector.broadcast %jit3A_446 : i32 to vector<23x1024xi32>
    %broadcast_in_dim3A_449 = vector.broadcast %jit3A_447 : i32 to vector<23x1024xi32>
    %select_n3A_450 = arith.select %eq3A_445, %broadcast_in_dim3A_448, %broadcast_in_dim3A_449 : vector<23x1024xi1>, vector<23x1024xi32>
    %add3A_451 = arith.addi %add3A_442, %select_n3A_450 : vector<23x1024xi32>
    %slice3A_452 = vector.extract_strided_slice %add3A_316 {offsets = [15, 0], sizes = [1, 1024], strides = [1, 1]} : vector<23x1024xi32> to vector<1x1024xi32>
    %eq3A_453 = vector.broadcast %slice3A_452 : vector<1x1024xi32> to vector<23x1024xi32>
    %eq3A_454 = arith.cmpi eq, %eq3A_453, %iota3A : vector<23x1024xi32>
    %jit3A_455 = arith.constant 15 : i32
    %jit3A_456 = arith.constant 0 : i32
    %broadcast_in_dim3A_457 = vector.broadcast %jit3A_455 : i32 to vector<23x1024xi32>
    %broadcast_in_dim3A_458 = vector.broadcast %jit3A_456 : i32 to vector<23x1024xi32>
    %select_n3A_459 = arith.select %eq3A_454, %broadcast_in_dim3A_457, %broadcast_in_dim3A_458 : vector<23x1024xi1>, vector<23x1024xi32>
    %add3A_460 = arith.addi %add3A_451, %select_n3A_459 : vector<23x1024xi32>
    %slice3A_461 = vector.extract_strided_slice %add3A_316 {offsets = [16, 0], sizes = [1, 1024], strides = [1, 1]} : vector<23x1024xi32> to vector<1x1024xi32>
    %eq3A_462 = vector.broadcast %slice3A_461 : vector<1x1024xi32> to vector<23x1024xi32>
    %eq3A_463 = arith.cmpi eq, %eq3A_462, %iota3A : vector<23x1024xi32>
    %jit3A_464 = arith.constant 16 : i32
    %jit3A_465 = arith.constant 0 : i32
    %broadcast_in_dim3A_466 = vector.broadcast %jit3A_464 : i32 to vector<23x1024xi32>
    %broadcast_in_dim3A_467 = vector.broadcast %jit3A_465 : i32 to vector<23x1024xi32>
    %select_n3A_468 = arith.select %eq3A_463, %broadcast_in_dim3A_466, %broadcast_in_dim3A_467 : vector<23x1024xi1>, vector<23x1024xi32>
    %add3A_469 = arith.addi %add3A_460, %select_n3A_468 : vector<23x1024xi32>
    %slice3A_470 = vector.extract_strided_slice %add3A_316 {offsets = [17, 0], sizes = [1, 1024], strides = [1, 1]} : vector<23x1024xi32> to vector<1x1024xi32>
    %eq3A_471 = vector.broadcast %slice3A_470 : vector<1x1024xi32> to vector<23x1024xi32>
    %eq3A_472 = arith.cmpi eq, %eq3A_471, %iota3A : vector<23x1024xi32>
    %jit3A_473 = arith.constant 17 : i32
    %jit3A_474 = arith.constant 0 : i32
    %broadcast_in_dim3A_475 = vector.broadcast %jit3A_473 : i32 to vector<23x1024xi32>
    %broadcast_in_dim3A_476 = vector.broadcast %jit3A_474 : i32 to vector<23x1024xi32>
    %select_n3A_477 = arith.select %eq3A_472, %broadcast_in_dim3A_475, %broadcast_in_dim3A_476 : vector<23x1024xi1>, vector<23x1024xi32>
    %add3A_478 = arith.addi %add3A_469, %select_n3A_477 : vector<23x1024xi32>
    %slice3A_479 = vector.extract_strided_slice %add3A_316 {offsets = [18, 0], sizes = [1, 1024], strides = [1, 1]} : vector<23x1024xi32> to vector<1x1024xi32>
    %eq3A_480 = vector.broadcast %slice3A_479 : vector<1x1024xi32> to vector<23x1024xi32>
    %eq3A_481 = arith.cmpi eq, %eq3A_480, %iota3A : vector<23x1024xi32>
    %jit3A_482 = arith.constant 18 : i32
    %jit3A_483 = arith.constant 0 : i32
    %broadcast_in_dim3A_484 = vector.broadcast %jit3A_482 : i32 to vector<23x1024xi32>
    %broadcast_in_dim3A_485 = vector.broadcast %jit3A_483 : i32 to vector<23x1024xi32>
    %select_n3A_486 = arith.select %eq3A_481, %broadcast_in_dim3A_484, %broadcast_in_dim3A_485 : vector<23x1024xi1>, vector<23x1024xi32>
    %add3A_487 = arith.addi %add3A_478, %select_n3A_486 : vector<23x1024xi32>
    %slice3A_488 = vector.extract_strided_slice %add3A_316 {offsets = [19, 0], sizes = [1, 1024], strides = [1, 1]} : vector<23x1024xi32> to vector<1x1024xi32>
    %eq3A_489 = vector.broadcast %slice3A_488 : vector<1x1024xi32> to vector<23x1024xi32>
    %eq3A_490 = arith.cmpi eq, %eq3A_489, %iota3A : vector<23x1024xi32>
    %jit3A_491 = arith.constant 19 : i32
    %jit3A_492 = arith.constant 0 : i32
    %broadcast_in_dim3A_493 = vector.broadcast %jit3A_491 : i32 to vector<23x1024xi32>
    %broadcast_in_dim3A_494 = vector.broadcast %jit3A_492 : i32 to vector<23x1024xi32>
    %select_n3A_495 = arith.select %eq3A_490, %broadcast_in_dim3A_493, %broadcast_in_dim3A_494 : vector<23x1024xi1>, vector<23x1024xi32>
    %add3A_496 = arith.addi %add3A_487, %select_n3A_495 : vector<23x1024xi32>
    %slice3A_497 = vector.extract_strided_slice %add3A_316 {offsets = [20, 0], sizes = [1, 1024], strides = [1, 1]} : vector<23x1024xi32> to vector<1x1024xi32>
    %eq3A_498 = vector.broadcast %slice3A_497 : vector<1x1024xi32> to vector<23x1024xi32>
    %eq3A_499 = arith.cmpi eq, %eq3A_498, %iota3A : vector<23x1024xi32>
    %jit3A_500 = arith.constant 20 : i32
    %jit3A_501 = arith.constant 0 : i32
    %broadcast_in_dim3A_502 = vector.broadcast %jit3A_500 : i32 to vector<23x1024xi32>
    %broadcast_in_dim3A_503 = vector.broadcast %jit3A_501 : i32 to vector<23x1024xi32>
    %select_n3A_504 = arith.select %eq3A_499, %broadcast_in_dim3A_502, %broadcast_in_dim3A_503 : vector<23x1024xi1>, vector<23x1024xi32>
    %add3A_505 = arith.addi %add3A_496, %select_n3A_504 : vector<23x1024xi32>
    %slice3A_506 = vector.extract_strided_slice %add3A_316 {offsets = [21, 0], sizes = [1, 1024], strides = [1, 1]} : vector<23x1024xi32> to vector<1x1024xi32>
    %eq3A_507 = vector.broadcast %slice3A_506 : vector<1x1024xi32> to vector<23x1024xi32>
    %eq3A_508 = arith.cmpi eq, %eq3A_507, %iota3A : vector<23x1024xi32>
    %jit3A_509 = arith.constant 21 : i32
    %jit3A_510 = arith.constant 0 : i32
    %broadcast_in_dim3A_511 = vector.broadcast %jit3A_509 : i32 to vector<23x1024xi32>
    %broadcast_in_dim3A_512 = vector.broadcast %jit3A_510 : i32 to vector<23x1024xi32>
    %select_n3A_513 = arith.select %eq3A_508, %broadcast_in_dim3A_511, %broadcast_in_dim3A_512 : vector<23x1024xi1>, vector<23x1024xi32>
    %add3A_514 = arith.addi %add3A_505, %select_n3A_513 : vector<23x1024xi32>
    %slice3A_515 = vector.extract_strided_slice %add3A_316 {offsets = [22, 0], sizes = [1, 1024], strides = [1, 1]} : vector<23x1024xi32> to vector<1x1024xi32>
    %eq3A_516 = vector.broadcast %slice3A_515 : vector<1x1024xi32> to vector<23x1024xi32>
    %eq3A_517 = arith.cmpi eq, %eq3A_516, %iota3A : vector<23x1024xi32>
    %jit3A_518 = arith.constant 22 : i32
    %jit3A_519 = arith.constant 0 : i32
    %broadcast_in_dim3A_520 = vector.broadcast %jit3A_518 : i32 to vector<23x1024xi32>
    %broadcast_in_dim3A_521 = vector.broadcast %jit3A_519 : i32 to vector<23x1024xi32>
    %select_n3A_522 = arith.select %eq3A_517, %broadcast_in_dim3A_520, %broadcast_in_dim3A_521 : vector<23x1024xi1>, vector<23x1024xi32>
    %add3A_523 = arith.addi %add3A_514, %select_n3A_522 : vector<23x1024xi32>
    %transpose3A_524 = tpu.transpose %add3A_523, [1, 0] : vector<23x1024xi32> -> vector<1024x23xi32>
    %convert_element_type3A_525 = arith.sitofp %transpose3A_524 : vector<1024x23xi32> to vector<1024x23xf32>
    %get3A_526 = arith.constant 0 : index
    %get3A_527 = arith.constant 0 : index
    %get3A_528 = vector.load %arg2[%get3A_526, %get3A_527] : memref<23x276xf32, #tpu.memory_space<vmem>>, vector<23x276xf32>
    %dot_general3A = arith.constant dense<0.000000e+00> : vector<1024x276xf32>
    %dot_general3A_529 = tpu.matmul %convert_element_type3A_525, %get3A_528, %dot_general3A {dimension_numbers = #tpu.dot_dimension_numbers<[1], [0], [0], [1], [0, 0, 1, 1], [], []>, transpose_lhs_hint = false} : vector<1024x23xf32>, vector<23x276xf32>, vector<1024x276xf32> -> vector<1024x276xf32>
    %iota3A_530 = tpu.iota {dimensions = array<i32: 0>} : vector<1024x276xi32>
    %convert_element_type3A_531 = arith.fptosi %dot_general3A_529 : vector<1024x276xf32> to vector<1024x276xi32>
    %mul3A_532 = arith.constant 1024 : i32
    %mul3A_533 = arith.muli %arg0, %mul3A_532 : i32
    %add3A_534 = vector.broadcast %mul3A_533 : i32 to vector<1024x276xi32>
    %add3A_535 = arith.addi %add3A_534, %iota3A_530 : vector<1024x276xi32>
    %mul3A_536 = arith.constant 529 : i32
    %mul3A_537 = vector.broadcast %mul3A_536 : i32 to vector<1024x276xi32>
    %mul3A_538 = arith.muli %add3A_535, %mul3A_537 : vector<1024x276xi32>
    %add3A_539 = arith.addi %convert_element_type3A_531, %mul3A_538 : vector<1024x276xi32>
    %swap3A = arith.constant 0 : index
    %swap3A_540 = arith.constant 0 : index
    %swap3A_541 = vector.load %arg3[%swap3A, %swap3A_540] : memref<1024x276xi32, #tpu.memory_space<vmem>>, vector<1024x276xi32>
    tpu.vector_store %arg3[%swap3A, %swap3A_540], %add3A_539 {strides = array<i32>} : memref<1024x276xi32, #tpu.memory_space<vmem>>, vector<1024x276xi32>,
    return
  }
  func.func @transform_0(%arg0: i32) -> (i32, i32) {
    %c0_i32 = arith.constant 0 : i32
    %c0_i32_0 = arith.constant 0 : i32
    return %arg0, %c0_i32 : i32, i32
  }
  func.func @transform_1(%arg0: i32) -> (i32, i32) {
    %c0_i32 = arith.constant 0 : i32
    %c0_i32_0 = arith.constant 0 : i32
    %c0_i32_1 = arith.constant 0 : i32
    return %c0_i32, %c0_i32_0 : i32, i32
  }
  func.func @transform_2(%arg0: i32) -> (i32, i32) {
    %c0_i32 = arith.constant 0 : i32
    %c0_i32_0 = arith.constant 0 : i32
    return %arg0, %c0_i32 : i32, i32
  }
}

</mosaic_0001>

<sc_bundles>
// kernel: kernel.4.cloned.1.call-start
scs
__scs_entry_jumppad:
0x0: {  	(pc) =	sbr.rel $0x88, $3  }
0x1: {  	(tag) =	ssettag $0x0;
	lr =	simm.s32 $0x1  }
0x2: {  	[smem:$0x3F9E] =	sst lr;
	_ =	strace $0xD0000000  }
0x3: {  	_ = 	snop  }
0x4: {  	_ = 	snop  }
0x5: {  	_ = 	snop  }
0x6: {  	_ = 	snop  }
0x7: {  	_ = 	snop  }
__scs_overlays_trampoline_lowered:
0x8: {  	[smem:$0x3FAD] =	sst s0  }
0x9: {  	[smem:$0x3FAE] =	sst s1  }
0xa: {  	[smem:$0x3FAF] =	sst s2  }
0xb: {  	[smem:$0x3FB0] =	sst s3  }
0xc: {  	[smem:$0x3FB1] =	sst s4  }
0xd: {  	[smem:$0x3FB2] =	sst s5  }
0xe: {  	[smem:$0x3FB3] =	sst s6  }
0xf: {  	[smem:$0x3FB4] =	sst s7  }
0x10: {  	[smem:$0x3FB5] =	sst s8  }
0x11: {  	[smem:$0x3FB6] =	sst s9;
	s0 =	simm.s32 @!p0 $0x0  }
0x12: {  	s1 =	sld [smem:$0x3F9C];
	s0 =	simm.s32 @p0 $0x1  }
0x13: {  	[smem:$0x3FB7] =	sst s0;
	s0 =	simm.s32 @!p1 $0x0  }
0x14: {  	s2 =	sld [smem:$0x3F9B];
	s0 =	simm.s32 @p1 $0x1  }
0x15: {  	[smem:$0x3FB8] =	sst s0;
	s0 =	simm.s32 @!p2 $0x0  }
0x16: {  	s3 =	sld [smem:$0x3FDB];
	s0 =	simm.s32 @p2 $0x1  }
0x17: {  	s4 =	simm.s32 $0x1BF5;
	[smem:$0x3FBA] =	sst s0  }
0x18: {  	s0 =	sld [smem:$0x3F9D];
	_ =	swait.ge [sflag:s4], $0x0  }
0x19: {  	s7 =	sld [smem:$0x3F9E]  }
0x1a: {  	s8 =	sadd.s32 $0xFFFFE003, lr  }
0x1b: {  	s9 =	sadd.s32 $0xFFFFFEF7, lr;
	s5 =	simm.s32 $0xFFFFFFFF;
	p2 =	slt.u32 s8, $0xFFFFF086  }
0x1c: {  	p1 =	slt.u32 s9, $0xF7A;
	s5 =	simm.s32 @!p2 $0x0  }
0x1d: {  	s5 =	simm.s32 @p1 $0x1;
	p0 =	seq.s32 s7, s2  }
0x1e: {  	s7 =	smul.u32 @!p0 $0xF7A, s2;
	p2 =	seq.s32 @!p0 s5, $0x0  }
0x1f: {  	s9 =	smul.u32 $0xF7A, s1;
	s8 =	simm.s32 @!p0 $0x1BF5;
	p2 =	por !p2, p0  }
0x20: {  	[sflag:s8] =	ssyncset.s32 @!p0 $0xFFFFF086;
	s6 =	sadd.s32 @!p0 s3, s7;
	s7 =	simm.s32 @!p0 $0x108  }
0x21: {  	s3 =	sadd.s32 s3, s9;
	s6 =	sadd.s32 @!p0 $0x88, s6;
	s7 =	simm.s32 @p2 $0x1082  }
0x22: {  	[simem:s7], [sflag:s8] =	dma.local @!p0 [hbm:s6], $0xF7A  }
0x23: {  	s9 =	sor.u32 $0xD0000000, s2;
	s6 =	simm.s32 $0x108;
	_ =	swait.ge @!p0 [sflag:s8], $0x0  }
0x24: {  	s3 =	sadd.s32 $0x88, s3;
	s6 =	simm.s32 @!p1 $0x1082;
	[sflag:s4] =	ssyncset.s32 $0xFFFFF086  }
0x25: {  	[simem:s6], [sflag:s4] =	dma.local [hbm:s3], $0xF7A  }
0x26: {  	[smem:$0x3F9E] =	sst s1;
	(tag) =	ssettag s2;
	_ =	strace s9  }
0x27: {  	s1 =	sld [smem:$0x3FAE]  }
0x28: {  	s2 =	sld [smem:$0x3FAF]  }
0x29: {  	s4 =	sld [smem:$0x3FB1]  }
0x2a: {  	p0 =	seq.s32 s5, $0x0;
	s5 =	sld [smem:$0x3FB2]  }
0x2b: {  	s6 =	sld [smem:$0x3FB3]  }
0x2c: {  	s7 =	sld [smem:$0x3FB4]  }
0x2d: {  	s3 =	simm.s32 $0x108;
	s8 =	sld [smem:$0x3FB5]  }
0x2e: {  	s3 =	simm.s32 @!p0 $0x1082;
	s9 =	sld [smem:$0x3FB6]  }
0x2f: {  	lr =	sadd.s32 s0, s3;
	s0 =	sld [smem:$0x3FAD]  }
0x30: {  	s3 =	sld [smem:$0x3FB0]  }
0x31: {  	[smem:$0x3FB9] =	sst s10  }
0x32: {  	s10 =	sld [smem:$0x3FB7];
	_ =	sdelay $0x3  }
0x33: {  	p0 =	seq.s32 s10, $0x1;
	s10 =	sld [smem:$0x3FB9];
	_ =	sdelay $0x3  }
0x34: {  	[smem:$0x3FB9] =	sst s10  }
0x35: {  	s10 =	sld [smem:$0x3FB8];
	_ =	sdelay $0x3  }
0x36: {  	p1 =	seq.s32 s10, $0x1;
	s10 =	sld [smem:$0x3FB9];
	_ =	sdelay $0x3  }
0x37: {  	[smem:$0x3FB9] =	sst s10  }
0x38: {  	s10 =	sld [smem:$0x3FBA]  }
0x39: {  	_ = 	snop;
	(pc) =	sbr.ind lr, $3  }
0x3a: {  	_ = 	snop  }
0x3b: {  	_ = 	snop  }
0x3c: {  	p2 =	seq.s32 s10, $0x1;
	s10 =	sld [smem:$0x3FB9]  }
0x3d: {  	_ =	shalt  }
0x3e: {  	_ =	shalt  }
0x3f: {  	_ =	shalt  }
0x40: {  	_ =	shalt  }
0x41: {  	_ =	shalt  }
0x42: {  	_ =	shalt  }
0x43: {  	_ =	shalt  }
0x44: {  	_ =	shalt  }
0x45: {  	_ =	shalt  }
0x46: {  	_ =	shalt  }
0x47: {  	_ =	shalt  }
0x48: {  	_ =	shalt  }
0x49: {  	_ =	shalt  }
0x4a: {  	_ =	shalt  }
0x4b: {  	_ =	shalt  }
0x4c: {  	_ =	shalt  }
0x4d: {  	_ =	shalt  }
0x4e: {  	_ =	shalt  }
0x4f: {  	_ =	shalt  }
0x50: {  	_ =	shalt  }
0x51: {  	_ =	shalt  }
0x52: {  	_ =	shalt  }
0x53: {  	_ =	shalt  }
0x54: {  	_ =	shalt  }
0x55: {  	_ =	shalt  }
0x56: {  	_ =	shalt  }
0x57: {  	_ =	shalt  }
0x58: {  	_ =	shalt  }
0x59: {  	_ =	shalt  }
0x5a: {  	_ =	shalt  }
0x5b: {  	_ =	shalt  }
0x5c: {  	_ =	shalt  }
0x5d: {  	_ =	shalt  }
0x5e: {  	_ =	shalt  }
0x5f: {  	_ =	shalt  }
0x60: {  	_ =	shalt  }
0x61: {  	_ =	shalt  }
0x62: {  	_ =	shalt  }
0x63: {  	_ =	shalt  }
0x64: {  	_ =	shalt  }
0x65: {  	_ =	shalt  }
0x66: {  	_ =	shalt  }
0x67: {  	_ =	shalt  }
0x68: {  	_ =	shalt  }
0x69: {  	_ =	shalt  }
0x6a: {  	_ =	shalt  }
0x6b: {  	_ =	shalt  }
0x6c: {  	_ =	shalt  }
0x6d: {  	_ =	shalt  }
0x6e: {  	_ =	shalt  }
0x6f: {  	_ =	shalt  }
0x70: {  	_ =	shalt  }
0x71: {  	_ =	shalt  }
0x72: {  	_ =	shalt  }
0x73: {  	_ =	shalt  }
0x74: {  	_ =	shalt  }
0x75: {  	_ =	shalt  }
0x76: {  	_ =	shalt  }
0x77: {  	_ =	shalt  }
0x78: {  	_ =	shalt  }
0x79: {  	_ =	shalt  }
0x7a: {  	_ =	shalt  }
0x7b: {  	_ =	shalt  }
0x7c: {  	_ =	shalt  }
0x7d: {  	_ =	shalt  }
0x7e: {  	_ =	shalt  }
0x7f: {  	_ =	shalt  }
0x80: {  	_ =	shalt  }
0x81: {  	_ =	shalt  }
0x82: {  	_ =	shalt  }
0x83: {  	_ =	shalt  }
0x84: {  	_ =	shalt  }
0x85: {  	_ =	shalt  }
0x86: {  	_ =	shalt  }
0x87: {  	_ =	shalt  }
.Lfunc_end0:
.L_simem_size_0:
called_computation_lowered:
.L_overlay_start_0:
0x88: {  	s2 =	sld [smem:$0x3FD9]  }
0x89: {  	s3 =	sld [smem:$0x3FFE];
	_ =	sdelay $0x1  }
0x8a: {  	s1 =	srdreg.scid  }
0x8b: {  	s0 =	sand.u32 $0x1, s1  }
0x8c: {  	s17 =	sshll.u32 s0, $0xA;
	s2 =	sadd.s32 s3, s2  }
0x8d: {  	s2 =	sadd.s32 s2, s17  }
0x8e: {  	[smem:$0x3FC5] =	sst s2  }
0x8f: {  	_ = 	snop  }
0x90: {  	s2 =	sld [smem:$0x3FD0];
	(tm) =	ssettm $0x1  }
0x91: {  	s18 =	sld [smem:$0x3FFB];
	_ =	sdelay $0x3  }
0x92: {  	_ =	strace s18  }
0x93: {  	s3 =	sld [smem:$0x3FFC];
	_ =	sdelay $0x3  }
0x94: {  	_ =	strace s3  }
0x95: {  	s3 =	sld [smem:$0x3FFD];
	_ =	sdelay $0x3  }
0x96: {  	_ =	strace s3  }
0x97: {  	_ =	strace $0x8FFFFFFF  }
0x98: {  	s19 =	sld [smem:$0x3FDB];
	_ =	sdelay $0x1  }
0x99: {  	s4 =	simm.s32 $_scs_section_size  }
0x9a: {  	s5 =	simm.s32 $_size__tile_overlayer_lowered;
	s6 =	simm.s32 $_tile_overlayer_lowered  }
0x9b: {  	s22 =	simm.s32 $0x1BFF;
	s21 =	sshll.u32 s6, $0x1;
	s3 =	sadd.s32 s4, s19  }
0x9c: {  	s7 =	simm.s32 $0x0;
	s20 =	sshll.u32 s5, $0x1;
	s5 =	sadd.s32 s21, s3  }
0x9d: {  	[timem:s7], [sflag:s22] =	dma.local [hbm:s5], s20  }
0x9e: {  	_ =	swait.ge [sflag:s22], s20  }
0x9f: {  	s4 =	ssub.s32 $0x0, s20;
	[sflag:s22] =	ssyncset.done $0x0  }
0xa0: {  	[sflag:s22] =	ssyncadd.s32 s4;
	_ =	sdelay $0x1  }
0xa1: {  	s23 =	simm.s32 $0x1B8B  }
0xa2: {  	_ =	swait.ge [sflag:s23], $0x1  }
0xa3: {  	[sflag:s23] =	ssyncset.done $0x0  }
0xa4: {  	s25 =	simm.s32 $0x1B8E;
	s24 =	sld [smem:$0x3FFE];
	[sflag:s23] =	ssyncadd.s32 $0xFFFFFFFF  }
0xa5: {  	s26 =	simm.s32 $execute0_lowered;
	[smem:$0x3FD2] =	sst s25  }
0xa6: {  	s5 =	sshll.u32 s26, $0x1;
	_ =	strace $0x80000046;
	[dreg:$0x1] =	wrdreg $0xFFFFFFFF  }
0xa7: {  	s28 =	simm.s32 $_size_execute0_lowered;
	s3 =	sadd.s32 s3, s5;
	[dreg:$0x0] =	wrdreg $0x0  }
0xa8: {  	s5 =	sshll.u32 s28, $0x1;
	[dreg:$0x2] =	wrdreg s3  }
0xa9: {  	[dreg:$0x3] =	wrdreg s5  }
0xaa: {  	[dreg:$0x4] =	wrdreg $0xC0  }
0xab: {  	_ =	task [dreg:s7], $0x5FFFF  }
0xac: {  	[dreg:$0x1] =	wrdreg $0xFFFFFFFF  }
0xad: {  	[dreg:$0x0] =	wrdreg $0x60  }
0xae: {  	[dreg:$0x2] =	wrdreg s24  }
0xaf: {  	[dreg:$0x3] =	wrdreg s2  }
0xb0: {  	[dreg:$0x4] =	wrdreg $0x9  }
0xb1: {  	_ =	task.clear_ibuf [dreg:s7], $0x5FFFF;
	_ =	strace $0x90000046  }
0xb2: {  	s29 =	simm.s32 $0x9;
	_ =	strace $0x80000048  }
0xb3: {  	_ =	swait.ge [sflag:s29], $0x1  }
0xb4: {  	[sflag:s29] =	ssyncadd.s32 $0xFFFFFFFF  }
0xb5: {  	_ =	strace $0x90000048  }
0xb6: {  	_ =	sfence  }
0xb7: {  	s30 =	sld [smem:$0x0];
	_ =	sdelay $0x2  }
0xb8: {  	s31 =	sshll.u32 s1, $0xD;
	s1 =	sshrl.u32 s1, $0x2  }
0xb9: {  	s3 =	sand.u32 $0x4000, s31;
	s1 =	sadd.s32 s1, s30  }
0xba: {  	s0 =	sor.u32 s3, s0;
	s1 =	sshll.u32 s1, $0x11  }
0xbb: {  	s0 =	sor.u32 s1, s0  }
0xbc: {  	s0 =	sadd.s32 $0x8F2B, s0  }
0xbd: {  	[sflag:s0] =	ssyncadd.remote.s32 $0x1  }
0xbe: {  	_ =	sfence.sel $0xFFFF  }
0xbf: {  	[dreg:$0x0] =	wrdreg $0xFFFFFFFF;
	(pc) =	sbr.abs _section_cstart, $3  }
0xc0: {  	[dreg:$0x1] =	wrdreg $0xFFFFFFFF  }
0xc1: {  	_ =	task.clear_ibuf [dreg:s7], $0x2FFFF;
	_ =	strace $0x9FFFFFFF  }
0xc2: {  	(tm) =	ssettm $0x7FFFFFFF  }
0xc3: {  	_ =	shalt  }
tec
execute0_lowered:
.L_overlay_start_1:
0x0: {  	(tag) =	ssettag $0x1  }
0x1: {  	s7 =	rddreg [dreg:$0x0]  }
0x2: {  	s2 =	rddreg [dreg:$0x1]  }
0x3: {  	s0 =	rddreg [dreg:$0x2];
	s3 =	simm.s32 $0x0  }
0x4: {  	s4 =	srdreg.scid;
	s1 =	stileid.u32;
	s13 =	simm.s32 $0x2  }
0x5: {  	s14 =	simm.s32 $0xF080;
	s15 =	simm.s32 $0x8480;
	s16 =	simm.s32 $0x1  }
0x6: {  	s17 =	simm.s32 $0xC980;
	s18 =	simm.s32 $0x0;
	[smem:$0x7FF] =	sst s3  }
0x7: {  	s6 =	sand.u32 $0x1, s4;
	s31 =	sshll.u32 s1, $0x1;
	s4 =	sadd.s32 $0x70C800, s7  }
0x8: {  	s5 =	sadd.s32 $0x800, s7;
	_ =	strace $0x80000047;
	s10 =	sor.u32 s6, s31  }
0x9: {  	s9 =	ssub.s32 $0x2, s6;
	s6 =	sadd.s32 $0xA00, s7;
	s8 =	smul.u32 $0x8440, s10  }
0xa: {  	s7 =	sadd.s32 $0xC00, s7;
	s11 =	smul.u32 $0x4500, s10;
	s12 =	sshrl.u32 s9, $0x1  }
0xb: {  	s10 =	sshll.u32 s10, $0x9;
	s12 =	ssub.s32 s9, s12;
	s8 =	sadd.s32 s4, s8  }
0xc: {  	s9 =	sadd.s32 s2, s11;
	s11 =	smax.u32 s12, $0x1;
	s12 =	simm.s32 $0xEC00  }
.LBB2_1:
0xd: {  	[tilespmem:s12], [sflag:$0x2] =	stream.linear.gather [hbm4b:s5+s3], $0x480, $0x38;
	[tilespmem:$0xF100] =	vst v63  }
0xe: {  	_ =	swait.ge [sflag:s13], $0x480  }
0xf: {  	[sflag:s13] =	ssyncset.done $0x0  }
0x10: {  	[sflag:s13] =	ssyncadd.s32 $0xFFFFFB80  }
0x11: {  	[tilespmem:s14], [sflag:$0x2] =	stream.linear.gather [hbm4b:s6+s3], $0x80, $0x38;
	[tilespmem:$0xF100] =	vst v63  }
0x12: {  	_ =	swait.ge [sflag:s13], $0x80  }
0x13: {  	[sflag:s13] =	ssyncset.done $0x0  }
0x14: {  	[sflag:s13] =	ssyncadd.s32 $0xFFFFFF80  }
0x15: {  	v0 =	vld [tilespmem:$0xF080];
	[tilespmem:s3], [sflag:$0x1] =	stream.linear.gather [hbm4b:s8+s3], $0x4220, $0x38  }
0x16: {  	p0 =	por $0x0, $0x0;
	s20 =	simm.s32 $0x0  }
0x17: {  	[tilespmem:s15], [sflag:$0x1] =	stream.linear.gather [hbm4b:s9+s3], $0x2280, $0x38;
	[tilespmem:$0xF100] =	vst v63  }
.LBB2_2:
0x18: {  	s19 =	simm.s32 $0x1  }
0x19: {  	s19 =	simm.s32 @!p0 $0x0  }
0x1a: {  	s19 =	smul.u32 $0x2280, s19  }
0x1b: {  	s21 =	sand.u32 $0x1, s20  }
0x1c: {  	s29 =	sshll.u32 s20, $0x5;
	p1 =	seq.s32 s20, $0xF;
	[dreg:$0x3] =	wrdreg s19  }
0x1d: {  	s22 =	smul.u32 $0x4220, s21;
	s19 =	sadd.s32 s10, s29;
	_ =	swait.ge [sflag:s16], $0x4220  }
0x1e: {  	s21 =	smul.u32 $0x2280, s21;
	s23 =	sadd.s32 @!p1 $0x20, s19;
	[sflag:s16] =	ssyncset.done $0x0  }
0x1f: {  	s26 =	simm.s32 @!p1 $0x0;
	s24 =	smul.u32 @!p1 $0x211, s23;
	[sflag:s16] =	ssyncadd.s32 $0xFFFFBDE0  }
0x20: {  	s25 =	ssub.s32 @!p1 $0x4220, s22;
	s23 =	smul.u32 @!p1 $0x114, s23;
	_ =	swait.ge [sflag:s16], $0x2280  }
0x21: {  	s30 =	smul.u32 $0x211, s19;
	s24 =	sshrl.u32 @!p1 s24, $0x3;
	[sflag:s16] =	ssyncset.done $0x0  }
0x22: {  	s23 =	sshrl.u32 @!p1 s23, $0x3;
	s24 =	sadd.s32 @!p1 s4, s24;
	[sflag:s16] =	ssyncadd.s32 $0xFFFFDD80  }
0x23: {  	[tilespmem:s25], [sflag:$0x1] =	stream.linear.gather @!p1 [hbm4b:s24+s26], $0x4220, $0x38;
	[tilespmem:$0xF100] =	vst v63  }
0x24: {  	s21 =	ssub.s32 @!p1 $0xA700, s21;
	s31 =	ssub.s32 s30, s22;
	s23 =	sadd.s32 @!p1 s2, s23  }
0x25: {  	[tilespmem:s21], [sflag:$0x1] =	stream.linear.gather @!p1 [hbm4b:s23+s26], $0x2280, $0x38;
	[tilespmem:$0xF100] =	vst v63  }
0x26: {  	s20 =	sadd.s32 $0x1, s20;
	s22 =	simm.s32 $0xCBA0;
	v1 =	vmov s31;
	s21 =	simm.s32 $0x0  }
.LBB2_3:
0x27: {  	s23 =	rddreg [dreg:$0x3]  }
0x28: {  	s23 =	sadd.s32 s21, s23  }
0x29: {  	s24 =	sand.u32 $0x70, s21;
	s25 =	sand.u32 $0x7F80, s23  }
0x2a: {  	s25 =	sor.u32 s24, s25  }
0x2b: {  	v2 =	vld [tilespmem:s25+$0x8480];
	_ =	sdelay $0x4  }
0x2c: {  	v2 =	vsub.s32 v2, v1;
	_ =	sdelay $0x4  }
0x2d: {  	v2 =	vld.idx.msk [tilespmem:v2+s3+$0x0], $0xffff;
	_ =	sdelay $0x1  }
0x2e: {  	v3 =	vld [tilespmem:$0xEC00];
	_ =	sdelay $0x2  }
0x2f: {  	v2 =	vmul.f32 v2, v0;
	_ =	sdelay $0x1  }
0x30: {  	s28 =	sadd.s32 $0x10, s21;
	s26 =	sadd.s32 $0x10, s23;
	v2 =	vadd.f32 v3, v2  }
0x31: {  	s26 =	sand.u32 $0x7F80, s26;
	s25 =	sand.u32 $0x70, s28  }
0x32: {  	s25 =	sor.u32 s25, s26;
	[tilespmem:s22+$0xFFFFFDE0] =	vst v2  }
0x33: {  	v2 =	vld [tilespmem:s25+$0x8480];
	_ =	sdelay $0x4  }
0x34: {  	v2 =	vsub.s32 v2, v1;
	_ =	sdelay $0x4  }
0x35: {  	v2 =	vld.idx.msk [tilespmem:v2+s3+$0x0], $0xffff;
	_ =	sdelay $0x1  }
0x36: {  	v3 =	vld [tilespmem:$0xEC10];
	_ =	sdelay $0x2  }
0x37: {  	v2 =	vmul.f32 v2, v0;
	_ =	sdelay $0x1  }
0x38: {  	s29 =	sadd.s32 $0x20, s21;
	s30 =	sadd.s32 $0x20, s23;
	v2 =	vadd.f32 v3, v2  }
0x39: {  	s26 =	sand.u32 $0x7F80, s30;
	s25 =	sand.u32 $0x70, s29  }
0x3a: {  	s25 =	sor.u32 s25, s26;
	[tilespmem:s22+$0xFFFFFDF0] =	vst v2  }
0x3b: {  	v2 =	vld [tilespmem:s25+$0x8480];
	_ =	sdelay $0x4  }
0x3c: {  	v2 =	vsub.s32 v2, v1;
	_ =	sdelay $0x4  }
0x3d: {  	v2 =	vld.idx.msk [tilespmem:v2+s3+$0x0], $0xffff;
	_ =	sdelay $0x1  }
0x3e: {  	v3 =	vld [tilespmem:$0xEC20];
	_ =	sdelay $0x2  }
0x3f: {  	v2 =	vmul.f32 v2, v0;
	_ =	sdelay $0x1  }
0x40: {  	s31 =	sadd.s32 $0x30, s21;
	s28 =	sadd.s32 $0x30, s23;
	v2 =	vadd.f32 v3, v2  }
0x41: {  	s26 =	sand.u32 $0x7F80, s28;
	s25 =	sand.u32 $0x70, s31  }
0x42: {  	s25 =	sor.u32 s25, s26;
	[tilespmem:s22+$0xFFFFFE00] =	vst v2  }
0x43: {  	v2 =	vld [tilespmem:s25+$0x8480];
	_ =	sdelay $0x4  }
0x44: {  	v2 =	vsub.s32 v2, v1;
	_ =	sdelay $0x4  }
0x45: {  	v2 =	vld.idx.msk [tilespmem:v2+s3+$0x0], $0xffff;
	_ =	sdelay $0x1  }
0x46: {  	v3 =	vld [tilespmem:$0xEC30];
	_ =	sdelay $0x2  }
0x47: {  	v2 =	vmul.f32 v2, v0;
	_ =	sdelay $0x1  }
0x48: {  	s30 =	sadd.s32 $0x40, s23;
	s29 =	sadd.s32 $0x40, s21;
	v2 =	vadd.f32 v3, v2  }
0x49: {  	s26 =	sand.u32 $0x7F80, s30;
	s25 =	sand.u32 $0x70, s29  }
0x4a: {  	s25 =	sor.u32 s25, s26;
	[tilespmem:s22+$0xFFFFFE10] =	vst v2  }
0x4b: {  	v2 =	vld [tilespmem:s25+$0x8480];
	_ =	sdelay $0x4  }
0x4c: {  	v2 =	vsub.s32 v2, v1;
	_ =	sdelay $0x4  }
0x4d: {  	v2 =	vld.idx.msk [tilespmem:v2+s3+$0x0], $0xffff;
	_ =	sdelay $0x1  }
0x4e: {  	v3 =	vld [tilespmem:$0xEC40];
	_ =	sdelay $0x2  }
0x4f: {  	v2 =	vmul.f32 v2, v0;
	_ =	sdelay $0x1  }
0x50: {  	s28 =	sadd.s32 $0x50, s23;
	s31 =	sadd.s32 $0x50, s21;
	v2 =	vadd.f32 v3, v2  }
0x51: {  	s26 =	sand.u32 $0x7F80, s28;
	s25 =	sand.u32 $0x70, s31  }
0x52: {  	s25 =	sor.u32 s25, s26;
	[tilespmem:s22+$0xFFFFFE20] =	vst v2  }
0x53: {  	v2 =	vld [tilespmem:s25+$0x8480];
	_ =	sdelay $0x4  }
0x54: {  	v2 =	vsub.s32 v2, v1;
	_ =	sdelay $0x4  }
0x55: {  	v2 =	vld.idx.msk [tilespmem:v2+s3+$0x0], $0xffff;
	_ =	sdelay $0x1  }
0x56: {  	v3 =	vld [tilespmem:$0xEC50];
	_ =	sdelay $0x2  }
0x57: {  	v2 =	vmul.f32 v2, v0;
	_ =	sdelay $0x1  }
0x58: {  	s30 =	sadd.s32 $0x60, s23;
	s29 =	sadd.s32 $0x60, s21;
	v2 =	vadd.f32 v3, v2  }
0x59: {  	s26 =	sand.u32 $0x7F80, s30;
	s25 =	sand.u32 $0x70, s29  }
0x5a: {  	s25 =	sor.u32 s25, s26;
	[tilespmem:s22+$0xFFFFFE30] =	vst v2  }
0x5b: {  	v2 =	vld [tilespmem:s25+$0x8480];
	_ =	sdelay $0x4  }
0x5c: {  	v2 =	vsub.s32 v2, v1;
	_ =	sdelay $0x4  }
0x5d: {  	v2 =	vld.idx.msk [tilespmem:v2+s3+$0x0], $0xffff;
	_ =	sdelay $0x1  }
0x5e: {  	v3 =	vld [tilespmem:$0xEC60];
	_ =	sdelay $0x2  }
0x5f: {  	v2 =	vmul.f32 v2, v0;
	_ =	sdelay $0x1  }
0x60: {  	s28 =	sadd.s32 $0x70, s23;
	s31 =	sadd.s32 $0x70, s21;
	v2 =	vadd.f32 v3, v2  }
0x61: {  	s26 =	sand.u32 $0x7F80, s28;
	s25 =	sand.u32 $0x70, s31  }
0x62: {  	s25 =	sor.u32 s25, s26;
	[tilespmem:s22+$0xFFFFFE40] =	vst v2  }
0x63: {  	v2 =	vld [tilespmem:s25+$0x8480];
	_ =	sdelay $0x4  }
0x64: {  	v2 =	vsub.s32 v2, v1;
	_ =	sdelay $0x4  }
0x65: {  	v2 =	vld.idx.msk [tilespmem:v2+s3+$0x0], $0xffff;
	_ =	sdelay $0x1  }
0x66: {  	v3 =	vld [tilespmem:$0xEC70];
	_ =	sdelay $0x2  }
0x67: {  	v2 =	vmul.f32 v2, v0;
	_ =	sdelay $0x1  }
0x68: {  	s29 =	sadd.s32 $0x80, s23;
	v2 =	vadd.f32 v3, v2  }
0x69: {  	s25 =	sand.u32 $0x7F80, s29  }
0x6a: {  	s25 =	sor.u32 s24, s25;
	[tilespmem:s22+$0xFFFFFE50] =	vst v2  }
0x6b: {  	v2 =	vld [tilespmem:s25+$0x8480];
	_ =	sdelay $0x4  }
0x6c: {  	v2 =	vsub.s32 v2, v1;
	_ =	sdelay $0x4  }
0x6d: {  	v2 =	vld.idx.msk [tilespmem:v2+s3+$0x0], $0xffff;
	_ =	sdelay $0x1  }
0x6e: {  	v3 =	vld [tilespmem:$0xEC80];
	_ =	sdelay $0x2  }
0x6f: {  	v2 =	vmul.f32 v2, v0  }
0x70: {  	s30 =	sadd.s32 $0x80, s21  }
0x71: {  	s28 =	sadd.s32 $0x90, s23;
	s31 =	sadd.s32 $0x90, s21;
	s25 =	sand.u32 $0x3F80, s30;
	v2 =	vadd.f32 v3, v2  }
0x72: {  	s28 =	sand.u32 $0x7F80, s28;
	s26 =	sand.u32 $0x70, s31;
	s25 =	sor.u32 s24, s25  }
0x73: {  	s26 =	sor.u32 s26, s28;
	[tilespmem:s25+$0xC980] =	vst v2  }
0x74: {  	v2 =	vld [tilespmem:s26+$0x8480];
	_ =	sdelay $0x4  }
0x75: {  	v2 =	vsub.s32 v2, v1;
	_ =	sdelay $0x4  }
0x76: {  	v2 =	vld.idx.msk [tilespmem:v2+s3+$0x0], $0xffff;
	_ =	sdelay $0x1  }
0x77: {  	v3 =	vld [tilespmem:$0xEC90];
	_ =	sdelay $0x2  }
0x78: {  	v2 =	vmul.f32 v2, v0;
	_ =	sdelay $0x1  }
0x79: {  	s28 =	sadd.s32 $0xA0, s21;
	s29 =	sadd.s32 $0xA0, s23;
	v2 =	vadd.f32 v3, v2  }
0x7a: {  	s25 =	sand.u32 $0x70, s28;
	s26 =	sand.u32 $0x7F80, s29  }
0x7b: {  	s25 =	sor.u32 s25, s26;
	[tilespmem:s22+$0xFFFFFE70] =	vst v2  }
0x7c: {  	v2 =	vld [tilespmem:s25+$0x8480];
	_ =	sdelay $0x4  }
0x7d: {  	v2 =	vsub.s32 v2, v1;
	_ =	sdelay $0x4  }
0x7e: {  	v2 =	vld.idx.msk [tilespmem:v2+s3+$0x0], $0xffff;
	_ =	sdelay $0x1  }
0x7f: {  	v3 =	vld [tilespmem:$0xECA0];
	_ =	sdelay $0x2  }
0x80: {  	v2 =	vmul.f32 v2, v0;
	_ =	sdelay $0x1  }
0x81: {  	s31 =	sadd.s32 $0xB0, s23;
	s30 =	sadd.s32 $0xB0, s21;
	v2 =	vadd.f32 v3, v2  }
0x82: {  	s26 =	sand.u32 $0x7F80, s31;
	s25 =	sand.u32 $0x70, s30  }
0x83: {  	s25 =	sor.u32 s25, s26;
	[tilespmem:s22+$0xFFFFFE80] =	vst v2  }
0x84: {  	v2 =	vld [tilespmem:s25+$0x8480];
	_ =	sdelay $0x4  }
0x85: {  	v2 =	vsub.s32 v2, v1;
	_ =	sdelay $0x4  }
0x86: {  	v2 =	vld.idx.msk [tilespmem:v2+s3+$0x0], $0xffff;
	_ =	sdelay $0x1  }
0x87: {  	v3 =	vld [tilespmem:$0xECB0];
	_ =	sdelay $0x2  }
0x88: {  	v2 =	vmul.f32 v2, v0;
	_ =	sdelay $0x1  }
0x89: {  	s28 =	sadd.s32 $0xC0, s21;
	s29 =	sadd.s32 $0xC0, s23;
	v2 =	vadd.f32 v3, v2  }
0x8a: {  	s26 =	sand.u32 $0x7F80, s29;
	s25 =	sand.u32 $0x70, s28  }
0x8b: {  	s25 =	sor.u32 s25, s26;
	[tilespmem:s22+$0xFFFFFE90] =	vst v2  }
0x8c: {  	v2 =	vld [tilespmem:s25+$0x8480];
	_ =	sdelay $0x4  }
0x8d: {  	v2 =	vsub.s32 v2, v1;
	_ =	sdelay $0x4  }
0x8e: {  	v2 =	vld.idx.msk [tilespmem:v2+s3+$0x0], $0xffff;
	_ =	sdelay $0x1  }
0x8f: {  	v3 =	vld [tilespmem:$0xECC0];
	_ =	sdelay $0x2  }
0x90: {  	v2 =	vmul.f32 v2, v0;
	_ =	sdelay $0x1  }
0x91: {  	s31 =	sadd.s32 $0xD0, s23;
	s30 =	sadd.s32 $0xD0, s21;
	v2 =	vadd.f32 v3, v2  }
0x92: {  	s26 =	sand.u32 $0x7F80, s31;
	s25 =	sand.u32 $0x70, s30  }
0x93: {  	s25 =	sor.u32 s25, s26;
	[tilespmem:s22+$0xFFFFFEA0] =	vst v2  }
0x94: {  	v2 =	vld [tilespmem:s25+$0x8480];
	_ =	sdelay $0x4  }
0x95: {  	v2 =	vsub.s32 v2, v1;
	_ =	sdelay $0x4  }
0x96: {  	v2 =	vld.idx.msk [tilespmem:v2+s3+$0x0], $0xffff;
	_ =	sdelay $0x1  }
0x97: {  	v3 =	vld [tilespmem:$0xECD0];
	_ =	sdelay $0x2  }
0x98: {  	v2 =	vmul.f32 v2, v0;
	_ =	sdelay $0x1  }
0x99: {  	s29 =	sadd.s32 $0xE0, s23;
	s28 =	sadd.s32 $0xE0, s21;
	v2 =	vadd.f32 v3, v2  }
0x9a: {  	s26 =	sand.u32 $0x7F80, s29;
	s25 =	sand.u32 $0x70, s28  }
0x9b: {  	s25 =	sor.u32 s25, s26;
	[tilespmem:s22+$0xFFFFFEB0] =	vst v2  }
0x9c: {  	v2 =	vld [tilespmem:s25+$0x8480];
	_ =	sdelay $0x4  }
0x9d: {  	v2 =	vsub.s32 v2, v1;
	_ =	sdelay $0x4  }
0x9e: {  	v2 =	vld.idx.msk [tilespmem:v2+s3+$0x0], $0xffff;
	_ =	sdelay $0x1  }
0x9f: {  	v3 =	vld [tilespmem:$0xECE0];
	_ =	sdelay $0x2  }
0xa0: {  	v2 =	vmul.f32 v2, v0;
	_ =	sdelay $0x1  }
0xa1: {  	s31 =	sadd.s32 $0xF0, s23;
	s30 =	sadd.s32 $0xF0, s21;
	v2 =	vadd.f32 v3, v2  }
0xa2: {  	s26 =	sand.u32 $0x7F80, s31;
	s25 =	sand.u32 $0x70, s30  }
0xa3: {  	s25 =	sor.u32 s25, s26;
	[tilespmem:s22+$0xFFFFFEC0] =	vst v2  }
0xa4: {  	v2 =	vld [tilespmem:s25+$0x8480];
	_ =	sdelay $0x4  }
0xa5: {  	v2 =	vsub.s32 v2, v1;
	_ =	sdelay $0x4  }
0xa6: {  	v2 =	vld.idx.msk [tilespmem:v2+s3+$0x0], $0xffff;
	_ =	sdelay $0x1  }
0xa7: {  	v3 =	vld [tilespmem:$0xECF0];
	_ =	sdelay $0x2  }
0xa8: {  	v2 =	vmul.f32 v2, v0;
	_ =	sdelay $0x1  }
0xa9: {  	s28 =	sadd.s32 $0x100, s23;
	v2 =	vadd.f32 v3, v2  }
0xaa: {  	s25 =	sand.u32 $0x7F80, s28  }
0xab: {  	s25 =	sor.u32 s24, s25;
	[tilespmem:s22+$0xFFFFFED0] =	vst v2  }
0xac: {  	v2 =	vld [tilespmem:s25+$0x8480];
	_ =	sdelay $0x4  }
0xad: {  	v2 =	vsub.s32 v2, v1;
	_ =	sdelay $0x4  }
0xae: {  	v2 =	vld.idx.msk [tilespmem:v2+s3+$0x0], $0xffff;
	_ =	sdelay $0x1  }
0xaf: {  	v3 =	vld [tilespmem:$0xED00];
	_ =	sdelay $0x2  }
0xb0: {  	v2 =	vmul.f32 v2, v0  }
0xb1: {  	s29 =	sadd.s32 $0x100, s21  }
0xb2: {  	s31 =	sadd.s32 $0x110, s23;
	s30 =	sadd.s32 $0x110, s21;
	s25 =	sand.u32 $0x3F80, s29;
	v2 =	vadd.f32 v3, v2  }
0xb3: {  	s26 =	sand.u32 $0x70, s30;
	s28 =	sand.u32 $0x7F80, s31;
	s25 =	sor.u32 s24, s25  }
0xb4: {  	s26 =	sor.u32 s26, s28;
	[tilespmem:s25+$0xC980] =	vst v2  }
0xb5: {  	v2 =	vld [tilespmem:s26+$0x8480];
	_ =	sdelay $0x4  }
0xb6: {  	v2 =	vsub.s32 v2, v1;
	_ =	sdelay $0x4  }
0xb7: {  	v2 =	vld.idx.msk [tilespmem:v2+s3+$0x0], $0xffff;
	_ =	sdelay $0x1  }
0xb8: {  	v3 =	vld [tilespmem:$0xED10];
	_ =	sdelay $0x2  }
0xb9: {  	v2 =	vmul.f32 v2, v0;
	_ =	sdelay $0x1  }
0xba: {  	s28 =	sadd.s32 $0x120, s21;
	s29 =	sadd.s32 $0x120, s23;
	v2 =	vadd.f32 v3, v2  }
0xbb: {  	s25 =	sand.u32 $0x70, s28;
	s26 =	sand.u32 $0x7F80, s29  }
0xbc: {  	s25 =	sor.u32 s25, s26;
	[tilespmem:s22+$0xFFFFFEF0] =	vst v2  }
0xbd: {  	v2 =	vld [tilespmem:s25+$0x8480];
	_ =	sdelay $0x4  }
0xbe: {  	v2 =	vsub.s32 v2, v1;
	_ =	sdelay $0x4  }
0xbf: {  	v2 =	vld.idx.msk [tilespmem:v2+s3+$0x0], $0xffff;
	_ =	sdelay $0x1  }
0xc0: {  	v3 =	vld [tilespmem:$0xED20];
	_ =	sdelay $0x2  }
0xc1: {  	v2 =	vmul.f32 v2, v0;
	_ =	sdelay $0x1  }
0xc2: {  	s30 =	sadd.s32 $0x130, s21;
	s31 =	sadd.s32 $0x130, s23;
	v2 =	vadd.f32 v3, v2  }
0xc3: {  	s26 =	sand.u32 $0x7F80, s31;
	s25 =	sand.u32 $0x70, s30  }
0xc4: {  	s25 =	sor.u32 s25, s26;
	[tilespmem:s22+$0xFFFFFF00] =	vst v2  }
0xc5: {  	v2 =	vld [tilespmem:s25+$0x8480];
	_ =	sdelay $0x4  }
0xc6: {  	v2 =	vsub.s32 v2, v1;
	_ =	sdelay $0x4  }
0xc7: {  	v2 =	vld.idx.msk [tilespmem:v2+s3+$0x0], $0xffff;
	_ =	sdelay $0x1  }
0xc8: {  	v3 =	vld [tilespmem:$0xED30];
	_ =	sdelay $0x2  }
0xc9: {  	v2 =	vmul.f32 v2, v0;
	_ =	sdelay $0x1  }
0xca: {  	s28 =	sadd.s32 $0x140, s21;
	s29 =	sadd.s32 $0x140, s23;
	v2 =	vadd.f32 v3, v2  }
0xcb: {  	s26 =	sand.u32 $0x7F80, s29;
	s25 =	sand.u32 $0x70, s28  }
0xcc: {  	s25 =	sor.u32 s25, s26;
	[tilespmem:s22+$0xFFFFFF10] =	vst v2  }
0xcd: {  	v2 =	vld [tilespmem:s25+$0x8480];
	_ =	sdelay $0x4  }
0xce: {  	v2 =	vsub.s32 v2, v1;
	_ =	sdelay $0x4  }
0xcf: {  	v2 =	vld.idx.msk [tilespmem:v2+s3+$0x0], $0xffff;
	_ =	sdelay $0x1  }
0xd0: {  	v3 =	vld [tilespmem:$0xED40];
	_ =	sdelay $0x2  }
0xd1: {  	v2 =	vmul.f32 v2, v0;
	_ =	sdelay $0x1  }
0xd2: {  	s31 =	sadd.s32 $0x150, s23;
	s30 =	sadd.s32 $0x150, s21;
	v2 =	vadd.f32 v3, v2  }
0xd3: {  	s26 =	sand.u32 $0x7F80, s31;
	s25 =	sand.u32 $0x70, s30  }
0xd4: {  	s25 =	sor.u32 s25, s26;
	[tilespmem:s22+$0xFFFFFF20] =	vst v2  }
0xd5: {  	v2 =	vld [tilespmem:s25+$0x8480];
	_ =	sdelay $0x4  }
0xd6: {  	v2 =	vsub.s32 v2, v1;
	_ =	sdelay $0x4  }
0xd7: {  	v2 =	vld.idx.msk [tilespmem:v2+s3+$0x0], $0xffff;
	_ =	sdelay $0x1  }
0xd8: {  	v3 =	vld [tilespmem:$0xED50];
	_ =	sdelay $0x2  }
0xd9: {  	v2 =	vmul.f32 v2, v0;
	_ =	sdelay $0x1  }
0xda: {  	s29 =	sadd.s32 $0x160, s23;
	s28 =	sadd.s32 $0x160, s21;
	v2 =	vadd.f32 v3, v2  }
0xdb: {  	s26 =	sand.u32 $0x7F80, s29;
	s25 =	sand.u32 $0x70, s28  }
0xdc: {  	s25 =	sor.u32 s25, s26;
	[tilespmem:s22+$0xFFFFFF30] =	vst v2  }
0xdd: {  	v2 =	vld [tilespmem:s25+$0x8480];
	_ =	sdelay $0x4  }
0xde: {  	v2 =	vsub.s32 v2, v1;
	_ =	sdelay $0x4  }
0xdf: {  	v2 =	vld.idx.msk [tilespmem:v2+s3+$0x0], $0xffff;
	_ =	sdelay $0x1  }
0xe0: {  	v3 =	vld [tilespmem:$0xED60];
	_ =	sdelay $0x2  }
0xe1: {  	v2 =	vmul.f32 v2, v0;
	_ =	sdelay $0x1  }
0xe2: {  	s31 =	sadd.s32 $0x170, s23;
	s30 =	sadd.s32 $0x170, s21;
	v2 =	vadd.f32 v3, v2  }
0xe3: {  	s26 =	sand.u32 $0x7F80, s31;
	s25 =	sand.u32 $0x70, s30  }
0xe4: {  	s25 =	sor.u32 s25, s26;
	[tilespmem:s22+$0xFFFFFF40] =	vst v2  }
0xe5: {  	v2 =	vld [tilespmem:s25+$0x8480];
	_ =	sdelay $0x4  }
0xe6: {  	v2 =	vsub.s32 v2, v1;
	_ =	sdelay $0x4  }
0xe7: {  	v2 =	vld.idx.msk [tilespmem:v2+s3+$0x0], $0xffff;
	_ =	sdelay $0x1  }
0xe8: {  	v3 =	vld [tilespmem:$0xED70];
	_ =	sdelay $0x2  }
0xe9: {  	v2 =	vmul.f32 v2, v0;
	_ =	sdelay $0x1  }
0xea: {  	s28 =	sadd.s32 $0x180, s23;
	v2 =	vadd.f32 v3, v2  }
0xeb: {  	s25 =	sand.u32 $0x7F80, s28  }
0xec: {  	s25 =	sor.u32 s24, s25;
	[tilespmem:s22+$0xFFFFFF50] =	vst v2  }
0xed: {  	v2 =	vld [tilespmem:s25+$0x8480];
	_ =	sdelay $0x4  }
0xee: {  	v2 =	vsub.s32 v2, v1;
	_ =	sdelay $0x4  }
0xef: {  	v2 =	vld.idx.msk [tilespmem:v2+s3+$0x0], $0xffff;
	_ =	sdelay $0x1  }
0xf0: {  	v3 =	vld [tilespmem:$0xED80];
	_ =	sdelay $0x2  }
0xf1: {  	v2 =	vmul.f32 v2, v0  }
0xf2: {  	s29 =	sadd.s32 $0x180, s21  }
0xf3: {  	s31 =	sadd.s32 $0x190, s23;
	s30 =	sadd.s32 $0x190, s21;
	s25 =	sand.u32 $0x3F80, s29;
	v2 =	vadd.f32 v3, v2  }
0xf4: {  	s26 =	sand.u32 $0x70, s30;
	s28 =	sand.u32 $0x7F80, s31;
	s25 =	sor.u32 s24, s25  }
0xf5: {  	s26 =	sor.u32 s26, s28;
	[tilespmem:s25+$0xC980] =	vst v2  }
0xf6: {  	v2 =	vld [tilespmem:s26+$0x8480];
	_ =	sdelay $0x4  }
0xf7: {  	v2 =	vsub.s32 v2, v1;
	_ =	sdelay $0x4  }
0xf8: {  	v2 =	vld.idx.msk [tilespmem:v2+s3+$0x0], $0xffff;
	_ =	sdelay $0x1  }
0xf9: {  	v3 =	vld [tilespmem:$0xED90];
	_ =	sdelay $0x2  }
0xfa: {  	v2 =	vmul.f32 v2, v0;
	_ =	sdelay $0x1  }
0xfb: {  	s28 =	sadd.s32 $0x1A0, s21;
	s29 =	sadd.s32 $0x1A0, s23;
	v2 =	vadd.f32 v3, v2  }
0xfc: {  	s25 =	sand.u32 $0x70, s28;
	s26 =	sand.u32 $0x7F80, s29  }
0xfd: {  	s25 =	sor.u32 s25, s26;
	[tilespmem:s22+$0xFFFFFF70] =	vst v2  }
0xfe: {  	v2 =	vld [tilespmem:s25+$0x8480];
	_ =	sdelay $0x4  }
0xff: {  	v2 =	vsub.s32 v2, v1;
	_ =	sdelay $0x4  }
0x100: {  	v2 =	vld.idx.msk [tilespmem:v2+s3+$0x0], $0xffff;
	_ =	sdelay $0x1  }
0x101: {  	v3 =	vld [tilespmem:$0xEDA0];
	_ =	sdelay $0x2  }
0x102: {  	v2 =	vmul.f32 v2, v0;
	_ =	sdelay $0x1  }
0x103: {  	s30 =	sadd.s32 $0x1B0, s21;
	s31 =	sadd.s32 $0x1B0, s23;
	v2 =	vadd.f32 v3, v2  }
0x104: {  	s26 =	sand.u32 $0x7F80, s31;
	s25 =	sand.u32 $0x70, s30  }
0x105: {  	s25 =	sor.u32 s25, s26;
	[tilespmem:s22+$0xFFFFFF80] =	vst v2  }
0x106: {  	v2 =	vld [tilespmem:s25+$0x8480];
	_ =	sdelay $0x4  }
0x107: {  	v2 =	vsub.s32 v2, v1;
	_ =	sdelay $0x4  }
0x108: {  	v2 =	vld.idx.msk [tilespmem:v2+s3+$0x0], $0xffff;
	_ =	sdelay $0x1  }
0x109: {  	v3 =	vld [tilespmem:$0xEDB0];
	_ =	sdelay $0x2  }
0x10a: {  	v2 =	vmul.f32 v2, v0;
	_ =	sdelay $0x1  }
0x10b: {  	s28 =	sadd.s32 $0x1C0, s21;
	s29 =	sadd.s32 $0x1C0, s23;
	v2 =	vadd.f32 v3, v2  }
0x10c: {  	s26 =	sand.u32 $0x7F80, s29;
	s25 =	sand.u32 $0x70, s28  }
0x10d: {  	s25 =	sor.u32 s25, s26;
	[tilespmem:s22+$0xFFFFFF90] =	vst v2  }
0x10e: {  	v2 =	vld [tilespmem:s25+$0x8480];
	_ =	sdelay $0x4  }
0x10f: {  	v2 =	vsub.s32 v2, v1;
	_ =	sdelay $0x4  }
0x110: {  	v2 =	vld.idx.msk [tilespmem:v2+s3+$0x0], $0xffff;
	_ =	sdelay $0x1  }
0x111: {  	v3 =	vld [tilespmem:$0xEDC0];
	_ =	sdelay $0x2  }
0x112: {  	v2 =	vmul.f32 v2, v0;
	_ =	sdelay $0x1  }
0x113: {  	s31 =	sadd.s32 $0x1D0, s23;
	s30 =	sadd.s32 $0x1D0, s21;
	v2 =	vadd.f32 v3, v2  }
0x114: {  	s26 =	sand.u32 $0x7F80, s31;
	s25 =	sand.u32 $0x70, s30  }
0x115: {  	s25 =	sor.u32 s25, s26;
	[tilespmem:s22+$0xFFFFFFA0] =	vst v2  }
0x116: {  	v2 =	vld [tilespmem:s25+$0x8480];
	_ =	sdelay $0x4  }
0x117: {  	v2 =	vsub.s32 v2, v1;
	_ =	sdelay $0x4  }
0x118: {  	v2 =	vld.idx.msk [tilespmem:v2+s3+$0x0], $0xffff;
	_ =	sdelay $0x1  }
0x119: {  	v3 =	vld [tilespmem:$0xEDD0];
	_ =	sdelay $0x2  }
0x11a: {  	v2 =	vmul.f32 v2, v0;
	_ =	sdelay $0x1  }
0x11b: {  	s29 =	sadd.s32 $0x1E0, s23;
	s28 =	sadd.s32 $0x1E0, s21;
	v2 =	vadd.f32 v3, v2  }
0x11c: {  	s26 =	sand.u32 $0x7F80, s29;
	s25 =	sand.u32 $0x70, s28  }
0x11d: {  	s25 =	sor.u32 s25, s26;
	[tilespmem:s22+$0xFFFFFFB0] =	vst v2  }
0x11e: {  	v2 =	vld [tilespmem:s25+$0x8480];
	_ =	sdelay $0x4  }
0x11f: {  	v2 =	vsub.s32 v2, v1;
	_ =	sdelay $0x4  }
0x120: {  	v2 =	vld.idx.msk [tilespmem:v2+s3+$0x0], $0xffff;
	_ =	sdelay $0x1  }
0x121: {  	v3 =	vld [tilespmem:$0xEDE0];
	_ =	sdelay $0x2  }
0x122: {  	v2 =	vmul.f32 v2, v0;
	_ =	sdelay $0x1  }
0x123: {  	s31 =	sadd.s32 $0x1F0, s23;
	s30 =	sadd.s32 $0x1F0, s21;
	v2 =	vadd.f32 v3, v2  }
0x124: {  	s26 =	sand.u32 $0x7F80, s31;
	s25 =	sand.u32 $0x70, s30  }
0x125: {  	s25 =	sor.u32 s25, s26;
	[tilespmem:s22+$0xFFFFFFC0] =	vst v2  }
0x126: {  	v2 =	vld [tilespmem:s25+$0x8480];
	_ =	sdelay $0x4  }
0x127: {  	v2 =	vsub.s32 v2, v1;
	_ =	sdelay $0x4  }
0x128: {  	v2 =	vld.idx.msk [tilespmem:v2+s3+$0x0], $0xffff;
	_ =	sdelay $0x1  }
0x129: {  	v3 =	vld [tilespmem:$0xEDF0];
	_ =	sdelay $0x2  }
0x12a: {  	v2 =	vmul.f32 v2, v0;
	_ =	sdelay $0x1  }
0x12b: {  	s28 =	sadd.s32 $0x200, s23;
	v2 =	vadd.f32 v3, v2  }
0x12c: {  	s25 =	sand.u32 $0x7F80, s28  }
0x12d: {  	s25 =	sor.u32 s24, s25;
	[tilespmem:s22+$0xFFFFFFD0] =	vst v2  }
0x12e: {  	v2 =	vld [tilespmem:s25+$0x8480];
	_ =	sdelay $0x4  }
0x12f: {  	v2 =	vsub.s32 v2, v1;
	_ =	sdelay $0x4  }
0x130: {  	v2 =	vld.idx.msk [tilespmem:v2+s3+$0x0], $0xffff;
	_ =	sdelay $0x1  }
0x131: {  	v3 =	vld [tilespmem:$0xEE00];
	_ =	sdelay $0x2  }
0x132: {  	v2 =	vmul.f32 v2, v0  }
0x133: {  	s29 =	sadd.s32 $0x200, s21  }
0x134: {  	s31 =	sadd.s32 $0x210, s23;
	s30 =	sadd.s32 $0x210, s21;
	s25 =	sand.u32 $0x3F80, s29;
	v2 =	vadd.f32 v3, v2  }
0x135: {  	s26 =	sand.u32 $0x70, s30;
	s28 =	sand.u32 $0x7F80, s31;
	s25 =	sor.u32 s24, s25  }
0x136: {  	s26 =	sor.u32 s26, s28;
	[tilespmem:s25+$0xC980] =	vst v2  }
0x137: {  	v2 =	vld [tilespmem:s26+$0x8480];
	_ =	sdelay $0x4  }
0x138: {  	v2 =	vsub.s32 v2, v1;
	_ =	sdelay $0x4  }
0x139: {  	v2 =	vld.idx.msk [tilespmem:v2+s3+$0x0], $0xffff;
	_ =	sdelay $0x1  }
0x13a: {  	v3 =	vld [tilespmem:$0xEE10];
	_ =	sdelay $0x2  }
0x13b: {  	v2 =	vmul.f32 v2, v0;
	_ =	sdelay $0x1  }
0x13c: {  	s28 =	sadd.s32 $0x220, s21;
	s29 =	sadd.s32 $0x220, s23;
	v2 =	vadd.f32 v3, v2  }
0x13d: {  	s25 =	sand.u32 $0x70, s28;
	s26 =	sand.u32 $0x7F80, s29  }
0x13e: {  	s25 =	sor.u32 s25, s26;
	[tilespmem:s22+$0xFFFFFFF0] =	vst v2  }
0x13f: {  	v2 =	vld [tilespmem:s25+$0x8480];
	_ =	sdelay $0x4  }
0x140: {  	v2 =	vsub.s32 v2, v1;
	_ =	sdelay $0x4  }
0x141: {  	v2 =	vld.idx.msk [tilespmem:v2+s3+$0x0], $0xffff;
	_ =	sdelay $0x1  }
0x142: {  	v3 =	vld [tilespmem:$0xEE20];
	_ =	sdelay $0x2  }
0x143: {  	v2 =	vmul.f32 v2, v0;
	_ =	sdelay $0x1  }
0x144: {  	s30 =	sadd.s32 $0x230, s21;
	s31 =	sadd.s32 $0x230, s23;
	v2 =	vadd.f32 v3, v2  }
0x145: {  	s26 =	sand.u32 $0x7F80, s31;
	s25 =	sand.u32 $0x70, s30  }
0x146: {  	s25 =	sor.u32 s25, s26;
	[tilespmem:s22+$0x0] =	vst v2  }
0x147: {  	v2 =	vld [tilespmem:s25+$0x8480];
	_ =	sdelay $0x4  }
0x148: {  	v2 =	vsub.s32 v2, v1;
	_ =	sdelay $0x4  }
0x149: {  	v2 =	vld.idx.msk [tilespmem:v2+s3+$0x0], $0xffff;
	_ =	sdelay $0x1  }
0x14a: {  	v3 =	vld [tilespmem:$0xEE30];
	_ =	sdelay $0x2  }
0x14b: {  	v2 =	vmul.f32 v2, v0;
	_ =	sdelay $0x1  }
0x14c: {  	s28 =	sadd.s32 $0x240, s21;
	s29 =	sadd.s32 $0x240, s23;
	v2 =	vadd.f32 v3, v2  }
0x14d: {  	s26 =	sand.u32 $0x7F80, s29;
	s25 =	sand.u32 $0x70, s28  }
0x14e: {  	s25 =	sor.u32 s25, s26;
	[tilespmem:s22+$0x10] =	vst v2  }
0x14f: {  	v2 =	vld [tilespmem:s25+$0x8480];
	_ =	sdelay $0x4  }
0x150: {  	v2 =	vsub.s32 v2, v1;
	_ =	sdelay $0x4  }
0x151: {  	v2 =	vld.idx.msk [tilespmem:v2+s3+$0x0], $0xffff;
	_ =	sdelay $0x1  }
0x152: {  	v3 =	vld [tilespmem:$0xEE40];
	_ =	sdelay $0x2  }
0x153: {  	v2 =	vmul.f32 v2, v0;
	_ =	sdelay $0x1  }
0x154: {  	s31 =	sadd.s32 $0x250, s23;
	s30 =	sadd.s32 $0x250, s21;
	v2 =	vadd.f32 v3, v2  }
0x155: {  	s26 =	sand.u32 $0x7F80, s31;
	s25 =	sand.u32 $0x70, s30  }
0x156: {  	s25 =	sor.u32 s25, s26;
	[tilespmem:s22+$0x20] =	vst v2  }
0x157: {  	v2 =	vld [tilespmem:s25+$0x8480];
	_ =	sdelay $0x4  }
0x158: {  	v2 =	vsub.s32 v2, v1;
	_ =	sdelay $0x4  }
0x159: {  	v2 =	vld.idx.msk [tilespmem:v2+s3+$0x0], $0xffff;
	_ =	sdelay $0x1  }
0x15a: {  	v3 =	vld [tilespmem:$0xEE50];
	_ =	sdelay $0x2  }
0x15b: {  	v2 =	vmul.f32 v2, v0;
	_ =	sdelay $0x1  }
0x15c: {  	s29 =	sadd.s32 $0x260, s23;
	s28 =	sadd.s32 $0x260, s21;
	v2 =	vadd.f32 v3, v2  }
0x15d: {  	s26 =	sand.u32 $0x7F80, s29;
	s25 =	sand.u32 $0x70, s28  }
0x15e: {  	s25 =	sor.u32 s25, s26;
	[tilespmem:s22+$0x30] =	vst v2  }
0x15f: {  	v2 =	vld [tilespmem:s25+$0x8480];
	_ =	sdelay $0x4  }
0x160: {  	v2 =	vsub.s32 v2, v1;
	_ =	sdelay $0x4  }
0x161: {  	v2 =	vld.idx.msk [tilespmem:v2+s3+$0x0], $0xffff;
	_ =	sdelay $0x1  }
0x162: {  	v3 =	vld [tilespmem:$0xEE60];
	_ =	sdelay $0x2  }
0x163: {  	v2 =	vmul.f32 v2, v0;
	_ =	sdelay $0x1  }
0x164: {  	s31 =	sadd.s32 $0x270, s23;
	s30 =	sadd.s32 $0x270, s21;
	v2 =	vadd.f32 v3, v2  }
0x165: {  	s26 =	sand.u32 $0x7F80, s31;
	s25 =	sand.u32 $0x70, s30  }
0x166: {  	s25 =	sor.u32 s25, s26;
	[tilespmem:s22+$0x40] =	vst v2  }
0x167: {  	v2 =	vld [tilespmem:s25+$0x8480];
	_ =	sdelay $0x4  }
0x168: {  	v2 =	vsub.s32 v2, v1;
	_ =	sdelay $0x4  }
0x169: {  	v2 =	vld.idx.msk [tilespmem:v2+s3+$0x0], $0xffff;
	_ =	sdelay $0x1  }
0x16a: {  	v3 =	vld [tilespmem:$0xEE70];
	_ =	sdelay $0x2  }
0x16b: {  	v2 =	vmul.f32 v2, v0;
	_ =	sdelay $0x1  }
0x16c: {  	s28 =	sadd.s32 $0x280, s23;
	v2 =	vadd.f32 v3, v2  }
0x16d: {  	s25 =	sand.u32 $0x7F80, s28  }
0x16e: {  	s25 =	sor.u32 s24, s25;
	[tilespmem:s22+$0x50] =	vst v2  }
0x16f: {  	v2 =	vld [tilespmem:s25+$0x8480];
	_ =	sdelay $0x4  }
0x170: {  	v2 =	vsub.s32 v2, v1;
	_ =	sdelay $0x4  }
0x171: {  	v2 =	vld.idx.msk [tilespmem:v2+s3+$0x0], $0xffff;
	_ =	sdelay $0x1  }
0x172: {  	v3 =	vld [tilespmem:$0xEE80];
	_ =	sdelay $0x2  }
0x173: {  	v2 =	vmul.f32 v2, v0  }
0x174: {  	s29 =	sadd.s32 $0x280, s21  }
0x175: {  	s31 =	sadd.s32 $0x290, s23;
	s30 =	sadd.s32 $0x290, s21;
	s25 =	sand.u32 $0x3F80, s29;
	v2 =	vadd.f32 v3, v2  }
0x176: {  	s26 =	sand.u32 $0x70, s30;
	s28 =	sand.u32 $0x7F80, s31;
	s25 =	sor.u32 s24, s25  }
0x177: {  	s26 =	sor.u32 s26, s28;
	[tilespmem:s25+$0xC980] =	vst v2  }
0x178: {  	v2 =	vld [tilespmem:s26+$0x8480];
	_ =	sdelay $0x4  }
0x179: {  	v2 =	vsub.s32 v2, v1;
	_ =	sdelay $0x4  }
0x17a: {  	v2 =	vld.idx.msk [tilespmem:v2+s3+$0x0], $0xffff;
	_ =	sdelay $0x1  }
0x17b: {  	v3 =	vld [tilespmem:$0xEE90];
	_ =	sdelay $0x2  }
0x17c: {  	v2 =	vmul.f32 v2, v0;
	_ =	sdelay $0x1  }
0x17d: {  	s28 =	sadd.s32 $0x2A0, s21;
	s29 =	sadd.s32 $0x2A0, s23;
	v2 =	vadd.f32 v3, v2  }
0x17e: {  	s25 =	sand.u32 $0x70, s28;
	s26 =	sand.u32 $0x7F80, s29  }
0x17f: {  	s25 =	sor.u32 s25, s26;
	[tilespmem:s22+$0x70] =	vst v2  }
0x180: {  	v2 =	vld [tilespmem:s25+$0x8480];
	_ =	sdelay $0x4  }
0x181: {  	v2 =	vsub.s32 v2, v1;
	_ =	sdelay $0x4  }
0x182: {  	v2 =	vld.idx.msk [tilespmem:v2+s3+$0x0], $0xffff;
	_ =	sdelay $0x1  }
0x183: {  	v3 =	vld [tilespmem:$0xEEA0];
	_ =	sdelay $0x2  }
0x184: {  	v2 =	vmul.f32 v2, v0;
	_ =	sdelay $0x1  }
0x185: {  	s30 =	sadd.s32 $0x2B0, s21;
	s31 =	sadd.s32 $0x2B0, s23;
	v2 =	vadd.f32 v3, v2  }
0x186: {  	s26 =	sand.u32 $0x7F80, s31;
	s25 =	sand.u32 $0x70, s30  }
0x187: {  	s25 =	sor.u32 s25, s26;
	[tilespmem:s22+$0x80] =	vst v2  }
0x188: {  	v2 =	vld [tilespmem:s25+$0x8480];
	_ =	sdelay $0x4  }
0x189: {  	v2 =	vsub.s32 v2, v1;
	_ =	sdelay $0x4  }
0x18a: {  	v2 =	vld.idx.msk [tilespmem:v2+s3+$0x0], $0xffff;
	_ =	sdelay $0x1  }
0x18b: {  	v3 =	vld [tilespmem:$0xEEB0];
	_ =	sdelay $0x2  }
0x18c: {  	v2 =	vmul.f32 v2, v0;
	_ =	sdelay $0x1  }
0x18d: {  	s28 =	sadd.s32 $0x2C0, s21;
	s29 =	sadd.s32 $0x2C0, s23;
	v2 =	vadd.f32 v3, v2  }
0x18e: {  	s26 =	sand.u32 $0x7F80, s29;
	s25 =	sand.u32 $0x70, s28  }
0x18f: {  	s25 =	sor.u32 s25, s26;
	[tilespmem:s22+$0x90] =	vst v2  }
0x190: {  	v2 =	vld [tilespmem:s25+$0x8480];
	_ =	sdelay $0x4  }
0x191: {  	v2 =	vsub.s32 v2, v1;
	_ =	sdelay $0x4  }
0x192: {  	v2 =	vld.idx.msk [tilespmem:v2+s3+$0x0], $0xffff;
	_ =	sdelay $0x1  }
0x193: {  	v3 =	vld [tilespmem:$0xEEC0];
	_ =	sdelay $0x2  }
0x194: {  	v2 =	vmul.f32 v2, v0;
	_ =	sdelay $0x1  }
0x195: {  	s31 =	sadd.s32 $0x2D0, s23;
	s30 =	sadd.s32 $0x2D0, s21;
	v2 =	vadd.f32 v3, v2  }
0x196: {  	s26 =	sand.u32 $0x7F80, s31;
	s25 =	sand.u32 $0x70, s30  }
0x197: {  	s25 =	sor.u32 s25, s26;
	[tilespmem:s22+$0xA0] =	vst v2  }
0x198: {  	v2 =	vld [tilespmem:s25+$0x8480];
	_ =	sdelay $0x4  }
0x199: {  	v2 =	vsub.s32 v2, v1;
	_ =	sdelay $0x4  }
0x19a: {  	v2 =	vld.idx.msk [tilespmem:v2+s3+$0x0], $0xffff;
	_ =	sdelay $0x1  }
0x19b: {  	v3 =	vld [tilespmem:$0xEED0];
	_ =	sdelay $0x2  }
0x19c: {  	v2 =	vmul.f32 v2, v0;
	_ =	sdelay $0x1  }
0x19d: {  	s29 =	sadd.s32 $0x2E0, s23;
	s28 =	sadd.s32 $0x2E0, s21;
	v2 =	vadd.f32 v3, v2  }
0x19e: {  	s26 =	sand.u32 $0x7F80, s29;
	s25 =	sand.u32 $0x70, s28  }
0x19f: {  	s25 =	sor.u32 s25, s26;
	[tilespmem:s22+$0xB0] =	vst v2  }
0x1a0: {  	v2 =	vld [tilespmem:s25+$0x8480];
	_ =	sdelay $0x4  }
0x1a1: {  	v2 =	vsub.s32 v2, v1;
	_ =	sdelay $0x4  }
0x1a2: {  	v2 =	vld.idx.msk [tilespmem:v2+s3+$0x0], $0xffff;
	_ =	sdelay $0x1  }
0x1a3: {  	v3 =	vld [tilespmem:$0xEEE0];
	_ =	sdelay $0x2  }
0x1a4: {  	v2 =	vmul.f32 v2, v0;
	_ =	sdelay $0x1  }
0x1a5: {  	s31 =	sadd.s32 $0x2F0, s23;
	s30 =	sadd.s32 $0x2F0, s21;
	v2 =	vadd.f32 v3, v2  }
0x1a6: {  	s26 =	sand.u32 $0x7F80, s31;
	s25 =	sand.u32 $0x70, s30  }
0x1a7: {  	s25 =	sor.u32 s25, s26;
	[tilespmem:s22+$0xC0] =	vst v2  }
0x1a8: {  	v2 =	vld [tilespmem:s25+$0x8480];
	_ =	sdelay $0x4  }
0x1a9: {  	v2 =	vsub.s32 v2, v1;
	_ =	sdelay $0x4  }
0x1aa: {  	v2 =	vld.idx.msk [tilespmem:v2+s3+$0x0], $0xffff;
	_ =	sdelay $0x1  }
0x1ab: {  	v3 =	vld [tilespmem:$0xEEF0];
	_ =	sdelay $0x2  }
0x1ac: {  	v2 =	vmul.f32 v2, v0;
	_ =	sdelay $0x1  }
0x1ad: {  	s28 =	sadd.s32 $0x300, s23;
	v2 =	vadd.f32 v3, v2  }
0x1ae: {  	s25 =	sand.u32 $0x7F80, s28  }
0x1af: {  	s25 =	sor.u32 s24, s25;
	[tilespmem:s22+$0xD0] =	vst v2  }
0x1b0: {  	v2 =	vld [tilespmem:s25+$0x8480];
	_ =	sdelay $0x4  }
0x1b1: {  	v2 =	vsub.s32 v2, v1;
	_ =	sdelay $0x4  }
0x1b2: {  	v2 =	vld.idx.msk [tilespmem:v2+s3+$0x0], $0xffff;
	_ =	sdelay $0x1  }
0x1b3: {  	v3 =	vld [tilespmem:$0xEF00];
	_ =	sdelay $0x2  }
0x1b4: {  	v2 =	vmul.f32 v2, v0  }
0x1b5: {  	s29 =	sadd.s32 $0x300, s21  }
0x1b6: {  	s31 =	sadd.s32 $0x310, s23;
	s30 =	sadd.s32 $0x310, s21;
	s25 =	sand.u32 $0x3F80, s29;
	v2 =	vadd.f32 v3, v2  }
0x1b7: {  	s26 =	sand.u32 $0x70, s30;
	s28 =	sand.u32 $0x7F80, s31;
	s25 =	sor.u32 s24, s25  }
0x1b8: {  	s26 =	sor.u32 s26, s28;
	[tilespmem:s25+$0xC980] =	vst v2  }
0x1b9: {  	v2 =	vld [tilespmem:s26+$0x8480];
	_ =	sdelay $0x4  }
0x1ba: {  	v2 =	vsub.s32 v2, v1;
	_ =	sdelay $0x4  }
0x1bb: {  	v2 =	vld.idx.msk [tilespmem:v2+s3+$0x0], $0xffff;
	_ =	sdelay $0x1  }
0x1bc: {  	v3 =	vld [tilespmem:$0xEF10];
	_ =	sdelay $0x2  }
0x1bd: {  	v2 =	vmul.f32 v2, v0;
	_ =	sdelay $0x1  }
0x1be: {  	s28 =	sadd.s32 $0x320, s21;
	s29 =	sadd.s32 $0x320, s23;
	v2 =	vadd.f32 v3, v2  }
0x1bf: {  	s25 =	sand.u32 $0x70, s28;
	s26 =	sand.u32 $0x7F80, s29  }
0x1c0: {  	s25 =	sor.u32 s25, s26;
	[tilespmem:s22+$0xF0] =	vst v2  }
0x1c1: {  	v2 =	vld [tilespmem:s25+$0x8480];
	_ =	sdelay $0x4  }
0x1c2: {  	v2 =	vsub.s32 v2, v1;
	_ =	sdelay $0x4  }
0x1c3: {  	v2 =	vld.idx.msk [tilespmem:v2+s3+$0x0], $0xffff;
	_ =	sdelay $0x1  }
0x1c4: {  	v3 =	vld [tilespmem:$0xEF20];
	_ =	sdelay $0x2  }
0x1c5: {  	v2 =	vmul.f32 v2, v0;
	_ =	sdelay $0x1  }
0x1c6: {  	s30 =	sadd.s32 $0x330, s21;
	s31 =	sadd.s32 $0x330, s23;
	v2 =	vadd.f32 v3, v2  }
0x1c7: {  	s26 =	sand.u32 $0x7F80, s31;
	s25 =	sand.u32 $0x70, s30  }
0x1c8: {  	s25 =	sor.u32 s25, s26;
	[tilespmem:s22+$0x100] =	vst v2  }
0x1c9: {  	v2 =	vld [tilespmem:s25+$0x8480];
	_ =	sdelay $0x4  }
0x1ca: {  	v2 =	vsub.s32 v2, v1;
	_ =	sdelay $0x4  }
0x1cb: {  	v2 =	vld.idx.msk [tilespmem:v2+s3+$0x0], $0xffff;
	_ =	sdelay $0x1  }
0x1cc: {  	v3 =	vld [tilespmem:$0xEF30];
	_ =	sdelay $0x2  }
0x1cd: {  	v2 =	vmul.f32 v2, v0;
	_ =	sdelay $0x1  }
0x1ce: {  	s28 =	sadd.s32 $0x340, s21;
	s29 =	sadd.s32 $0x340, s23;
	v2 =	vadd.f32 v3, v2  }
0x1cf: {  	s26 =	sand.u32 $0x7F80, s29;
	s25 =	sand.u32 $0x70, s28  }
0x1d0: {  	s25 =	sor.u32 s25, s26;
	[tilespmem:s22+$0x110] =	vst v2  }
0x1d1: {  	v2 =	vld [tilespmem:s25+$0x8480];
	_ =	sdelay $0x4  }
0x1d2: {  	v2 =	vsub.s32 v2, v1;
	_ =	sdelay $0x4  }
0x1d3: {  	v2 =	vld.idx.msk [tilespmem:v2+s3+$0x0], $0xffff;
	_ =	sdelay $0x1  }
0x1d4: {  	v3 =	vld [tilespmem:$0xEF40];
	_ =	sdelay $0x2  }
0x1d5: {  	v2 =	vmul.f32 v2, v0;
	_ =	sdelay $0x1  }
0x1d6: {  	s31 =	sadd.s32 $0x350, s23;
	s30 =	sadd.s32 $0x350, s21;
	v2 =	vadd.f32 v3, v2  }
0x1d7: {  	s26 =	sand.u32 $0x7F80, s31;
	s25 =	sand.u32 $0x70, s30  }
0x1d8: {  	s25 =	sor.u32 s25, s26;
	[tilespmem:s22+$0x120] =	vst v2  }
0x1d9: {  	v2 =	vld [tilespmem:s25+$0x8480];
	_ =	sdelay $0x4  }
0x1da: {  	v2 =	vsub.s32 v2, v1;
	_ =	sdelay $0x4  }
0x1db: {  	v2 =	vld.idx.msk [tilespmem:v2+s3+$0x0], $0xffff;
	_ =	sdelay $0x1  }
0x1dc: {  	v3 =	vld [tilespmem:$0xEF50];
	_ =	sdelay $0x2  }
0x1dd: {  	v2 =	vmul.f32 v2, v0;
	_ =	sdelay $0x1  }
0x1de: {  	s29 =	sadd.s32 $0x360, s23;
	s28 =	sadd.s32 $0x360, s21;
	v2 =	vadd.f32 v3, v2  }
0x1df: {  	s26 =	sand.u32 $0x7F80, s29;
	s25 =	sand.u32 $0x70, s28  }
0x1e0: {  	s25 =	sor.u32 s25, s26;
	[tilespmem:s22+$0x130] =	vst v2  }
0x1e1: {  	v2 =	vld [tilespmem:s25+$0x8480];
	_ =	sdelay $0x4  }
0x1e2: {  	v2 =	vsub.s32 v2, v1;
	_ =	sdelay $0x4  }
0x1e3: {  	v2 =	vld.idx.msk [tilespmem:v2+s3+$0x0], $0xffff;
	_ =	sdelay $0x1  }
0x1e4: {  	v3 =	vld [tilespmem:$0xEF60];
	_ =	sdelay $0x2  }
0x1e5: {  	v2 =	vmul.f32 v2, v0;
	_ =	sdelay $0x1  }
0x1e6: {  	s31 =	sadd.s32 $0x370, s23;
	s30 =	sadd.s32 $0x370, s21;
	v2 =	vadd.f32 v3, v2  }
0x1e7: {  	s26 =	sand.u32 $0x7F80, s31;
	s25 =	sand.u32 $0x70, s30  }
0x1e8: {  	s25 =	sor.u32 s25, s26;
	[tilespmem:s22+$0x140] =	vst v2  }
0x1e9: {  	v2 =	vld [tilespmem:s25+$0x8480];
	_ =	sdelay $0x4  }
0x1ea: {  	v2 =	vsub.s32 v2, v1;
	_ =	sdelay $0x4  }
0x1eb: {  	v2 =	vld.idx.msk [tilespmem:v2+s3+$0x0], $0xffff;
	_ =	sdelay $0x1  }
0x1ec: {  	v3 =	vld [tilespmem:$0xEF70];
	_ =	sdelay $0x2  }
0x1ed: {  	v2 =	vmul.f32 v2, v0;
	_ =	sdelay $0x1  }
0x1ee: {  	s28 =	sadd.s32 $0x380, s23;
	v2 =	vadd.f32 v3, v2  }
0x1ef: {  	s25 =	sand.u32 $0x7F80, s28  }
0x1f0: {  	s25 =	sor.u32 s24, s25;
	[tilespmem:s22+$0x150] =	vst v2  }
0x1f1: {  	v2 =	vld [tilespmem:s25+$0x8480];
	_ =	sdelay $0x4  }
0x1f2: {  	v2 =	vsub.s32 v2, v1;
	_ =	sdelay $0x4  }
0x1f3: {  	v2 =	vld.idx.msk [tilespmem:v2+s3+$0x0], $0xffff;
	_ =	sdelay $0x1  }
0x1f4: {  	v3 =	vld [tilespmem:$0xEF80];
	_ =	sdelay $0x2  }
0x1f5: {  	v2 =	vmul.f32 v2, v0  }
0x1f6: {  	s29 =	sadd.s32 $0x380, s21  }
0x1f7: {  	s31 =	sadd.s32 $0x390, s23;
	s30 =	sadd.s32 $0x390, s21;
	s25 =	sand.u32 $0x3F80, s29;
	v2 =	vadd.f32 v3, v2  }
0x1f8: {  	s26 =	sand.u32 $0x70, s30;
	s28 =	sand.u32 $0x7F80, s31;
	s25 =	sor.u32 s24, s25  }
0x1f9: {  	s26 =	sor.u32 s26, s28;
	[tilespmem:s25+$0xC980] =	vst v2  }
0x1fa: {  	v2 =	vld [tilespmem:s26+$0x8480];
	_ =	sdelay $0x4  }
0x1fb: {  	v2 =	vsub.s32 v2, v1;
	_ =	sdelay $0x4  }
0x1fc: {  	v2 =	vld.idx.msk [tilespmem:v2+s3+$0x0], $0xffff;
	_ =	sdelay $0x1  }
0x1fd: {  	v3 =	vld [tilespmem:$0xEF90];
	_ =	sdelay $0x2  }
0x1fe: {  	v2 =	vmul.f32 v2, v0;
	_ =	sdelay $0x1  }
0x1ff: {  	s28 =	sadd.s32 $0x3A0, s21;
	s29 =	sadd.s32 $0x3A0, s23;
	v2 =	vadd.f32 v3, v2  }
0x200: {  	s25 =	sand.u32 $0x70, s28;
	s26 =	sand.u32 $0x7F80, s29  }
0x201: {  	s25 =	sor.u32 s25, s26;
	[tilespmem:s22+$0x170] =	vst v2  }
0x202: {  	v2 =	vld [tilespmem:s25+$0x8480];
	_ =	sdelay $0x4  }
0x203: {  	v2 =	vsub.s32 v2, v1;
	_ =	sdelay $0x4  }
0x204: {  	v2 =	vld.idx.msk [tilespmem:v2+s3+$0x0], $0xffff;
	_ =	sdelay $0x1  }
0x205: {  	v3 =	vld [tilespmem:$0xEFA0];
	_ =	sdelay $0x2  }
0x206: {  	v2 =	vmul.f32 v2, v0;
	_ =	sdelay $0x1  }
0x207: {  	s30 =	sadd.s32 $0x3B0, s21;
	s31 =	sadd.s32 $0x3B0, s23;
	v2 =	vadd.f32 v3, v2  }
0x208: {  	s26 =	sand.u32 $0x7F80, s31;
	s25 =	sand.u32 $0x70, s30  }
0x209: {  	s25 =	sor.u32 s25, s26;
	[tilespmem:s22+$0x180] =	vst v2  }
0x20a: {  	v2 =	vld [tilespmem:s25+$0x8480];
	_ =	sdelay $0x4  }
0x20b: {  	v2 =	vsub.s32 v2, v1;
	_ =	sdelay $0x4  }
0x20c: {  	v2 =	vld.idx.msk [tilespmem:v2+s3+$0x0], $0xffff;
	_ =	sdelay $0x1  }
0x20d: {  	v3 =	vld [tilespmem:$0xEFB0];
	_ =	sdelay $0x2  }
0x20e: {  	v2 =	vmul.f32 v2, v0;
	_ =	sdelay $0x1  }
0x20f: {  	s28 =	sadd.s32 $0x3C0, s21;
	s29 =	sadd.s32 $0x3C0, s23;
	v2 =	vadd.f32 v3, v2  }
0x210: {  	s26 =	sand.u32 $0x7F80, s29;
	s25 =	sand.u32 $0x70, s28  }
0x211: {  	s25 =	sor.u32 s25, s26;
	[tilespmem:s22+$0x190] =	vst v2  }
0x212: {  	v2 =	vld [tilespmem:s25+$0x8480];
	_ =	sdelay $0x4  }
0x213: {  	v2 =	vsub.s32 v2, v1;
	_ =	sdelay $0x4  }
0x214: {  	v2 =	vld.idx.msk [tilespmem:v2+s3+$0x0], $0xffff;
	_ =	sdelay $0x1  }
0x215: {  	v3 =	vld [tilespmem:$0xEFC0];
	_ =	sdelay $0x2  }
0x216: {  	v2 =	vmul.f32 v2, v0;
	_ =	sdelay $0x1  }
0x217: {  	s31 =	sadd.s32 $0x3D0, s23;
	s30 =	sadd.s32 $0x3D0, s21;
	v2 =	vadd.f32 v3, v2  }
0x218: {  	s26 =	sand.u32 $0x7F80, s31;
	s25 =	sand.u32 $0x70, s30  }
0x219: {  	s25 =	sor.u32 s25, s26;
	[tilespmem:s22+$0x1A0] =	vst v2  }
0x21a: {  	v2 =	vld [tilespmem:s25+$0x8480];
	_ =	sdelay $0x4  }
0x21b: {  	v2 =	vsub.s32 v2, v1;
	_ =	sdelay $0x4  }
0x21c: {  	v2 =	vld.idx.msk [tilespmem:v2+s3+$0x0], $0xffff;
	_ =	sdelay $0x1  }
0x21d: {  	v3 =	vld [tilespmem:$0xEFD0];
	_ =	sdelay $0x2  }
0x21e: {  	v2 =	vmul.f32 v2, v0;
	_ =	sdelay $0x1  }
0x21f: {  	s29 =	sadd.s32 $0x3E0, s23;
	s28 =	sadd.s32 $0x3E0, s21;
	v2 =	vadd.f32 v3, v2  }
0x220: {  	s26 =	sand.u32 $0x7F80, s29;
	s25 =	sand.u32 $0x70, s28  }
0x221: {  	s25 =	sor.u32 s25, s26;
	[tilespmem:s22+$0x1B0] =	vst v2  }
0x222: {  	v2 =	vld [tilespmem:s25+$0x8480];
	_ =	sdelay $0x4  }
0x223: {  	v2 =	vsub.s32 v2, v1;
	_ =	sdelay $0x4  }
0x224: {  	v2 =	vld.idx.msk [tilespmem:v2+s3+$0x0], $0xffff;
	_ =	sdelay $0x1  }
0x225: {  	v3 =	vld [tilespmem:$0xEFE0];
	_ =	sdelay $0x2  }
0x226: {  	v2 =	vmul.f32 v2, v0;
	_ =	sdelay $0x1  }
0x227: {  	s31 =	sadd.s32 $0x3F0, s23;
	s30 =	sadd.s32 $0x3F0, s21;
	v2 =	vadd.f32 v3, v2  }
0x228: {  	s26 =	sand.u32 $0x7F80, s31;
	s25 =	sand.u32 $0x70, s30  }
0x229: {  	s25 =	sor.u32 s25, s26;
	[tilespmem:s22+$0x1C0] =	vst v2  }
0x22a: {  	v2 =	vld [tilespmem:s25+$0x8480];
	_ =	sdelay $0x4  }
0x22b: {  	v2 =	vsub.s32 v2, v1;
	_ =	sdelay $0x4  }
0x22c: {  	v2 =	vld.idx.msk [tilespmem:v2+s3+$0x0], $0xffff;
	_ =	sdelay $0x1  }
0x22d: {  	v3 =	vld [tilespmem:$0xEFF0];
	_ =	sdelay $0x2  }
0x22e: {  	v2 =	vmul.f32 v2, v0;
	_ =	sdelay $0x1  }
0x22f: {  	s26 =	sadd.s32 $0x400, s23;
	v2 =	vadd.f32 v3, v2  }
0x230: {  	s25 =	sand.u32 $0x7F80, s26  }
0x231: {  	s25 =	sor.u32 s24, s25;
	[tilespmem:s22+$0x1D0] =	vst v2  }
0x232: {  	v2 =	vld [tilespmem:s25+$0x8480];
	_ =	sdelay $0x4  }
0x233: {  	v2 =	vsub.s32 v2, v1;
	_ =	sdelay $0x4  }
0x234: {  	v2 =	vld.idx.msk [tilespmem:v2+s3+$0x0], $0xffff;
	_ =	sdelay $0x1  }
0x235: {  	v3 =	vld [tilespmem:$0xF000];
	_ =	sdelay $0x2  }
0x236: {  	v2 =	vmul.f32 v2, v0  }
0x237: {  	s28 =	sadd.s32 $0x400, s21  }
0x238: {  	s29 =	sadd.s32 $0x410, s21;
	s30 =	sadd.s32 $0x410, s23;
	s25 =	sand.u32 $0x3F80, s28;
	v2 =	vadd.f32 v3, v2  }
0x239: {  	s31 =	sand.u32 $0x7F80, s30;
	s26 =	sand.u32 $0x70, s29;
	s24 =	sor.u32 s24, s25  }
0x23a: {  	s25 =	sor.u32 s26, s31;
	[tilespmem:s24+$0xC980] =	vst v2  }
0x23b: {  	v2 =	vld [tilespmem:s25+$0x8480];
	_ =	sdelay $0x4  }
0x23c: {  	v2 =	vsub.s32 v2, v1;
	_ =	sdelay $0x4  }
0x23d: {  	v2 =	vld.idx.msk [tilespmem:v2+s3+$0x0], $0xffff;
	_ =	sdelay $0x1  }
0x23e: {  	v3 =	vld [tilespmem:$0xF010];
	_ =	sdelay $0x2  }
0x23f: {  	v2 =	vmul.f32 v2, v0;
	_ =	sdelay $0x1  }
0x240: {  	s28 =	sadd.s32 $0x420, s23;
	s26 =	sadd.s32 $0x420, s21;
	v2 =	vadd.f32 v3, v2  }
0x241: {  	s24 =	sand.u32 $0x70, s26;
	s25 =	sand.u32 $0x7F80, s28  }
0x242: {  	s24 =	sor.u32 s24, s25;
	[tilespmem:s22+$0x1F0] =	vst v2  }
0x243: {  	v2 =	vld [tilespmem:s24+$0x8480];
	_ =	sdelay $0x4  }
0x244: {  	v2 =	vsub.s32 v2, v1;
	_ =	sdelay $0x4  }
0x245: {  	v2 =	vld.idx.msk [tilespmem:v2+s3+$0x0], $0xffff;
	_ =	sdelay $0x1  }
0x246: {  	v3 =	vld [tilespmem:$0xF020];
	_ =	sdelay $0x2  }
0x247: {  	v2 =	vmul.f32 v2, v0;
	_ =	sdelay $0x1  }
0x248: {  	s30 =	sadd.s32 $0x430, s23;
	s29 =	sadd.s32 $0x430, s21;
	v2 =	vadd.f32 v3, v2  }
0x249: {  	s25 =	sand.u32 $0x7F80, s30;
	s24 =	sand.u32 $0x70, s29  }
0x24a: {  	s24 =	sor.u32 s24, s25;
	[tilespmem:s22+$0x200] =	vst v2  }
0x24b: {  	v2 =	vld [tilespmem:s24+$0x8480];
	_ =	sdelay $0x4  }
0x24c: {  	v2 =	vsub.s32 v2, v1;
	_ =	sdelay $0x4  }
0x24d: {  	v2 =	vld.idx.msk [tilespmem:v2+s3+$0x0], $0xffff;
	_ =	sdelay $0x1  }
0x24e: {  	v3 =	vld [tilespmem:$0xF030];
	_ =	sdelay $0x2  }
0x24f: {  	v2 =	vmul.f32 v2, v0;
	_ =	sdelay $0x1  }
0x250: {  	s23 =	sadd.s32 $0x440, s23;
	s31 =	sadd.s32 $0x440, s21;
	v2 =	vadd.f32 v3, v2  }
0x251: {  	s23 =	sand.u32 $0x7F80, s23;
	s24 =	sand.u32 $0x70, s31  }
0x252: {  	s23 =	sor.u32 s24, s23;
	[tilespmem:s22+$0x210] =	vst v2  }
0x253: {  	v2 =	vld [tilespmem:s23+$0x8480];
	_ =	sdelay $0x4  }
0x254: {  	v2 =	vsub.s32 v2, v1;
	_ =	sdelay $0x4  }
0x255: {  	v2 =	vld.idx.msk [tilespmem:v2+s3+$0x0], $0xffff;
	_ =	sdelay $0x1  }
0x256: {  	v3 =	vld [tilespmem:$0xF040];
	_ =	sdelay $0x1  }
0x257: {  	p1 =	sne.s32 s21, $0x1E30  }
.Ltmp0:
0x258: {  	v2 =	vmul.f32 v2, v0;
	(pc) =	sbr.rel @p1 .LBB2_3-.Ltmp0, $3  }
0x259: {  	_ = 	snop  }
0x25a: {  	v2 =	vadd.f32 v3, v2;
	_ =	sdelay $0x1  }
0x25b: {  	s21 =	sadd.s32 $0x450, s21;
	[tilespmem:s22+$0x220] =	vst v2;
	s22 =	sadd.s32 $0x450, s22  }
0x25c: {  	s19 =	smul.u32 $0x114, s19;
	_ =	sdelay $0x1  }
0x25d: {  	p1 =	sne.s32 s20, $0x10;
	s19 =	sshrl.u32 s19, $0x3  }
.Ltmp1:
0x25e: {  	s19 =	sadd.s32 s7, s19;
	(pc) =	sbr.rel @p1 .LBB2_2-.Ltmp1, $4  }
0x25f: {  	[hbm4b:s19+s3] =	stream.linear.scatter [tilespmem:s17], [sflag:$0x2], $0x2280, $0x38;
	[tilespmem:$0xF100] =	vst v63  }
0x260: {  	_ =	swait.ge [sflag:s13], $0x2280  }
0x261: {  	[sflag:s13] =	ssyncset.done $0x0  }
0x262: {  	p0 =	por !p0, !p0;
	[sflag:s13] =	ssyncadd.s32 $0xFFFFDD80  }
0x263: {  	s18 =	sadd.s32 $0x1, s18  }
0x264: {  	p0 =	sne.s32 s18, s11  }
.Ltmp2:
0x265: {  	_ = 	snop;
	(pc) =	sbr.rel @p0 .LBB2_1-.Ltmp2, $1  }
0x266: {  	_ =	sdelay $0x3  }
0x267: {  	_ =	sfence.sel $0x180000  }
0x268: {  	[bflag:$0x0] =	sbarrier.arrive $0xFFFF  }
0x269: {  	p0 =	sne.s32 s1, $0x0;
	_ =	strace $0x90000047  }
0x26a: {  	s0 =	sadd.s32 @!p0 $0x100000, s0;
	[bflag:$0x2] =	sbarrier.arrive $0xFFFF  }
0x26b: {  	[sflag:s0] =	ssyncadd.tile.s32 @!p0 $0x1;
	_ =	shalt  }
.Lfunc_end2:
_tile_overlayer_lowered:
.L_overlay_start_2:
0x26c: {  	(tag) =	ssettag $0x2  }
0x26d: {  	s0 =	rddreg [dreg:$0x0];
	s2 =	stileid.u32  }
0x26e: {  	s1 =	rddreg [dreg:$0x1];
	p0 =	sne.s32 s2, $0x0  }
0x26f: {  	s3 =	rddreg [dreg:$0x2];
	[bflag:$0x3] =	sbarrier.arrive $0xFFFF;
	s2 =	simm.s32 @!p0 $0x1C02  }
0x270: {  	[timem:s3], [sflag:s2] =	dma.local @!p0 [hbm:s0], s1  }
0x271: {  	s0 =	simm.s32 @!p0 $0x2  }
0x272: {  	_ =	swait.ge @!p0 [sflag:s0], s1  }
0x273: {  	s1 =	ssub.s32 @!p0 $0x0, s1;
	[sflag:s0] =	ssyncset.done @!p0 $0x0  }
0x274: {  	[sflag:s0] =	ssyncadd.s32 @!p0 s1  }
0x275: {  	[bflag:$0x3] =	sbarrier.arrive $0xFFFF  }
0x276: {  	_ =	shalt  }

</sc_bundles>
